<compile_context>
chip_gen: v7x
topology: tpu7x:2x2x1
jax: 0.10.2.dev20260603
libtpu: 0.0.44.dev20260713+nightly
codegen_flags: <defaults>
</compile_context>

<pallas_src>
import jax
import jax.numpy as jnp
from jax import lax
from jax.experimental import pallas as pl
from jax.experimental.pallas import tpu as pltpu
from jax.experimental.pallas import tpu_sc as plsc

NC, NS, L = 2, 16, 16
NW = NC * NS
B, C, H, W, M = 64, 16, 152, 152, 512
B_PER_W = B // NW
NPLANE = B_PER_W * C
MV = M // L
ACC_UNROLL = 2


def _body(feat_hbm, ind_hbm, mask_hbm, tgt_hbm, out_hbm,
          row_v, col_v, mki_v, mk_v, tg_v, plane0_v, plane1_v, stage_v,
          sem0, sem1):
    wid = lax.axis_index("s") * NC + lax.axis_index("c")
    b0 = wid * B_PER_W
    sems = (sem0, sem1)
    planes = (plane0_v, plane1_v)

    def plane_copy(p, slot):
        b = b0 + p // C
        c = p - (p // C) * C
        return pltpu.make_async_copy(
            feat_hbm.at[b, c], planes[slot], sems[slot])

    plane_copy(0, 0).start()
    plane_copy(1, 1).start()
    for i in range(B_PER_W):
        b = b0 + i
        pltpu.sync_copy(ind_hbm.at[b], row_v.at[i])
        pltpu.sync_copy(mask_hbm.at[b], mki_v.at[i])
        pltpu.sync_copy(tgt_hbm.at[b], tg_v.at[i])

        @plsc.parallel_loop(0, MV, unroll=4)
        def _split(t):
            v = row_v[i, pl.ds(t * L, L)]
            r = lax.div(v, W)
            col_v[i, pl.ds(t * L, L)] = v - r * W
            row_v[i, pl.ds(t * L, L)] = r
            mk_v[i, pl.ds(t * L, L)] = mki_v[i, pl.ds(t * L, L)].astype(
                jnp.float32)

    def pair_step(q, carry):
        acc0 = carry
        for slot in range(2):
            p = 2 * q + slot
            plane_copy(p, slot).wait()

            @pl.when(p + 2 < NPLANE)
            def _():
                plane_copy(p + 2, slot).start()

            i = p // C
            c = p - i * C
            plane = planes[slot]

            @plsc.parallel_loop(0, MV, unroll=ACC_UNROLL, carry=acc0)
            def accum(g, a):
                r = row_v[i, pl.ds(g * L, L)]
                cc = col_v[i, pl.ds(g * L, L)]
                pred = plsc.load_gather(plane, [r, cc])
                tg = tg_v[i, c, pl.ds(g * L, L)]
                mk = mk_v[i, pl.ds(g * L, L)]
                return a + mk * jnp.abs(pred - tg)

            acc0 = accum
        return acc0

    acc = lax.fori_loop(0, NPLANE // 2, pair_step,
                        jnp.zeros((L,), jnp.float32))

    @plsc.parallel_loop(0, B_PER_W * MV, unroll=4,
                        carry=jnp.zeros((L,), jnp.float32))
    def nv(t, a):
        return a + mk_v[t // MV, pl.ds((t - (t // MV) * MV) * L, L)]

    stage_v[...] = acc
    pltpu.sync_copy(stage_v, out_hbm.at[0, wid])
    stage_v[...] = nv
    pltpu.sync_copy(stage_v, out_hbm.at[1, wid])


@jax.jit
def kernel(output, mask, ind, target):
    tgt = jnp.swapaxes(target, 1, 2)

    mesh = plsc.VectorSubcoreMesh(core_axis_name="c", subcore_axis_name="s")
    parts = pl.kernel(
        _body,
        out_type=jax.ShapeDtypeStruct((2, NW, L), jnp.float32),
        mesh=mesh,
        compiler_params=pltpu.CompilerParams(needs_layout_passes=False),
        scratch_types=[
            pltpu.VMEM((B_PER_W, M), jnp.int32),
            pltpu.VMEM((B_PER_W, M), jnp.int32),
            pltpu.VMEM((B_PER_W, M), jnp.int32),
            pltpu.VMEM((B_PER_W, M), jnp.float32),
            pltpu.VMEM((B_PER_W, C, M), jnp.float32),
            pltpu.VMEM((H, W), jnp.float32),
            pltpu.VMEM((H, W), jnp.float32),
            pltpu.VMEM((L,), jnp.float32),
            pltpu.SemaphoreType.DMA,
            pltpu.SemaphoreType.DMA,
        ],
    )(output, ind, mask, tgt)

    sums = parts.sum(axis=(1, 2))
    s, n_valid = sums[0], sums[1]
    return jnp.where(n_valid > 0, s / jnp.maximum(n_valid, 1.0),
                     jnp.float32(0.0))

# --- scband reference (transcript-rebuilt; emitter-appended) ---
"""Pipeline reference for scband-center-net-res-loss-81381040325417 (READ-ONLY COPY).

The authoritative reference and input builder live on the scoring server;
editing this copy changes nothing except your own understanding.
"""

import jax, jax.numpy as jnp
import numpy as np


def setup_inputs(seed: int = 0) -> dict:
    key = jax.random.key(seed)
    k1, k2, k3, k4 = jax.random.split(key, 4)
    B, C, H, W, M = 64, 16, 152, 152, 512
    output = jax.random.normal(k1, (B, C, H, W), dtype=jnp.float32)
    mask = jax.random.randint(k2, (B, M), 0, 2, dtype=jnp.int32)
    ind = jax.random.randint(k3, (B, M), 0, H * W, dtype=jnp.int32)
    target = jax.random.normal(k4, (B, M, C), dtype=jnp.float32)
    return {"output": output, "mask": mask, "ind": ind, "target": target}


def reference(output, mask, ind, target):
    # _transpose_and_gather_feat: [B,C,H,W] -> [B,H*W,C] -> gather at ind -> [B,M,C]
    B, C, H, W = output.shape
    M = ind.shape[1]
    feat = jnp.transpose(output, (0, 2, 3, 1)).reshape(B, H * W, C)
    idx = jnp.broadcast_to(ind[:, :, None].astype(jnp.int32), (B, M, C))
    pred = jnp.take_along_axis(feat, idx, axis=1)

    pred_flat = pred.reshape(-1, C)
    target_flat = target.reshape(-1, C)
    w = mask.reshape(-1).astype(jnp.float32)  # boolean mask as 0/1 weights
    n_valid = w.sum()

    # res_func_type == 'l1': elementwise |pred - target|, reduction='none'
    diff = jnp.abs(pred_flat - target_flat)
    # loss.mean(dim=0) over valid rows, then .sum() over channels
    per_channel = (diff * w[:, None]).sum(axis=0) / jnp.maximum(n_valid, 1.0)
    loss = per_channel.sum()
    return jnp.where(n_valid > 0, loss, 0.0)

if __name__ == "__main__":
    import jax
    _d = setup_inputs()
    print(jax.jit(kernel)(*tuple(_d.values())))

</pallas_src>

<mosaic_0001>
#map = affine_map<(d0, d1) -> (0, 0, 0, 0)>
#map1 = affine_map<(d0, d1) -> (0, 0)>
#map2 = affine_map<(d0, d1) -> (0, 0, 0)>
module attributes {stable_mosaic.version = 14 : i64} {
  func.func @_body(%arg0: i32, %arg1: i32, %arg2: memref<64x16x152x152xf32, #tpu.memory_space<hbm>>, %arg3: memref<64x512xi32, #tpu.memory_space<hbm>>, %arg4: memref<64x512xi32, #tpu.memory_space<hbm>>, %arg5: memref<64x16x512xf32, #tpu.memory_space<hbm>>, %arg6: memref<2x32x16xf32, #tpu.memory_space<hbm>>, %arg7: memref<2x512xi32, #tpu.memory_space<vmem>>, %arg8: memref<2x512xi32, #tpu.memory_space<vmem>>, %arg9: memref<2x512xi32, #tpu.memory_space<vmem>>, %arg10: memref<2x512xf32, #tpu.memory_space<vmem>>, %arg11: memref<2x16x512xf32, #tpu.memory_space<vmem>>, %arg12: memref<152x152xf32, #tpu.memory_space<vmem>>, %arg13: memref<152x152xf32, #tpu.memory_space<vmem>>, %arg14: memref<16xf32, #tpu.memory_space<vmem>>, %arg15: memref<!tpu.dma_semaphore, #tpu.memory_space<semaphore_mem>>, %arg16: memref<!tpu.dma_semaphore, #tpu.memory_space<semaphore_mem>>) attributes {dimension_semantics = [#tpu.dimension_semantics<core_parallel>, #tpu.dimension_semantics<subcore_parallel>], iteration_bounds = array<i64: 2, 16>, scalar_prefetch = 0 : i64, scratch_operands = 10 : i64, tpu.core_type = #tpu.core_type<sc_vector_subcore>, window_params = [{transform_indices = #map}, {transform_indices = #map1}, {transform_indices = #map1}, {transform_indices = #map2}, {transform_indices = #map2}]} {
    %mul3A = arith.constant 2 : i32
    %mul3A_0 = arith.muli %arg1, %mul3A : i32
    %add3A = arith.addi %mul3A_0, %arg0 : i32
    %mul3A_1 = arith.constant 2 : i32
    %mul3A_2 = arith.muli %add3A, %mul3A_1 : i32
    %add3A_3 = arith.constant 0 : i32
    %add3A_4 = arith.addi %mul3A_2, %add3A_3 : i32
    %dma_start3A = arith.constant 0 : i32
    %dma_start3A_5 = arith.constant 0 : i32
    %dma_start3A_6 = arith.constant 0 : i32
    %dma_start3A_7 = tpu.memref_slice %arg2[%add3A_4, %dma_start3A, %dma_start3A_5, %dma_start3A_6] : memref<64x16x152x152xf32, #tpu.memory_space<hbm>> -> memref<1x1x152x152xf32, #tpu.memory_space<hbm>>
    %dma_start3A_8 = tpu.memref_squeeze %dma_start3A_7 : memref<1x1x152x152xf32, #tpu.memory_space<hbm>> -> memref<152x152xf32, #tpu.memory_space<hbm>>
    %dma_start3A_9 = arith.constant 0 : i32
    %dma_start3A_10 = arith.constant 0 : i32
    %dma_start3A_11 = tpu.memref_slice %arg2[%add3A_4, %dma_start3A, %dma_start3A_9, %dma_start3A_10] : memref<64x16x152x152xf32, #tpu.memory_space<hbm>> -> memref<1x1x152x152xf32, #tpu.memory_space<hbm>>
    %dma_start3A_12 = tpu.memref_squeeze %dma_start3A_11 : memref<1x1x152x152xf32, #tpu.memory_space<hbm>> -> memref<152x152xf32, #tpu.memory_space<hbm>>
    tpu.enqueue_dma source(%dma_start3A_12 : memref<152x152xf32, #tpu.memory_space<hbm>>) target(%arg12 : memref<152x152xf32, #tpu.memory_space<vmem>>) target_semaphore(%arg15 : memref<!tpu.dma_semaphore, #tpu.memory_space<semaphore_mem>>)
    %add3A_13 = arith.constant 0 : i32
    %add3A_14 = arith.addi %mul3A_2, %add3A_13 : i32
    %dma_start3A_15 = arith.constant 1 : i32
    %dma_start3A_16 = arith.constant 0 : i32
    %dma_start3A_17 = arith.constant 0 : i32
    %dma_start3A_18 = tpu.memref_slice %arg2[%add3A_14, %dma_start3A_15, %dma_start3A_16, %dma_start3A_17] : memref<64x16x152x152xf32, #tpu.memory_space<hbm>> -> memref<1x1x152x152xf32, #tpu.memory_space<hbm>>
    %dma_start3A_19 = tpu.memref_squeeze %dma_start3A_18 : memref<1x1x152x152xf32, #tpu.memory_space<hbm>> -> memref<152x152xf32, #tpu.memory_space<hbm>>
    %dma_start3A_20 = arith.constant 0 : i32
    %dma_start3A_21 = arith.constant 0 : i32
    %dma_start3A_22 = tpu.memref_slice %arg2[%add3A_14, %dma_start3A_15, %dma_start3A_20, %dma_start3A_21] : memref<64x16x152x152xf32, #tpu.memory_space<hbm>> -> memref<1x1x152x152xf32, #tpu.memory_space<hbm>>
    %dma_start3A_23 = tpu.memref_squeeze %dma_start3A_22 : memref<1x1x152x152xf32, #tpu.memory_space<hbm>> -> memref<152x152xf32, #tpu.memory_space<hbm>>
    tpu.enqueue_dma source(%dma_start3A_23 : memref<152x152xf32, #tpu.memory_space<hbm>>) target(%arg13 : memref<152x152xf32, #tpu.memory_space<vmem>>) target_semaphore(%arg16 : memref<!tpu.dma_semaphore, #tpu.memory_space<semaphore_mem>>)
    %add3A_24 = arith.constant 0 : i32
    %add3A_25 = arith.addi %mul3A_2, %add3A_24 : i32
    %run_scoped3A = arith.constant 0 : i32
    "tpu.region"() ({
      %run_scoped3A_55 = tpu.sem_alloc : memref<!tpu.dma_semaphore, #tpu.memory_space<semaphore_mem>>
      %dma_start3A_56 = arith.constant 0 : i32
      %dma_start3A_57 = tpu.memref_slice %arg7[%run_scoped3A, %dma_start3A_56] : memref<2x512xi32, #tpu.memory_space<vmem>> -> memref<1x512xi32, #tpu.memory_space<vmem>>
      %dma_start3A_58 = tpu.memref_squeeze %dma_start3A_57 : memref<1x512xi32, #tpu.memory_space<vmem>> -> memref<512xi32, #tpu.memory_space<vmem>>
      %dma_start3A_59 = arith.constant 0 : i32
      %dma_start3A_60 = tpu.memref_slice %arg3[%add3A_25, %dma_start3A_59] : memref<64x512xi32, #tpu.memory_space<hbm>> -> memref<1x512xi32, #tpu.memory_space<hbm>>
      %dma_start3A_61 = tpu.memref_squeeze %dma_start3A_60 : memref<1x512xi32, #tpu.memory_space<hbm>> -> memref<512xi32, #tpu.memory_space<hbm>>
      %dma_start3A_62 = arith.constant 0 : i32
      %dma_start3A_63 = tpu.memref_slice %arg7[%run_scoped3A, %dma_start3A_62] : memref<2x512xi32, #tpu.memory_space<vmem>> -> memref<1x512xi32, #tpu.memory_space<vmem>>
      %dma_start3A_64 = tpu.memref_squeeze %dma_start3A_63 : memref<1x512xi32, #tpu.memory_space<vmem>> -> memref<512xi32, #tpu.memory_space<vmem>>
      %dma_start3A_65 = arith.constant 0 : i32
      %dma_start3A_66 = tpu.memref_slice %arg3[%add3A_25, %dma_start3A_65] : memref<64x512xi32, #tpu.memory_space<hbm>> -> memref<1x512xi32, #tpu.memory_space<hbm>>
      %dma_start3A_67 = tpu.memref_squeeze %dma_start3A_66 : memref<1x512xi32, #tpu.memory_space<hbm>> -> memref<512xi32, #tpu.memory_space<hbm>>
      tpu.enqueue_dma source(%dma_start3A_67 : memref<512xi32, #tpu.memory_space<hbm>>) target(%dma_start3A_64 : memref<512xi32, #tpu.memory_space<vmem>>) target_semaphore(%run_scoped3A_55 : memref<!tpu.dma_semaphore, #tpu.memory_space<semaphore_mem>>)
      %dma_wait3A = arith.constant 0 : i32
      %dma_wait3A_68 = tpu.memref_slice %arg7[%run_scoped3A, %dma_wait3A] : memref<2x512xi32, #tpu.memory_space<vmem>> -> memref<1x512xi32, #tpu.memory_space<vmem>>
      %dma_wait3A_69 = tpu.memref_squeeze %dma_wait3A_68 : memref<1x512xi32, #tpu.memory_space<vmem>> -> memref<512xi32, #tpu.memory_space<vmem>>
      %dma_wait3A_70 = arith.constant 0 : i32
      %dma_wait3A_71 = tpu.memref_slice %arg3[%add3A_25, %dma_wait3A_70] : memref<64x512xi32, #tpu.memory_space<hbm>> -> memref<1x512xi32, #tpu.memory_space<hbm>>
      %dma_wait3A_72 = tpu.memref_squeeze %dma_wait3A_71 : memref<1x512xi32, #tpu.memory_space<hbm>> -> memref<512xi32, #tpu.memory_space<hbm>>
      %dma_wait3A_73 = arith.constant 0 : i32
      %dma_wait3A_74 = tpu.memref_slice %arg7[%run_scoped3A, %dma_wait3A_73] : memref<2x512xi32, #tpu.memory_space<vmem>> -> memref<1x512xi32, #tpu.memory_space<vmem>>
      %dma_wait3A_75 = tpu.memref_squeeze %dma_wait3A_74 : memref<1x512xi32, #tpu.memory_space<vmem>> -> memref<512xi32, #tpu.memory_space<vmem>>
      %dma_wait3A_76 = arith.constant 0 : i32
      %dma_wait3A_77 = tpu.memref_slice %arg3[%add3A_25, %dma_wait3A_76] : memref<64x512xi32, #tpu.memory_space<hbm>> -> memref<1x512xi32, #tpu.memory_space<hbm>>
      %dma_wait3A_78 = tpu.memref_squeeze %dma_wait3A_77 : memref<1x512xi32, #tpu.memory_space<hbm>> -> memref<512xi32, #tpu.memory_space<hbm>>
      tpu.wait_dma2 semaphore(%run_scoped3A_55 : memref<!tpu.dma_semaphore, #tpu.memory_space<semaphore_mem>>) src(%dma_wait3A_78 : memref<512xi32, #tpu.memory_space<hbm>>) dst(%dma_wait3A_75 : memref<512xi32, #tpu.memory_space<vmem>>)
      tpu.yield
    }) : () -> ()
    %run_scoped3A_26 = arith.constant 0 : i32
    "tpu.region"() ({
      %run_scoped3A_55 = tpu.sem_alloc : memref<!tpu.dma_semaphore, #tpu.memory_space<semaphore_mem>>
      %dma_start3A_56 = arith.constant 0 : i32
      %dma_start3A_57 = tpu.memref_slice %arg9[%run_scoped3A_26, %dma_start3A_56] : memref<2x512xi32, #tpu.memory_space<vmem>> -> memref<1x512xi32, #tpu.memory_space<vmem>>
      %dma_start3A_58 = tpu.memref_squeeze %dma_start3A_57 : memref<1x512xi32, #tpu.memory_space<vmem>> -> memref<512xi32, #tpu.memory_space<vmem>>
      %dma_start3A_59 = arith.constant 0 : i32
      %dma_start3A_60 = tpu.memref_slice %arg4[%add3A_25, %dma_start3A_59] : memref<64x512xi32, #tpu.memory_space<hbm>> -> memref<1x512xi32, #tpu.memory_space<hbm>>
      %dma_start3A_61 = tpu.memref_squeeze %dma_start3A_60 : memref<1x512xi32, #tpu.memory_space<hbm>> -> memref<512xi32, #tpu.memory_space<hbm>>
      %dma_start3A_62 = arith.constant 0 : i32
      %dma_start3A_63 = tpu.memref_slice %arg9[%run_scoped3A_26, %dma_start3A_62] : memref<2x512xi32, #tpu.memory_space<vmem>> -> memref<1x512xi32, #tpu.memory_space<vmem>>
      %dma_start3A_64 = tpu.memref_squeeze %dma_start3A_63 : memref<1x512xi32, #tpu.memory_space<vmem>> -> memref<512xi32, #tpu.memory_space<vmem>>
      %dma_start3A_65 = arith.constant 0 : i32
      %dma_start3A_66 = tpu.memref_slice %arg4[%add3A_25, %dma_start3A_65] : memref<64x512xi32, #tpu.memory_space<hbm>> -> memref<1x512xi32, #tpu.memory_space<hbm>>
      %dma_start3A_67 = tpu.memref_squeeze %dma_start3A_66 : memref<1x512xi32, #tpu.memory_space<hbm>> -> memref<512xi32, #tpu.memory_space<hbm>>
      tpu.enqueue_dma source(%dma_start3A_67 : memref<512xi32, #tpu.memory_space<hbm>>) target(%dma_start3A_64 : memref<512xi32, #tpu.memory_space<vmem>>) target_semaphore(%run_scoped3A_55 : memref<!tpu.dma_semaphore, #tpu.memory_space<semaphore_mem>>)
      %dma_wait3A = arith.constant 0 : i32
      %dma_wait3A_68 = tpu.memref_slice %arg9[%run_scoped3A_26, %dma_wait3A] : memref<2x512xi32, #tpu.memory_space<vmem>> -> memref<1x512xi32, #tpu.memory_space<vmem>>
      %dma_wait3A_69 = tpu.memref_squeeze %dma_wait3A_68 : memref<1x512xi32, #tpu.memory_space<vmem>> -> memref<512xi32, #tpu.memory_space<vmem>>
      %dma_wait3A_70 = arith.constant 0 : i32
      %dma_wait3A_71 = tpu.memref_slice %arg4[%add3A_25, %dma_wait3A_70] : memref<64x512xi32, #tpu.memory_space<hbm>> -> memref<1x512xi32, #tpu.memory_space<hbm>>
      %dma_wait3A_72 = tpu.memref_squeeze %dma_wait3A_71 : memref<1x512xi32, #tpu.memory_space<hbm>> -> memref<512xi32, #tpu.memory_space<hbm>>
      %dma_wait3A_73 = arith.constant 0 : i32
      %dma_wait3A_74 = tpu.memref_slice %arg9[%run_scoped3A_26, %dma_wait3A_73] : memref<2x512xi32, #tpu.memory_space<vmem>> -> memref<1x512xi32, #tpu.memory_space<vmem>>
      %dma_wait3A_75 = tpu.memref_squeeze %dma_wait3A_74 : memref<1x512xi32, #tpu.memory_space<vmem>> -> memref<512xi32, #tpu.memory_space<vmem>>
      %dma_wait3A_76 = arith.constant 0 : i32
      %dma_wait3A_77 = tpu.memref_slice %arg4[%add3A_25, %dma_wait3A_76] : memref<64x512xi32, #tpu.memory_space<hbm>> -> memref<1x512xi32, #tpu.memory_space<hbm>>
      %dma_wait3A_78 = tpu.memref_squeeze %dma_wait3A_77 : memref<1x512xi32, #tpu.memory_space<hbm>> -> memref<512xi32, #tpu.memory_space<hbm>>
      tpu.wait_dma2 semaphore(%run_scoped3A_55 : memref<!tpu.dma_semaphore, #tpu.memory_space<semaphore_mem>>) src(%dma_wait3A_78 : memref<512xi32, #tpu.memory_space<hbm>>) dst(%dma_wait3A_75 : memref<512xi32, #tpu.memory_space<vmem>>)
      tpu.yield
    }) : () -> ()
    %run_scoped3A_27 = arith.constant 0 : i32
    "tpu.region"() ({
      %run_scoped3A_55 = tpu.sem_alloc : memref<!tpu.dma_semaphore, #tpu.memory_space<semaphore_mem>>
      %dma_start3A_56 = arith.constant 0 : i32
      %dma_start3A_57 = arith.constant 0 : i32
      %dma_start3A_58 = tpu.memref_slice %arg11[%run_scoped3A_27, %dma_start3A_56, %dma_start3A_57] : memref<2x16x512xf32, #tpu.memory_space<vmem>> -> memref<1x16x512xf32, #tpu.memory_space<vmem>>
      %dma_start3A_59 = tpu.memref_squeeze %dma_start3A_58 : memref<1x16x512xf32, #tpu.memory_space<vmem>> -> memref<16x512xf32, #tpu.memory_space<vmem>>
      %dma_start3A_60 = arith.constant 0 : i32
      %dma_start3A_61 = arith.constant 0 : i32
      %dma_start3A_62 = tpu.memref_slice %arg5[%add3A_25, %dma_start3A_60, %dma_start3A_61] : memref<64x16x512xf32, #tpu.memory_space<hbm>> -> memref<1x16x512xf32, #tpu.memory_space<hbm>>
      %dma_start3A_63 = tpu.memref_squeeze %dma_start3A_62 : memref<1x16x512xf32, #tpu.memory_space<hbm>> -> memref<16x512xf32, #tpu.memory_space<hbm>>
      %dma_start3A_64 = arith.constant 0 : i32
      %dma_start3A_65 = arith.constant 0 : i32
      %dma_start3A_66 = tpu.memref_slice %arg11[%run_scoped3A_27, %dma_start3A_64, %dma_start3A_65] : memref<2x16x512xf32, #tpu.memory_space<vmem>> -> memref<1x16x512xf32, #tpu.memory_space<vmem>>
      %dma_start3A_67 = tpu.memref_squeeze %dma_start3A_66 : memref<1x16x512xf32, #tpu.memory_space<vmem>> -> memref<16x512xf32, #tpu.memory_space<vmem>>
      %dma_start3A_68 = arith.constant 0 : i32
      %dma_start3A_69 = arith.constant 0 : i32
      %dma_start3A_70 = tpu.memref_slice %arg5[%add3A_25, %dma_start3A_68, %dma_start3A_69] : memref<64x16x512xf32, #tpu.memory_space<hbm>> -> memref<1x16x512xf32, #tpu.memory_space<hbm>>
      %dma_start3A_71 = tpu.memref_squeeze %dma_start3A_70 : memref<1x16x512xf32, #tpu.memory_space<hbm>> -> memref<16x512xf32, #tpu.memory_space<hbm>>
      tpu.enqueue_dma source(%dma_start3A_71 : memref<16x512xf32, #tpu.memory_space<hbm>>) target(%dma_start3A_67 : memref<16x512xf32, #tpu.memory_space<vmem>>) target_semaphore(%run_scoped3A_55 : memref<!tpu.dma_semaphore, #tpu.memory_space<semaphore_mem>>)
      %dma_wait3A = arith.constant 0 : i32
      %dma_wait3A_72 = arith.constant 0 : i32
      %dma_wait3A_73 = tpu.memref_slice %arg11[%run_scoped3A_27, %dma_wait3A, %dma_wait3A_72] : memref<2x16x512xf32, #tpu.memory_space<vmem>> -> memref<1x16x512xf32, #tpu.memory_space<vmem>>
      %dma_wait3A_74 = tpu.memref_squeeze %dma_wait3A_73 : memref<1x16x512xf32, #tpu.memory_space<vmem>> -> memref<16x512xf32, #tpu.memory_space<vmem>>
      %dma_wait3A_75 = arith.constant 0 : i32
      %dma_wait3A_76 = arith.constant 0 : i32
      %dma_wait3A_77 = tpu.memref_slice %arg5[%add3A_25, %dma_wait3A_75, %dma_wait3A_76] : memref<64x16x512xf32, #tpu.memory_space<hbm>> -> memref<1x16x512xf32, #tpu.memory_space<hbm>>
      %dma_wait3A_78 = tpu.memref_squeeze %dma_wait3A_77 : memref<1x16x512xf32, #tpu.memory_space<hbm>> -> memref<16x512xf32, #tpu.memory_space<hbm>>
      %dma_wait3A_79 = arith.constant 0 : i32
      %dma_wait3A_80 = arith.constant 0 : i32
      %dma_wait3A_81 = tpu.memref_slice %arg11[%run_scoped3A_27, %dma_wait3A_79, %dma_wait3A_80] : memref<2x16x512xf32, #tpu.memory_space<vmem>> -> memref<1x16x512xf32, #tpu.memory_space<vmem>>
      %dma_wait3A_82 = tpu.memref_squeeze %dma_wait3A_81 : memref<1x16x512xf32, #tpu.memory_space<vmem>> -> memref<16x512xf32, #tpu.memory_space<vmem>>
      %dma_wait3A_83 = arith.constant 0 : i32
      %dma_wait3A_84 = arith.constant 0 : i32
      %dma_wait3A_85 = tpu.memref_slice %arg5[%add3A_25, %dma_wait3A_83, %dma_wait3A_84] : memref<64x16x512xf32, #tpu.memory_space<hbm>> -> memref<1x16x512xf32, #tpu.memory_space<hbm>>
      %dma_wait3A_86 = tpu.memref_squeeze %dma_wait3A_85 : memref<1x16x512xf32, #tpu.memory_space<hbm>> -> memref<16x512xf32, #tpu.memory_space<hbm>>
      tpu.wait_dma2 semaphore(%run_scoped3A_55 : memref<!tpu.dma_semaphore, #tpu.memory_space<semaphore_mem>>) src(%dma_wait3A_86 : memref<16x512xf32, #tpu.memory_space<hbm>>) dst(%dma_wait3A_82 : memref<16x512xf32, #tpu.memory_space<vmem>>)
      tpu.yield
    }) : () -> ()
    %parallel_loop3A = arith.constant 0 : i32
    %parallel_loop3A_28 = arith.constant 32 : i32
    %parallel_loop3A_29 = arith.constant 1 : i32
    scf.for %parallel_loop3A_55 = %parallel_loop3A to %parallel_loop3A_28 step %parallel_loop3A_29  : i32 {
      %parallel_loop3A_56 = arith.constant 16 : i32
      %parallel_loop3A_57 = arith.muli %parallel_loop3A_55, %parallel_loop3A_56 : i32
      %parallel_loop3A_58 = arith.constant 0 : i32
      %parallel_loop3A_59 = arith.index_cast %parallel_loop3A_58 : i32 to index
      %parallel_loop3A_60 = arith.index_cast %parallel_loop3A_57 : i32 to index
      %parallel_loop3A_61 = tpu.vector_load %arg7[%parallel_loop3A_59, %parallel_loop3A_60] {strides = array<i32>} : memref<2x512xi32, #tpu.memory_space<vmem>>, vector<16xi32>,
      %parallel_loop3A_62 = arith.constant 152 : i32
      %parallel_loop3A_63 = vector.broadcast %parallel_loop3A_62 : i32 to vector<16xi32>
      %parallel_loop3A_64 = arith.divsi %parallel_loop3A_61, %parallel_loop3A_63 : vector<16xi32>
      %parallel_loop3A_65 = arith.constant 152 : i32
      %parallel_loop3A_66 = vector.broadcast %parallel_loop3A_65 : i32 to vector<16xi32>
      %parallel_loop3A_67 = arith.muli %parallel_loop3A_64, %parallel_loop3A_66 : vector<16xi32>
      %parallel_loop3A_68 = arith.subi %parallel_loop3A_61, %parallel_loop3A_67 : vector<16xi32>
      %parallel_loop3A_69 = arith.constant 16 : i32
      %parallel_loop3A_70 = arith.muli %parallel_loop3A_55, %parallel_loop3A_69 : i32
      %parallel_loop3A_71 = arith.constant 0 : i32
      %parallel_loop3A_72 = arith.index_cast %parallel_loop3A_71 : i32 to index
      %parallel_loop3A_73 = arith.index_cast %parallel_loop3A_70 : i32 to index
      %parallel_loop3A_74 = tpu.vector_load %arg8[%parallel_loop3A_72, %parallel_loop3A_73] {strides = array<i32>} : memref<2x512xi32, #tpu.memory_space<vmem>>, vector<16xi32>,
      tpu.vector_store %arg8[%parallel_loop3A_72, %parallel_loop3A_73], %parallel_loop3A_68 {strides = array<i32>} : memref<2x512xi32, #tpu.memory_space<vmem>>, vector<16xi32>,
      %parallel_loop3A_75 = arith.constant 16 : i32
      %parallel_loop3A_76 = arith.muli %parallel_loop3A_55, %parallel_loop3A_75 : i32
      %parallel_loop3A_77 = arith.constant 0 : i32
      %parallel_loop3A_78 = arith.index_cast %parallel_loop3A_77 : i32 to index
      %parallel_loop3A_79 = arith.index_cast %parallel_loop3A_76 : i32 to index
      %parallel_loop3A_80 = tpu.vector_load %arg7[%parallel_loop3A_78, %parallel_loop3A_79] {strides = array<i32>} : memref<2x512xi32, #tpu.memory_space<vmem>>, vector<16xi32>,
      tpu.vector_store %arg7[%parallel_loop3A_78, %parallel_loop3A_79], %parallel_loop3A_64 {strides = array<i32>} : memref<2x512xi32, #tpu.memory_space<vmem>>, vector<16xi32>,
      %parallel_loop3A_81 = arith.constant 16 : i32
      %parallel_loop3A_82 = arith.muli %parallel_loop3A_55, %parallel_loop3A_81 : i32
      %parallel_loop3A_83 = arith.constant 0 : i32
      %parallel_loop3A_84 = arith.index_cast %parallel_loop3A_83 : i32 to index
      %parallel_loop3A_85 = arith.index_cast %parallel_loop3A_82 : i32 to index
      %parallel_loop3A_86 = tpu.vector_load %arg9[%parallel_loop3A_84, %parallel_loop3A_85] {strides = array<i32>} : memref<2x512xi32, #tpu.memory_space<vmem>>, vector<16xi32>,
      %parallel_loop3A_87 = arith.sitofp %parallel_loop3A_86 : vector<16xi32> to vector<16xf32>
      %parallel_loop3A_88 = arith.constant 16 : i32
      %parallel_loop3A_89 = arith.muli %parallel_loop3A_55, %parallel_loop3A_88 : i32
      %parallel_loop3A_90 = arith.constant 0 : i32
      %parallel_loop3A_91 = arith.index_cast %parallel_loop3A_90 : i32 to index
      %parallel_loop3A_92 = arith.index_cast %parallel_loop3A_89 : i32 to index
      %parallel_loop3A_93 = tpu.vector_load %arg10[%parallel_loop3A_91, %parallel_loop3A_92] {strides = array<i32>} : memref<2x512xf32, #tpu.memory_space<vmem>>, vector<16xf32>,
      tpu.vector_store %arg10[%parallel_loop3A_91, %parallel_loop3A_92], %parallel_loop3A_87 {strides = array<i32>} : memref<2x512xf32, #tpu.memory_space<vmem>>, vector<16xf32>,
    } {sc.loop_unroll_factor = 4 : i64, sc.parallel_access}
    %add3A_30 = arith.constant 1 : i32
    %add3A_31 = arith.addi %mul3A_2, %add3A_30 : i32
    %run_scoped3A_32 = arith.constant 1 : i32
    "tpu.region"() ({
      %run_scoped3A_55 = tpu.sem_alloc : memref<!tpu.dma_semaphore, #tpu.memory_space<semaphore_mem>>
      %dma_start3A_56 = arith.constant 0 : i32
      %dma_start3A_57 = tpu.memref_slice %arg7[%run_scoped3A_32, %dma_start3A_56] : memref<2x512xi32, #tpu.memory_space<vmem>> -> memref<1x512xi32, #tpu.memory_space<vmem>>
      %dma_start3A_58 = tpu.memref_squeeze %dma_start3A_57 : memref<1x512xi32, #tpu.memory_space<vmem>> -> memref<512xi32, #tpu.memory_space<vmem>>
      %dma_start3A_59 = arith.constant 0 : i32
      %dma_start3A_60 = tpu.memref_slice %arg3[%add3A_31, %dma_start3A_59] : memref<64x512xi32, #tpu.memory_space<hbm>> -> memref<1x512xi32, #tpu.memory_space<hbm>>
      %dma_start3A_61 = tpu.memref_squeeze %dma_start3A_60 : memref<1x512xi32, #tpu.memory_space<hbm>> -> memref<512xi32, #tpu.memory_space<hbm>>
      %dma_start3A_62 = arith.constant 0 : i32
      %dma_start3A_63 = tpu.memref_slice %arg7[%run_scoped3A_32, %dma_start3A_62] : memref<2x512xi32, #tpu.memory_space<vmem>> -> memref<1x512xi32, #tpu.memory_space<vmem>>
      %dma_start3A_64 = tpu.memref_squeeze %dma_start3A_63 : memref<1x512xi32, #tpu.memory_space<vmem>> -> memref<512xi32, #tpu.memory_space<vmem>>
      %dma_start3A_65 = arith.constant 0 : i32
      %dma_start3A_66 = tpu.memref_slice %arg3[%add3A_31, %dma_start3A_65] : memref<64x512xi32, #tpu.memory_space<hbm>> -> memref<1x512xi32, #tpu.memory_space<hbm>>
      %dma_start3A_67 = tpu.memref_squeeze %dma_start3A_66 : memref<1x512xi32, #tpu.memory_space<hbm>> -> memref<512xi32, #tpu.memory_space<hbm>>
      tpu.enqueue_dma source(%dma_start3A_67 : memref<512xi32, #tpu.memory_space<hbm>>) target(%dma_start3A_64 : memref<512xi32, #tpu.memory_space<vmem>>) target_semaphore(%run_scoped3A_55 : memref<!tpu.dma_semaphore, #tpu.memory_space<semaphore_mem>>)
      %dma_wait3A = arith.constant 0 : i32
      %dma_wait3A_68 = tpu.memref_slice %arg7[%run_scoped3A_32, %dma_wait3A] : memref<2x512xi32, #tpu.memory_space<vmem>> -> memref<1x512xi32, #tpu.memory_space<vmem>>
      %dma_wait3A_69 = tpu.memref_squeeze %dma_wait3A_68 : memref<1x512xi32, #tpu.memory_space<vmem>> -> memref<512xi32, #tpu.memory_space<vmem>>
      %dma_wait3A_70 = arith.constant 0 : i32
      %dma_wait3A_71 = tpu.memref_slice %arg3[%add3A_31, %dma_wait3A_70] : memref<64x512xi32, #tpu.memory_space<hbm>> -> memref<1x512xi32, #tpu.memory_space<hbm>>
      %dma_wait3A_72 = tpu.memref_squeeze %dma_wait3A_71 : memref<1x512xi32, #tpu.memory_space<hbm>> -> memref<512xi32, #tpu.memory_space<hbm>>
      %dma_wait3A_73 = arith.constant 0 : i32
      %dma_wait3A_74 = tpu.memref_slice %arg7[%run_scoped3A_32, %dma_wait3A_73] : memref<2x512xi32, #tpu.memory_space<vmem>> -> memref<1x512xi32, #tpu.memory_space<vmem>>
      %dma_wait3A_75 = tpu.memref_squeeze %dma_wait3A_74 : memref<1x512xi32, #tpu.memory_space<vmem>> -> memref<512xi32, #tpu.memory_space<vmem>>
      %dma_wait3A_76 = arith.constant 0 : i32
      %dma_wait3A_77 = tpu.memref_slice %arg3[%add3A_31, %dma_wait3A_76] : memref<64x512xi32, #tpu.memory_space<hbm>> -> memref<1x512xi32, #tpu.memory_space<hbm>>
      %dma_wait3A_78 = tpu.memref_squeeze %dma_wait3A_77 : memref<1x512xi32, #tpu.memory_space<hbm>> -> memref<512xi32, #tpu.memory_space<hbm>>
      tpu.wait_dma2 semaphore(%run_scoped3A_55 : memref<!tpu.dma_semaphore, #tpu.memory_space<semaphore_mem>>) src(%dma_wait3A_78 : memref<512xi32, #tpu.memory_space<hbm>>) dst(%dma_wait3A_75 : memref<512xi32, #tpu.memory_space<vmem>>)
      tpu.yield
    }) : () -> ()
    %run_scoped3A_33 = arith.constant 1 : i32
    "tpu.region"() ({
      %run_scoped3A_55 = tpu.sem_alloc : memref<!tpu.dma_semaphore, #tpu.memory_space<semaphore_mem>>
      %dma_start3A_56 = arith.constant 0 : i32
      %dma_start3A_57 = tpu.memref_slice %arg9[%run_scoped3A_33, %dma_start3A_56] : memref<2x512xi32, #tpu.memory_space<vmem>> -> memref<1x512xi32, #tpu.memory_space<vmem>>
      %dma_start3A_58 = tpu.memref_squeeze %dma_start3A_57 : memref<1x512xi32, #tpu.memory_space<vmem>> -> memref<512xi32, #tpu.memory_space<vmem>>
      %dma_start3A_59 = arith.constant 0 : i32
      %dma_start3A_60 = tpu.memref_slice %arg4[%add3A_31, %dma_start3A_59] : memref<64x512xi32, #tpu.memory_space<hbm>> -> memref<1x512xi32, #tpu.memory_space<hbm>>
      %dma_start3A_61 = tpu.memref_squeeze %dma_start3A_60 : memref<1x512xi32, #tpu.memory_space<hbm>> -> memref<512xi32, #tpu.memory_space<hbm>>
      %dma_start3A_62 = arith.constant 0 : i32
      %dma_start3A_63 = tpu.memref_slice %arg9[%run_scoped3A_33, %dma_start3A_62] : memref<2x512xi32, #tpu.memory_space<vmem>> -> memref<1x512xi32, #tpu.memory_space<vmem>>
      %dma_start3A_64 = tpu.memref_squeeze %dma_start3A_63 : memref<1x512xi32, #tpu.memory_space<vmem>> -> memref<512xi32, #tpu.memory_space<vmem>>
      %dma_start3A_65 = arith.constant 0 : i32
      %dma_start3A_66 = tpu.memref_slice %arg4[%add3A_31, %dma_start3A_65] : memref<64x512xi32, #tpu.memory_space<hbm>> -> memref<1x512xi32, #tpu.memory_space<hbm>>
      %dma_start3A_67 = tpu.memref_squeeze %dma_start3A_66 : memref<1x512xi32, #tpu.memory_space<hbm>> -> memref<512xi32, #tpu.memory_space<hbm>>
      tpu.enqueue_dma source(%dma_start3A_67 : memref<512xi32, #tpu.memory_space<hbm>>) target(%dma_start3A_64 : memref<512xi32, #tpu.memory_space<vmem>>) target_semaphore(%run_scoped3A_55 : memref<!tpu.dma_semaphore, #tpu.memory_space<semaphore_mem>>)
      %dma_wait3A = arith.constant 0 : i32
      %dma_wait3A_68 = tpu.memref_slice %arg9[%run_scoped3A_33, %dma_wait3A] : memref<2x512xi32, #tpu.memory_space<vmem>> -> memref<1x512xi32, #tpu.memory_space<vmem>>
      %dma_wait3A_69 = tpu.memref_squeeze %dma_wait3A_68 : memref<1x512xi32, #tpu.memory_space<vmem>> -> memref<512xi32, #tpu.memory_space<vmem>>
      %dma_wait3A_70 = arith.constant 0 : i32
      %dma_wait3A_71 = tpu.memref_slice %arg4[%add3A_31, %dma_wait3A_70] : memref<64x512xi32, #tpu.memory_space<hbm>> -> memref<1x512xi32, #tpu.memory_space<hbm>>
      %dma_wait3A_72 = tpu.memref_squeeze %dma_wait3A_71 : memref<1x512xi32, #tpu.memory_space<hbm>> -> memref<512xi32, #tpu.memory_space<hbm>>
      %dma_wait3A_73 = arith.constant 0 : i32
      %dma_wait3A_74 = tpu.memref_slice %arg9[%run_scoped3A_33, %dma_wait3A_73] : memref<2x512xi32, #tpu.memory_space<vmem>> -> memref<1x512xi32, #tpu.memory_space<vmem>>
      %dma_wait3A_75 = tpu.memref_squeeze %dma_wait3A_74 : memref<1x512xi32, #tpu.memory_space<vmem>> -> memref<512xi32, #tpu.memory_space<vmem>>
      %dma_wait3A_76 = arith.constant 0 : i32
      %dma_wait3A_77 = tpu.memref_slice %arg4[%add3A_31, %dma_wait3A_76] : memref<64x512xi32, #tpu.memory_space<hbm>> -> memref<1x512xi32, #tpu.memory_space<hbm>>
      %dma_wait3A_78 = tpu.memref_squeeze %dma_wait3A_77 : memref<1x512xi32, #tpu.memory_space<hbm>> -> memref<512xi32, #tpu.memory_space<hbm>>
      tpu.wait_dma2 semaphore(%run_scoped3A_55 : memref<!tpu.dma_semaphore, #tpu.memory_space<semaphore_mem>>) src(%dma_wait3A_78 : memref<512xi32, #tpu.memory_space<hbm>>) dst(%dma_wait3A_75 : memref<512xi32, #tpu.memory_space<vmem>>)
      tpu.yield
    }) : () -> ()
    %run_scoped3A_34 = arith.constant 1 : i32
    "tpu.region"() ({
      %run_scoped3A_55 = tpu.sem_alloc : memref<!tpu.dma_semaphore, #tpu.memory_space<semaphore_mem>>
      %dma_start3A_56 = arith.constant 0 : i32
      %dma_start3A_57 = arith.constant 0 : i32
      %dma_start3A_58 = tpu.memref_slice %arg11[%run_scoped3A_34, %dma_start3A_56, %dma_start3A_57] : memref<2x16x512xf32, #tpu.memory_space<vmem>> -> memref<1x16x512xf32, #tpu.memory_space<vmem>>
      %dma_start3A_59 = tpu.memref_squeeze %dma_start3A_58 : memref<1x16x512xf32, #tpu.memory_space<vmem>> -> memref<16x512xf32, #tpu.memory_space<vmem>>
      %dma_start3A_60 = arith.constant 0 : i32
      %dma_start3A_61 = arith.constant 0 : i32
      %dma_start3A_62 = tpu.memref_slice %arg5[%add3A_31, %dma_start3A_60, %dma_start3A_61] : memref<64x16x512xf32, #tpu.memory_space<hbm>> -> memref<1x16x512xf32, #tpu.memory_space<hbm>>
      %dma_start3A_63 = tpu.memref_squeeze %dma_start3A_62 : memref<1x16x512xf32, #tpu.memory_space<hbm>> -> memref<16x512xf32, #tpu.memory_space<hbm>>
      %dma_start3A_64 = arith.constant 0 : i32
      %dma_start3A_65 = arith.constant 0 : i32
      %dma_start3A_66 = tpu.memref_slice %arg11[%run_scoped3A_34, %dma_start3A_64, %dma_start3A_65] : memref<2x16x512xf32, #tpu.memory_space<vmem>> -> memref<1x16x512xf32, #tpu.memory_space<vmem>>
      %dma_start3A_67 = tpu.memref_squeeze %dma_start3A_66 : memref<1x16x512xf32, #tpu.memory_space<vmem>> -> memref<16x512xf32, #tpu.memory_space<vmem>>
      %dma_start3A_68 = arith.constant 0 : i32
      %dma_start3A_69 = arith.constant 0 : i32
      %dma_start3A_70 = tpu.memref_slice %arg5[%add3A_31, %dma_start3A_68, %dma_start3A_69] : memref<64x16x512xf32, #tpu.memory_space<hbm>> -> memref<1x16x512xf32, #tpu.memory_space<hbm>>
      %dma_start3A_71 = tpu.memref_squeeze %dma_start3A_70 : memref<1x16x512xf32, #tpu.memory_space<hbm>> -> memref<16x512xf32, #tpu.memory_space<hbm>>
      tpu.enqueue_dma source(%dma_start3A_71 : memref<16x512xf32, #tpu.memory_space<hbm>>) target(%dma_start3A_67 : memref<16x512xf32, #tpu.memory_space<vmem>>) target_semaphore(%run_scoped3A_55 : memref<!tpu.dma_semaphore, #tpu.memory_space<semaphore_mem>>)
      %dma_wait3A = arith.constant 0 : i32
      %dma_wait3A_72 = arith.constant 0 : i32
      %dma_wait3A_73 = tpu.memref_slice %arg11[%run_scoped3A_34, %dma_wait3A, %dma_wait3A_72] : memref<2x16x512xf32, #tpu.memory_space<vmem>> -> memref<1x16x512xf32, #tpu.memory_space<vmem>>
      %dma_wait3A_74 = tpu.memref_squeeze %dma_wait3A_73 : memref<1x16x512xf32, #tpu.memory_space<vmem>> -> memref<16x512xf32, #tpu.memory_space<vmem>>
      %dma_wait3A_75 = arith.constant 0 : i32
      %dma_wait3A_76 = arith.constant 0 : i32
      %dma_wait3A_77 = tpu.memref_slice %arg5[%add3A_31, %dma_wait3A_75, %dma_wait3A_76] : memref<64x16x512xf32, #tpu.memory_space<hbm>> -> memref<1x16x512xf32, #tpu.memory_space<hbm>>
      %dma_wait3A_78 = tpu.memref_squeeze %dma_wait3A_77 : memref<1x16x512xf32, #tpu.memory_space<hbm>> -> memref<16x512xf32, #tpu.memory_space<hbm>>
      %dma_wait3A_79 = arith.constant 0 : i32
      %dma_wait3A_80 = arith.constant 0 : i32
      %dma_wait3A_81 = tpu.memref_slice %arg11[%run_scoped3A_34, %dma_wait3A_79, %dma_wait3A_80] : memref<2x16x512xf32, #tpu.memory_space<vmem>> -> memref<1x16x512xf32, #tpu.memory_space<vmem>>
      %dma_wait3A_82 = tpu.memref_squeeze %dma_wait3A_81 : memref<1x16x512xf32, #tpu.memory_space<vmem>> -> memref<16x512xf32, #tpu.memory_space<vmem>>
      %dma_wait3A_83 = arith.constant 0 : i32
      %dma_wait3A_84 = arith.constant 0 : i32
      %dma_wait3A_85 = tpu.memref_slice %arg5[%add3A_31, %dma_wait3A_83, %dma_wait3A_84] : memref<64x16x512xf32, #tpu.memory_space<hbm>> -> memref<1x16x512xf32, #tpu.memory_space<hbm>>
      %dma_wait3A_86 = tpu.memref_squeeze %dma_wait3A_85 : memref<1x16x512xf32, #tpu.memory_space<hbm>> -> memref<16x512xf32, #tpu.memory_space<hbm>>
      tpu.wait_dma2 semaphore(%run_scoped3A_55 : memref<!tpu.dma_semaphore, #tpu.memory_space<semaphore_mem>>) src(%dma_wait3A_86 : memref<16x512xf32, #tpu.memory_space<hbm>>) dst(%dma_wait3A_82 : memref<16x512xf32, #tpu.memory_space<vmem>>)
      tpu.yield
    }) : () -> ()
    %parallel_loop3A_35 = arith.constant 0 : i32
    %parallel_loop3A_36 = arith.constant 32 : i32
    %parallel_loop3A_37 = arith.constant 1 : i32
    scf.for %parallel_loop3A_55 = %parallel_loop3A_35 to %parallel_loop3A_36 step %parallel_loop3A_37  : i32 {
      %parallel_loop3A_56 = arith.constant 16 : i32
      %parallel_loop3A_57 = arith.muli %parallel_loop3A_55, %parallel_loop3A_56 : i32
      %parallel_loop3A_58 = arith.constant 1 : i32
      %parallel_loop3A_59 = arith.index_cast %parallel_loop3A_58 : i32 to index
      %parallel_loop3A_60 = arith.index_cast %parallel_loop3A_57 : i32 to index
      %parallel_loop3A_61 = tpu.vector_load %arg7[%parallel_loop3A_59, %parallel_loop3A_60] {strides = array<i32>} : memref<2x512xi32, #tpu.memory_space<vmem>>, vector<16xi32>,
      %parallel_loop3A_62 = arith.constant 152 : i32
      %parallel_loop3A_63 = vector.broadcast %parallel_loop3A_62 : i32 to vector<16xi32>
      %parallel_loop3A_64 = arith.divsi %parallel_loop3A_61, %parallel_loop3A_63 : vector<16xi32>
      %parallel_loop3A_65 = arith.constant 152 : i32
      %parallel_loop3A_66 = vector.broadcast %parallel_loop3A_65 : i32 to vector<16xi32>
      %parallel_loop3A_67 = arith.muli %parallel_loop3A_64, %parallel_loop3A_66 : vector<16xi32>
      %parallel_loop3A_68 = arith.subi %parallel_loop3A_61, %parallel_loop3A_67 : vector<16xi32>
      %parallel_loop3A_69 = arith.constant 16 : i32
      %parallel_loop3A_70 = arith.muli %parallel_loop3A_55, %parallel_loop3A_69 : i32
      %parallel_loop3A_71 = arith.constant 1 : i32
      %parallel_loop3A_72 = arith.index_cast %parallel_loop3A_71 : i32 to index
      %parallel_loop3A_73 = arith.index_cast %parallel_loop3A_70 : i32 to index
      %parallel_loop3A_74 = tpu.vector_load %arg8[%parallel_loop3A_72, %parallel_loop3A_73] {strides = array<i32>} : memref<2x512xi32, #tpu.memory_space<vmem>>, vector<16xi32>,
      tpu.vector_store %arg8[%parallel_loop3A_72, %parallel_loop3A_73], %parallel_loop3A_68 {strides = array<i32>} : memref<2x512xi32, #tpu.memory_space<vmem>>, vector<16xi32>,
      %parallel_loop3A_75 = arith.constant 16 : i32
      %parallel_loop3A_76 = arith.muli %parallel_loop3A_55, %parallel_loop3A_75 : i32
      %parallel_loop3A_77 = arith.constant 1 : i32
      %parallel_loop3A_78 = arith.index_cast %parallel_loop3A_77 : i32 to index
      %parallel_loop3A_79 = arith.index_cast %parallel_loop3A_76 : i32 to index
      %parallel_loop3A_80 = tpu.vector_load %arg7[%parallel_loop3A_78, %parallel_loop3A_79] {strides = array<i32>} : memref<2x512xi32, #tpu.memory_space<vmem>>, vector<16xi32>,
      tpu.vector_store %arg7[%parallel_loop3A_78, %parallel_loop3A_79], %parallel_loop3A_64 {strides = array<i32>} : memref<2x512xi32, #tpu.memory_space<vmem>>, vector<16xi32>,
      %parallel_loop3A_81 = arith.constant 16 : i32
      %parallel_loop3A_82 = arith.muli %parallel_loop3A_55, %parallel_loop3A_81 : i32
      %parallel_loop3A_83 = arith.constant 1 : i32
      %parallel_loop3A_84 = arith.index_cast %parallel_loop3A_83 : i32 to index
      %parallel_loop3A_85 = arith.index_cast %parallel_loop3A_82 : i32 to index
      %parallel_loop3A_86 = tpu.vector_load %arg9[%parallel_loop3A_84, %parallel_loop3A_85] {strides = array<i32>} : memref<2x512xi32, #tpu.memory_space<vmem>>, vector<16xi32>,
      %parallel_loop3A_87 = arith.sitofp %parallel_loop3A_86 : vector<16xi32> to vector<16xf32>
      %parallel_loop3A_88 = arith.constant 16 : i32
      %parallel_loop3A_89 = arith.muli %parallel_loop3A_55, %parallel_loop3A_88 : i32
      %parallel_loop3A_90 = arith.constant 1 : i32
      %parallel_loop3A_91 = arith.index_cast %parallel_loop3A_90 : i32 to index
      %parallel_loop3A_92 = arith.index_cast %parallel_loop3A_89 : i32 to index
      %parallel_loop3A_93 = tpu.vector_load %arg10[%parallel_loop3A_91, %parallel_loop3A_92] {strides = array<i32>} : memref<2x512xf32, #tpu.memory_space<vmem>>, vector<16xf32>,
      tpu.vector_store %arg10[%parallel_loop3A_91, %parallel_loop3A_92], %parallel_loop3A_87 {strides = array<i32>} : memref<2x512xf32, #tpu.memory_space<vmem>>, vector<16xf32>,
    } {sc.loop_unroll_factor = 4 : i64, sc.parallel_access}
    %broadcast_in_dim3A = arith.constant 0.000000e+00 : f32
    %broadcast_in_dim3A_38 = vector.broadcast %broadcast_in_dim3A : f32 to vector<16xf32>
    %scan3A = arith.constant 0 : i32
    %scan3A_39 = arith.constant 16 : i32
    %scan3A_40 = arith.addi %scan3A, %scan3A_39 : i32
    %scan3A_41 = arith.constant 1 : i32
    %scan3A_42 = scf.for %scan3A_55 = %scan3A to %scan3A_40 step %scan3A_41 iter_args(%scan3A_56 = %broadcast_in_dim3A_38) -> (vector<16xf32>)  : i32 {
      %mul3A_57 = arith.constant 2 : i32
      %mul3A_58 = arith.muli %mul3A_57, %scan3A_55 : i32
      %add3A_59 = arith.constant 0 : i32
      %add3A_60 = arith.addi %mul3A_58, %add3A_59 : i32
      %jit3A = arith.constant 16 : i32
      %div3A = arith.divsi %add3A_60, %jit3A : i32
      %sign3A = arith.constant 0 : i32
      %sign3A_61 = arith.cmpi sgt, %add3A_60, %sign3A : i32
      %sign3A_62 = arith.extui %sign3A_61 : i1 to i32
      %sign3A_63 = arith.constant 0 : i32
      %sign3A_64 = arith.cmpi slt, %add3A_60, %sign3A_63 : i32
      %sign3A_65 = arith.extui %sign3A_64 : i1 to i32
      %sign3A_66 = arith.subi %sign3A_62, %sign3A_65 : i32
      %sign3A_67 = arith.constant 0 : i32
      %sign3A_68 = arith.cmpi sgt, %jit3A, %sign3A_67 : i32
      %sign3A_69 = arith.extui %sign3A_68 : i1 to i32
      %sign3A_70 = arith.constant 0 : i32
      %sign3A_71 = arith.cmpi slt, %jit3A, %sign3A_70 : i32
      %sign3A_72 = arith.extui %sign3A_71 : i1 to i32
      %sign3A_73 = arith.subi %sign3A_69, %sign3A_72 : i32
      %ne3A = arith.cmpi ne, %sign3A_66, %sign3A_73 : i32
      %rem3A = arith.remsi %add3A_60, %jit3A : i32
      %ne3A_74 = arith.constant 0 : i32
      %ne3A_75 = arith.cmpi ne, %rem3A, %ne3A_74 : i32
      %and3A = arith.andi %ne3A, %ne3A_75 : i1
      %sub3A = arith.constant 1 : i32
      %sub3A_76 = arith.subi %div3A, %sub3A : i32
      %select_n3A = arith.select %and3A, %sub3A_76, %div3A : i32
      %add3A_77 = arith.addi %mul3A_2, %select_n3A : i32
      %jit3A_78 = arith.constant 16 : i32
      %div3A_79 = arith.divsi %add3A_60, %jit3A_78 : i32
      %sign3A_80 = arith.constant 0 : i32
      %sign3A_81 = arith.cmpi sgt, %add3A_60, %sign3A_80 : i32
      %sign3A_82 = arith.extui %sign3A_81 : i1 to i32
      %sign3A_83 = arith.constant 0 : i32
      %sign3A_84 = arith.cmpi slt, %add3A_60, %sign3A_83 : i32
      %sign3A_85 = arith.extui %sign3A_84 : i1 to i32
      %sign3A_86 = arith.subi %sign3A_82, %sign3A_85 : i32
      %sign3A_87 = arith.constant 0 : i32
      %sign3A_88 = arith.cmpi sgt, %jit3A_78, %sign3A_87 : i32
      %sign3A_89 = arith.extui %sign3A_88 : i1 to i32
      %sign3A_90 = arith.constant 0 : i32
      %sign3A_91 = arith.cmpi slt, %jit3A_78, %sign3A_90 : i32
      %sign3A_92 = arith.extui %sign3A_91 : i1 to i32
      %sign3A_93 = arith.subi %sign3A_89, %sign3A_92 : i32
      %ne3A_94 = arith.cmpi ne, %sign3A_86, %sign3A_93 : i32
      %rem3A_95 = arith.remsi %add3A_60, %jit3A_78 : i32
      %ne3A_96 = arith.constant 0 : i32
      %ne3A_97 = arith.cmpi ne, %rem3A_95, %ne3A_96 : i32
      %and3A_98 = arith.andi %ne3A_94, %ne3A_97 : i1
      %sub3A_99 = arith.constant 1 : i32
      %sub3A_100 = arith.subi %div3A_79, %sub3A_99 : i32
      %select_n3A_101 = arith.select %and3A_98, %sub3A_100, %div3A_79 : i32
      %mul3A_102 = arith.constant 16 : i32
      %mul3A_103 = arith.muli %select_n3A_101, %mul3A_102 : i32
      %sub3A_104 = arith.subi %add3A_60, %mul3A_103 : i32
      %dma_wait3A = arith.constant 0 : i32
      %dma_wait3A_105 = arith.constant 0 : i32
      %dma_wait3A_106 = tpu.memref_slice %arg2[%add3A_77, %sub3A_104, %dma_wait3A, %dma_wait3A_105] : memref<64x16x152x152xf32, #tpu.memory_space<hbm>> -> memref<1x1x152x152xf32, #tpu.memory_space<hbm>>
      %dma_wait3A_107 = tpu.memref_squeeze %dma_wait3A_106 : memref<1x1x152x152xf32, #tpu.memory_space<hbm>> -> memref<152x152xf32, #tpu.memory_space<hbm>>
      %dma_wait3A_108 = arith.constant 0 : i32
      %dma_wait3A_109 = arith.constant 0 : i32
      %dma_wait3A_110 = tpu.memref_slice %arg2[%add3A_77, %sub3A_104, %dma_wait3A_108, %dma_wait3A_109] : memref<64x16x152x152xf32, #tpu.memory_space<hbm>> -> memref<1x1x152x152xf32, #tpu.memory_space<hbm>>
      %dma_wait3A_111 = tpu.memref_squeeze %dma_wait3A_110 : memref<1x1x152x152xf32, #tpu.memory_space<hbm>> -> memref<152x152xf32, #tpu.memory_space<hbm>>
      tpu.wait_dma2 semaphore(%arg15 : memref<!tpu.dma_semaphore, #tpu.memory_space<semaphore_mem>>) src(%dma_wait3A_111 : memref<152x152xf32, #tpu.memory_space<hbm>>) dst(%arg12 : memref<152x152xf32, #tpu.memory_space<vmem>>)
      %add3A_112 = arith.constant 2 : i32
      %add3A_113 = arith.addi %add3A_60, %add3A_112 : i32
      %lt3A = arith.constant 32 : i32
      %lt3A_114 = arith.cmpi slt, %add3A_113, %lt3A : i32
      %convert_element_type3A = arith.extui %lt3A_114 : i1 to i32
      %cond3A = arith.constant 0 : i32
      %cond3A_115 = arith.cmpi ne, %convert_element_type3A, %cond3A : i32
      scf.if %cond3A_115 {
        %add3A_249 = arith.constant 2 : i32
        %add3A_250 = arith.addi %add3A_60, %add3A_249 : i32
        %jit3A_251 = arith.constant 16 : i32
        %div3A_252 = arith.divsi %add3A_250, %jit3A_251 : i32
        %sign3A_253 = arith.constant 0 : i32
        %sign3A_254 = arith.cmpi sgt, %add3A_250, %sign3A_253 : i32
        %sign3A_255 = arith.extui %sign3A_254 : i1 to i32
        %sign3A_256 = arith.constant 0 : i32
        %sign3A_257 = arith.cmpi slt, %add3A_250, %sign3A_256 : i32
        %sign3A_258 = arith.extui %sign3A_257 : i1 to i32
        %sign3A_259 = arith.subi %sign3A_255, %sign3A_258 : i32
        %sign3A_260 = arith.constant 0 : i32
        %sign3A_261 = arith.cmpi sgt, %jit3A_251, %sign3A_260 : i32
        %sign3A_262 = arith.extui %sign3A_261 : i1 to i32
        %sign3A_263 = arith.constant 0 : i32
        %sign3A_264 = arith.cmpi slt, %jit3A_251, %sign3A_263 : i32
        %sign3A_265 = arith.extui %sign3A_264 : i1 to i32
        %sign3A_266 = arith.subi %sign3A_262, %sign3A_265 : i32
        %ne3A_267 = arith.cmpi ne, %sign3A_259, %sign3A_266 : i32
        %rem3A_268 = arith.remsi %add3A_250, %jit3A_251 : i32
        %ne3A_269 = arith.constant 0 : i32
        %ne3A_270 = arith.cmpi ne, %rem3A_268, %ne3A_269 : i32
        %and3A_271 = arith.andi %ne3A_267, %ne3A_270 : i1
        %sub3A_272 = arith.constant 1 : i32
        %sub3A_273 = arith.subi %div3A_252, %sub3A_272 : i32
        %select_n3A_274 = arith.select %and3A_271, %sub3A_273, %div3A_252 : i32
        %add3A_275 = arith.addi %mul3A_2, %select_n3A_274 : i32
        %jit3A_276 = arith.constant 16 : i32
        %div3A_277 = arith.divsi %add3A_250, %jit3A_276 : i32
        %sign3A_278 = arith.constant 0 : i32
        %sign3A_279 = arith.cmpi sgt, %add3A_250, %sign3A_278 : i32
        %sign3A_280 = arith.extui %sign3A_279 : i1 to i32
        %sign3A_281 = arith.constant 0 : i32
        %sign3A_282 = arith.cmpi slt, %add3A_250, %sign3A_281 : i32
        %sign3A_283 = arith.extui %sign3A_282 : i1 to i32
        %sign3A_284 = arith.subi %sign3A_280, %sign3A_283 : i32
        %sign3A_285 = arith.constant 0 : i32
        %sign3A_286 = arith.cmpi sgt, %jit3A_276, %sign3A_285 : i32
        %sign3A_287 = arith.extui %sign3A_286 : i1 to i32
        %sign3A_288 = arith.constant 0 : i32
        %sign3A_289 = arith.cmpi slt, %jit3A_276, %sign3A_288 : i32
        %sign3A_290 = arith.extui %sign3A_289 : i1 to i32
        %sign3A_291 = arith.subi %sign3A_287, %sign3A_290 : i32
        %ne3A_292 = arith.cmpi ne, %sign3A_284, %sign3A_291 : i32
        %rem3A_293 = arith.remsi %add3A_250, %jit3A_276 : i32
        %ne3A_294 = arith.constant 0 : i32
        %ne3A_295 = arith.cmpi ne, %rem3A_293, %ne3A_294 : i32
        %and3A_296 = arith.andi %ne3A_292, %ne3A_295 : i1
        %sub3A_297 = arith.constant 1 : i32
        %sub3A_298 = arith.subi %div3A_277, %sub3A_297 : i32
        %select_n3A_299 = arith.select %and3A_296, %sub3A_298, %div3A_277 : i32
        %mul3A_300 = arith.constant 16 : i32
        %mul3A_301 = arith.muli %select_n3A_299, %mul3A_300 : i32
        %sub3A_302 = arith.subi %add3A_250, %mul3A_301 : i32
        %dma_start3A_303 = arith.constant 0 : i32
        %dma_start3A_304 = arith.constant 0 : i32
        %dma_start3A_305 = tpu.memref_slice %arg2[%add3A_275, %sub3A_302, %dma_start3A_303, %dma_start3A_304] : memref<64x16x152x152xf32, #tpu.memory_space<hbm>> -> memref<1x1x152x152xf32, #tpu.memory_space<hbm>>
        %dma_start3A_306 = tpu.memref_squeeze %dma_start3A_305 : memref<1x1x152x152xf32, #tpu.memory_space<hbm>> -> memref<152x152xf32, #tpu.memory_space<hbm>>
        %dma_start3A_307 = arith.constant 0 : i32
        %dma_start3A_308 = arith.constant 0 : i32
        %dma_start3A_309 = tpu.memref_slice %arg2[%add3A_275, %sub3A_302, %dma_start3A_307, %dma_start3A_308] : memref<64x16x152x152xf32, #tpu.memory_space<hbm>> -> memref<1x1x152x152xf32, #tpu.memory_space<hbm>>
        %dma_start3A_310 = tpu.memref_squeeze %dma_start3A_309 : memref<1x1x152x152xf32, #tpu.memory_space<hbm>> -> memref<152x152xf32, #tpu.memory_space<hbm>>
        tpu.enqueue_dma source(%dma_start3A_310 : memref<152x152xf32, #tpu.memory_space<hbm>>) target(%arg12 : memref<152x152xf32, #tpu.memory_space<vmem>>) target_semaphore(%arg15 : memref<!tpu.dma_semaphore, #tpu.memory_space<semaphore_mem>>)
      } else {
      }
      %jit3A_116 = arith.constant 16 : i32
      %div3A_117 = arith.divsi %add3A_60, %jit3A_116 : i32
      %sign3A_118 = arith.constant 0 : i32
      %sign3A_119 = arith.cmpi sgt, %add3A_60, %sign3A_118 : i32
      %sign3A_120 = arith.extui %sign3A_119 : i1 to i32
      %sign3A_121 = arith.constant 0 : i32
      %sign3A_122 = arith.cmpi slt, %add3A_60, %sign3A_121 : i32
      %sign3A_123 = arith.extui %sign3A_122 : i1 to i32
      %sign3A_124 = arith.subi %sign3A_120, %sign3A_123 : i32
      %sign3A_125 = arith.constant 0 : i32
      %sign3A_126 = arith.cmpi sgt, %jit3A_116, %sign3A_125 : i32
      %sign3A_127 = arith.extui %sign3A_126 : i1 to i32
      %sign3A_128 = arith.constant 0 : i32
      %sign3A_129 = arith.cmpi slt, %jit3A_116, %sign3A_128 : i32
      %sign3A_130 = arith.extui %sign3A_129 : i1 to i32
      %sign3A_131 = arith.subi %sign3A_127, %sign3A_130 : i32
      %ne3A_132 = arith.cmpi ne, %sign3A_124, %sign3A_131 : i32
      %rem3A_133 = arith.remsi %add3A_60, %jit3A_116 : i32
      %ne3A_134 = arith.constant 0 : i32
      %ne3A_135 = arith.cmpi ne, %rem3A_133, %ne3A_134 : i32
      %and3A_136 = arith.andi %ne3A_132, %ne3A_135 : i1
      %sub3A_137 = arith.constant 1 : i32
      %sub3A_138 = arith.subi %div3A_117, %sub3A_137 : i32
      %select_n3A_139 = arith.select %and3A_136, %sub3A_138, %div3A_117 : i32
      %mul3A_140 = arith.constant 16 : i32
      %mul3A_141 = arith.muli %select_n3A_139, %mul3A_140 : i32
      %sub3A_142 = arith.subi %add3A_60, %mul3A_141 : i32
      %parallel_loop3A_143 = arith.constant 0 : i32
      %parallel_loop3A_144 = arith.constant 32 : i32
      %parallel_loop3A_145 = arith.constant 1 : i32
      %parallel_loop3A_146 = scf.for %parallel_loop3A_249 = %parallel_loop3A_143 to %parallel_loop3A_144 step %parallel_loop3A_145 iter_args(%parallel_loop3A_250 = %scan3A_56) -> (vector<16xf32>)  : i32 {
        %parallel_loop3A_251 = arith.constant 16 : i32
        %parallel_loop3A_252 = arith.muli %parallel_loop3A_249, %parallel_loop3A_251 : i32
        %parallel_loop3A_253 = arith.index_cast %select_n3A_139 : i32 to index
        %parallel_loop3A_254 = arith.index_cast %parallel_loop3A_252 : i32 to index
        %parallel_loop3A_255 = tpu.vector_load %arg7[%parallel_loop3A_253, %parallel_loop3A_254] {strides = array<i32>} : memref<2x512xi32, #tpu.memory_space<vmem>>, vector<16xi32>,
        %parallel_loop3A_256 = arith.constant 16 : i32
        %parallel_loop3A_257 = arith.muli %parallel_loop3A_249, %parallel_loop3A_256 : i32
        %parallel_loop3A_258 = arith.index_cast %select_n3A_139 : i32 to index
        %parallel_loop3A_259 = arith.index_cast %parallel_loop3A_257 : i32 to index
        %parallel_loop3A_260 = tpu.vector_load %arg8[%parallel_loop3A_258, %parallel_loop3A_259] {strides = array<i32>} : memref<2x512xi32, #tpu.memory_space<vmem>>, vector<16xi32>,
        %parallel_loop3A_261 = tpu.vector_load_idx %arg12[%parallel_loop3A_255, %parallel_loop3A_260] : memref<152x152xf32, #tpu.memory_space<vmem>>[vector<16xi32>, vector<16xi32>], vector<16xf32>,
        %parallel_loop3A_262 = arith.constant 16 : i32
        %parallel_loop3A_263 = arith.muli %parallel_loop3A_249, %parallel_loop3A_262 : i32
        %parallel_loop3A_264 = arith.index_cast %select_n3A_139 : i32 to index
        %parallel_loop3A_265 = arith.index_cast %sub3A_142 : i32 to index
        %parallel_loop3A_266 = arith.index_cast %parallel_loop3A_263 : i32 to index
        %parallel_loop3A_267 = tpu.vector_load %arg11[%parallel_loop3A_264, %parallel_loop3A_265, %parallel_loop3A_266] {strides = array<i32>} : memref<2x16x512xf32, #tpu.memory_space<vmem>>, vector<16xf32>,
        %parallel_loop3A_268 = arith.constant 16 : i32
        %parallel_loop3A_269 = arith.muli %parallel_loop3A_249, %parallel_loop3A_268 : i32
        %parallel_loop3A_270 = arith.index_cast %select_n3A_139 : i32 to index
        %parallel_loop3A_271 = arith.index_cast %parallel_loop3A_269 : i32 to index
        %parallel_loop3A_272 = tpu.vector_load %arg10[%parallel_loop3A_270, %parallel_loop3A_271] {strides = array<i32>} : memref<2x512xf32, #tpu.memory_space<vmem>>, vector<16xf32>,
        %parallel_loop3A_273 = arith.subf %parallel_loop3A_261, %parallel_loop3A_267 : vector<16xf32>
        %parallel_loop3A_274 = math.absf %parallel_loop3A_273 : vector<16xf32>
        %parallel_loop3A_275 = arith.mulf %parallel_loop3A_272, %parallel_loop3A_274 : vector<16xf32>
        %parallel_loop3A_276 = arith.addf %parallel_loop3A_250, %parallel_loop3A_275 : vector<16xf32>
        scf.yield %parallel_loop3A_276 : vector<16xf32>
      } {sc.loop_unroll_factor = 2 : i64, sc.parallel_access}
      %mul3A_147 = arith.constant 2 : i32
      %mul3A_148 = arith.muli %mul3A_147, %scan3A_55 : i32
      %add3A_149 = arith.constant 1 : i32
      %add3A_150 = arith.addi %mul3A_148, %add3A_149 : i32
      %jit3A_151 = arith.constant 16 : i32
      %div3A_152 = arith.divsi %add3A_150, %jit3A_151 : i32
      %sign3A_153 = arith.constant 0 : i32
      %sign3A_154 = arith.cmpi sgt, %add3A_150, %sign3A_153 : i32
      %sign3A_155 = arith.extui %sign3A_154 : i1 to i32
      %sign3A_156 = arith.constant 0 : i32
      %sign3A_157 = arith.cmpi slt, %add3A_150, %sign3A_156 : i32
      %sign3A_158 = arith.extui %sign3A_157 : i1 to i32
      %sign3A_159 = arith.subi %sign3A_155, %sign3A_158 : i32
      %sign3A_160 = arith.constant 0 : i32
      %sign3A_161 = arith.cmpi sgt, %jit3A_151, %sign3A_160 : i32
      %sign3A_162 = arith.extui %sign3A_161 : i1 to i32
      %sign3A_163 = arith.constant 0 : i32
      %sign3A_164 = arith.cmpi slt, %jit3A_151, %sign3A_163 : i32
      %sign3A_165 = arith.extui %sign3A_164 : i1 to i32
      %sign3A_166 = arith.subi %sign3A_162, %sign3A_165 : i32
      %ne3A_167 = arith.cmpi ne, %sign3A_159, %sign3A_166 : i32
      %rem3A_168 = arith.remsi %add3A_150, %jit3A_151 : i32
      %ne3A_169 = arith.constant 0 : i32
      %ne3A_170 = arith.cmpi ne, %rem3A_168, %ne3A_169 : i32
      %and3A_171 = arith.andi %ne3A_167, %ne3A_170 : i1
      %sub3A_172 = arith.constant 1 : i32
      %sub3A_173 = arith.subi %div3A_152, %sub3A_172 : i32
      %select_n3A_174 = arith.select %and3A_171, %sub3A_173, %div3A_152 : i32
      %add3A_175 = arith.addi %mul3A_2, %select_n3A_174 : i32
      %jit3A_176 = arith.constant 16 : i32
      %div3A_177 = arith.divsi %add3A_150, %jit3A_176 : i32
      %sign3A_178 = arith.constant 0 : i32
      %sign3A_179 = arith.cmpi sgt, %add3A_150, %sign3A_178 : i32
      %sign3A_180 = arith.extui %sign3A_179 : i1 to i32
      %sign3A_181 = arith.constant 0 : i32
      %sign3A_182 = arith.cmpi slt, %add3A_150, %sign3A_181 : i32
      %sign3A_183 = arith.extui %sign3A_182 : i1 to i32
      %sign3A_184 = arith.subi %sign3A_180, %sign3A_183 : i32
      %sign3A_185 = arith.constant 0 : i32
      %sign3A_186 = arith.cmpi sgt, %jit3A_176, %sign3A_185 : i32
      %sign3A_187 = arith.extui %sign3A_186 : i1 to i32
      %sign3A_188 = arith.constant 0 : i32
      %sign3A_189 = arith.cmpi slt, %jit3A_176, %sign3A_188 : i32
      %sign3A_190 = arith.extui %sign3A_189 : i1 to i32
      %sign3A_191 = arith.subi %sign3A_187, %sign3A_190 : i32
      %ne3A_192 = arith.cmpi ne, %sign3A_184, %sign3A_191 : i32
      %rem3A_193 = arith.remsi %add3A_150, %jit3A_176 : i32
      %ne3A_194 = arith.constant 0 : i32
      %ne3A_195 = arith.cmpi ne, %rem3A_193, %ne3A_194 : i32
      %and3A_196 = arith.andi %ne3A_192, %ne3A_195 : i1
      %sub3A_197 = arith.constant 1 : i32
      %sub3A_198 = arith.subi %div3A_177, %sub3A_197 : i32
      %select_n3A_199 = arith.select %and3A_196, %sub3A_198, %div3A_177 : i32
      %mul3A_200 = arith.constant 16 : i32
      %mul3A_201 = arith.muli %select_n3A_199, %mul3A_200 : i32
      %sub3A_202 = arith.subi %add3A_150, %mul3A_201 : i32
      %dma_wait3A_203 = arith.constant 0 : i32
      %dma_wait3A_204 = arith.constant 0 : i32
      %dma_wait3A_205 = tpu.memref_slice %arg2[%add3A_175, %sub3A_202, %dma_wait3A_203, %dma_wait3A_204] : memref<64x16x152x152xf32, #tpu.memory_space<hbm>> -> memref<1x1x152x152xf32, #tpu.memory_space<hbm>>
      %dma_wait3A_206 = tpu.memref_squeeze %dma_wait3A_205 : memref<1x1x152x152xf32, #tpu.memory_space<hbm>> -> memref<152x152xf32, #tpu.memory_space<hbm>>
      %dma_wait3A_207 = arith.constant 0 : i32
      %dma_wait3A_208 = arith.constant 0 : i32
      %dma_wait3A_209 = tpu.memref_slice %arg2[%add3A_175, %sub3A_202, %dma_wait3A_207, %dma_wait3A_208] : memref<64x16x152x152xf32, #tpu.memory_space<hbm>> -> memref<1x1x152x152xf32, #tpu.memory_space<hbm>>
      %dma_wait3A_210 = tpu.memref_squeeze %dma_wait3A_209 : memref<1x1x152x152xf32, #tpu.memory_space<hbm>> -> memref<152x152xf32, #tpu.memory_space<hbm>>
      tpu.wait_dma2 semaphore(%arg16 : memref<!tpu.dma_semaphore, #tpu.memory_space<semaphore_mem>>) src(%dma_wait3A_210 : memref<152x152xf32, #tpu.memory_space<hbm>>) dst(%arg13 : memref<152x152xf32, #tpu.memory_space<vmem>>)
      %add3A_211 = arith.constant 2 : i32
      %add3A_212 = arith.addi %add3A_150, %add3A_211 : i32
      %lt3A_213 = arith.constant 32 : i32
      %lt3A_214 = arith.cmpi slt, %add3A_212, %lt3A_213 : i32
      %convert_element_type3A_215 = arith.extui %lt3A_214 : i1 to i32
      %cond3A_216 = arith.constant 0 : i32
      %cond3A_217 = arith.cmpi ne, %convert_element_type3A_215, %cond3A_216 : i32
      scf.if %cond3A_217 {
        %add3A_249 = arith.constant 2 : i32
        %add3A_250 = arith.addi %add3A_150, %add3A_249 : i32
        %jit3A_251 = arith.constant 16 : i32
        %div3A_252 = arith.divsi %add3A_250, %jit3A_251 : i32
        %sign3A_253 = arith.constant 0 : i32
        %sign3A_254 = arith.cmpi sgt, %add3A_250, %sign3A_253 : i32
        %sign3A_255 = arith.extui %sign3A_254 : i1 to i32
        %sign3A_256 = arith.constant 0 : i32
        %sign3A_257 = arith.cmpi slt, %add3A_250, %sign3A_256 : i32
        %sign3A_258 = arith.extui %sign3A_257 : i1 to i32
        %sign3A_259 = arith.subi %sign3A_255, %sign3A_258 : i32
        %sign3A_260 = arith.constant 0 : i32
        %sign3A_261 = arith.cmpi sgt, %jit3A_251, %sign3A_260 : i32
        %sign3A_262 = arith.extui %sign3A_261 : i1 to i32
        %sign3A_263 = arith.constant 0 : i32
        %sign3A_264 = arith.cmpi slt, %jit3A_251, %sign3A_263 : i32
        %sign3A_265 = arith.extui %sign3A_264 : i1 to i32
        %sign3A_266 = arith.subi %sign3A_262, %sign3A_265 : i32
        %ne3A_267 = arith.cmpi ne, %sign3A_259, %sign3A_266 : i32
        %rem3A_268 = arith.remsi %add3A_250, %jit3A_251 : i32
        %ne3A_269 = arith.constant 0 : i32
        %ne3A_270 = arith.cmpi ne, %rem3A_268, %ne3A_269 : i32
        %and3A_271 = arith.andi %ne3A_267, %ne3A_270 : i1
        %sub3A_272 = arith.constant 1 : i32
        %sub3A_273 = arith.subi %div3A_252, %sub3A_272 : i32
        %select_n3A_274 = arith.select %and3A_271, %sub3A_273, %div3A_252 : i32
        %add3A_275 = arith.addi %mul3A_2, %select_n3A_274 : i32
        %jit3A_276 = arith.constant 16 : i32
        %div3A_277 = arith.divsi %add3A_250, %jit3A_276 : i32
        %sign3A_278 = arith.constant 0 : i32
        %sign3A_279 = arith.cmpi sgt, %add3A_250, %sign3A_278 : i32
        %sign3A_280 = arith.extui %sign3A_279 : i1 to i32
        %sign3A_281 = arith.constant 0 : i32
        %sign3A_282 = arith.cmpi slt, %add3A_250, %sign3A_281 : i32
        %sign3A_283 = arith.extui %sign3A_282 : i1 to i32
        %sign3A_284 = arith.subi %sign3A_280, %sign3A_283 : i32
        %sign3A_285 = arith.constant 0 : i32
        %sign3A_286 = arith.cmpi sgt, %jit3A_276, %sign3A_285 : i32
        %sign3A_287 = arith.extui %sign3A_286 : i1 to i32
        %sign3A_288 = arith.constant 0 : i32
        %sign3A_289 = arith.cmpi slt, %jit3A_276, %sign3A_288 : i32
        %sign3A_290 = arith.extui %sign3A_289 : i1 to i32
        %sign3A_291 = arith.subi %sign3A_287, %sign3A_290 : i32
        %ne3A_292 = arith.cmpi ne, %sign3A_284, %sign3A_291 : i32
        %rem3A_293 = arith.remsi %add3A_250, %jit3A_276 : i32
        %ne3A_294 = arith.constant 0 : i32
        %ne3A_295 = arith.cmpi ne, %rem3A_293, %ne3A_294 : i32
        %and3A_296 = arith.andi %ne3A_292, %ne3A_295 : i1
        %sub3A_297 = arith.constant 1 : i32
        %sub3A_298 = arith.subi %div3A_277, %sub3A_297 : i32
        %select_n3A_299 = arith.select %and3A_296, %sub3A_298, %div3A_277 : i32
        %mul3A_300 = arith.constant 16 : i32
        %mul3A_301 = arith.muli %select_n3A_299, %mul3A_300 : i32
        %sub3A_302 = arith.subi %add3A_250, %mul3A_301 : i32
        %dma_start3A_303 = arith.constant 0 : i32
        %dma_start3A_304 = arith.constant 0 : i32
        %dma_start3A_305 = tpu.memref_slice %arg2[%add3A_275, %sub3A_302, %dma_start3A_303, %dma_start3A_304] : memref<64x16x152x152xf32, #tpu.memory_space<hbm>> -> memref<1x1x152x152xf32, #tpu.memory_space<hbm>>
        %dma_start3A_306 = tpu.memref_squeeze %dma_start3A_305 : memref<1x1x152x152xf32, #tpu.memory_space<hbm>> -> memref<152x152xf32, #tpu.memory_space<hbm>>
        %dma_start3A_307 = arith.constant 0 : i32
        %dma_start3A_308 = arith.constant 0 : i32
        %dma_start3A_309 = tpu.memref_slice %arg2[%add3A_275, %sub3A_302, %dma_start3A_307, %dma_start3A_308] : memref<64x16x152x152xf32, #tpu.memory_space<hbm>> -> memref<1x1x152x152xf32, #tpu.memory_space<hbm>>
        %dma_start3A_310 = tpu.memref_squeeze %dma_start3A_309 : memref<1x1x152x152xf32, #tpu.memory_space<hbm>> -> memref<152x152xf32, #tpu.memory_space<hbm>>
        tpu.enqueue_dma source(%dma_start3A_310 : memref<152x152xf32, #tpu.memory_space<hbm>>) target(%arg13 : memref<152x152xf32, #tpu.memory_space<vmem>>) target_semaphore(%arg16 : memref<!tpu.dma_semaphore, #tpu.memory_space<semaphore_mem>>)
      } else {
      }
      %jit3A_218 = arith.constant 16 : i32
      %div3A_219 = arith.divsi %add3A_150, %jit3A_218 : i32
      %sign3A_220 = arith.constant 0 : i32
      %sign3A_221 = arith.cmpi sgt, %add3A_150, %sign3A_220 : i32
      %sign3A_222 = arith.extui %sign3A_221 : i1 to i32
      %sign3A_223 = arith.constant 0 : i32
      %sign3A_224 = arith.cmpi slt, %add3A_150, %sign3A_223 : i32
      %sign3A_225 = arith.extui %sign3A_224 : i1 to i32
      %sign3A_226 = arith.subi %sign3A_222, %sign3A_225 : i32
      %sign3A_227 = arith.constant 0 : i32
      %sign3A_228 = arith.cmpi sgt, %jit3A_218, %sign3A_227 : i32
      %sign3A_229 = arith.extui %sign3A_228 : i1 to i32
      %sign3A_230 = arith.constant 0 : i32
      %sign3A_231 = arith.cmpi slt, %jit3A_218, %sign3A_230 : i32
      %sign3A_232 = arith.extui %sign3A_231 : i1 to i32
      %sign3A_233 = arith.subi %sign3A_229, %sign3A_232 : i32
      %ne3A_234 = arith.cmpi ne, %sign3A_226, %sign3A_233 : i32
      %rem3A_235 = arith.remsi %add3A_150, %jit3A_218 : i32
      %ne3A_236 = arith.constant 0 : i32
      %ne3A_237 = arith.cmpi ne, %rem3A_235, %ne3A_236 : i32
      %and3A_238 = arith.andi %ne3A_234, %ne3A_237 : i1
      %sub3A_239 = arith.constant 1 : i32
      %sub3A_240 = arith.subi %div3A_219, %sub3A_239 : i32
      %select_n3A_241 = arith.select %and3A_238, %sub3A_240, %div3A_219 : i32
      %mul3A_242 = arith.constant 16 : i32
      %mul3A_243 = arith.muli %select_n3A_241, %mul3A_242 : i32
      %sub3A_244 = arith.subi %add3A_150, %mul3A_243 : i32
      %parallel_loop3A_245 = arith.constant 0 : i32
      %parallel_loop3A_246 = arith.constant 32 : i32
      %parallel_loop3A_247 = arith.constant 1 : i32
      %parallel_loop3A_248 = scf.for %parallel_loop3A_249 = %parallel_loop3A_245 to %parallel_loop3A_246 step %parallel_loop3A_247 iter_args(%parallel_loop3A_250 = %parallel_loop3A_146) -> (vector<16xf32>)  : i32 {
        %parallel_loop3A_251 = arith.constant 16 : i32
        %parallel_loop3A_252 = arith.muli %parallel_loop3A_249, %parallel_loop3A_251 : i32
        %parallel_loop3A_253 = arith.index_cast %select_n3A_241 : i32 to index
        %parallel_loop3A_254 = arith.index_cast %parallel_loop3A_252 : i32 to index
        %parallel_loop3A_255 = tpu.vector_load %arg7[%parallel_loop3A_253, %parallel_loop3A_254] {strides = array<i32>} : memref<2x512xi32, #tpu.memory_space<vmem>>, vector<16xi32>,
        %parallel_loop3A_256 = arith.constant 16 : i32
        %parallel_loop3A_257 = arith.muli %parallel_loop3A_249, %parallel_loop3A_256 : i32
        %parallel_loop3A_258 = arith.index_cast %select_n3A_241 : i32 to index
        %parallel_loop3A_259 = arith.index_cast %parallel_loop3A_257 : i32 to index
        %parallel_loop3A_260 = tpu.vector_load %arg8[%parallel_loop3A_258, %parallel_loop3A_259] {strides = array<i32>} : memref<2x512xi32, #tpu.memory_space<vmem>>, vector<16xi32>,
        %parallel_loop3A_261 = tpu.vector_load_idx %arg13[%parallel_loop3A_255, %parallel_loop3A_260] : memref<152x152xf32, #tpu.memory_space<vmem>>[vector<16xi32>, vector<16xi32>], vector<16xf32>,
        %parallel_loop3A_262 = arith.constant 16 : i32
        %parallel_loop3A_263 = arith.muli %parallel_loop3A_249, %parallel_loop3A_262 : i32
        %parallel_loop3A_264 = arith.index_cast %select_n3A_241 : i32 to index
        %parallel_loop3A_265 = arith.index_cast %sub3A_244 : i32 to index
        %parallel_loop3A_266 = arith.index_cast %parallel_loop3A_263 : i32 to index
        %parallel_loop3A_267 = tpu.vector_load %arg11[%parallel_loop3A_264, %parallel_loop3A_265, %parallel_loop3A_266] {strides = array<i32>} : memref<2x16x512xf32, #tpu.memory_space<vmem>>, vector<16xf32>,
        %parallel_loop3A_268 = arith.constant 16 : i32
        %parallel_loop3A_269 = arith.muli %parallel_loop3A_249, %parallel_loop3A_268 : i32
        %parallel_loop3A_270 = arith.index_cast %select_n3A_241 : i32 to index
        %parallel_loop3A_271 = arith.index_cast %parallel_loop3A_269 : i32 to index
        %parallel_loop3A_272 = tpu.vector_load %arg10[%parallel_loop3A_270, %parallel_loop3A_271] {strides = array<i32>} : memref<2x512xf32, #tpu.memory_space<vmem>>, vector<16xf32>,
        %parallel_loop3A_273 = arith.subf %parallel_loop3A_261, %parallel_loop3A_267 : vector<16xf32>
        %parallel_loop3A_274 = math.absf %parallel_loop3A_273 : vector<16xf32>
        %parallel_loop3A_275 = arith.mulf %parallel_loop3A_272, %parallel_loop3A_274 : vector<16xf32>
        %parallel_loop3A_276 = arith.addf %parallel_loop3A_250, %parallel_loop3A_275 : vector<16xf32>
        scf.yield %parallel_loop3A_276 : vector<16xf32>
      } {sc.loop_unroll_factor = 2 : i64, sc.parallel_access}
      scf.yield %parallel_loop3A_248 : vector<16xf32>
    }
    %scan3A_43 = arith.constant 16 : i32
    %broadcast_in_dim3A_44 = arith.constant 0.000000e+00 : f32
    %broadcast_in_dim3A_45 = vector.broadcast %broadcast_in_dim3A_44 : f32 to vector<16xf32>
    %parallel_loop3A_46 = arith.constant 0 : i32
    %parallel_loop3A_47 = arith.constant 64 : i32
    %parallel_loop3A_48 = arith.constant 1 : i32
    %parallel_loop3A_49 = scf.for %parallel_loop3A_55 = %parallel_loop3A_46 to %parallel_loop3A_47 step %parallel_loop3A_48 iter_args(%parallel_loop3A_56 = %broadcast_in_dim3A_45) -> (vector<16xf32>)  : i32 {
      %parallel_loop3A_57 = arith.constant 32 : i32
      %parallel_loop3A_58 = arith.divsi %parallel_loop3A_55, %parallel_loop3A_57 : i32
      %parallel_loop3A_59 = arith.constant 0 : i32
      %parallel_loop3A_60 = arith.cmpi sgt, %parallel_loop3A_55, %parallel_loop3A_59 : i32
      %parallel_loop3A_61 = arith.extui %parallel_loop3A_60 : i1 to i32
      %parallel_loop3A_62 = arith.constant 0 : i32
      %parallel_loop3A_63 = arith.cmpi slt, %parallel_loop3A_55, %parallel_loop3A_62 : i32
      %parallel_loop3A_64 = arith.extui %parallel_loop3A_63 : i1 to i32
      %parallel_loop3A_65 = arith.subi %parallel_loop3A_61, %parallel_loop3A_64 : i32
      %parallel_loop3A_66 = arith.constant 0 : i32
      %parallel_loop3A_67 = arith.cmpi sgt, %parallel_loop3A_57, %parallel_loop3A_66 : i32
      %parallel_loop3A_68 = arith.extui %parallel_loop3A_67 : i1 to i32
      %parallel_loop3A_69 = arith.constant 0 : i32
      %parallel_loop3A_70 = arith.cmpi slt, %parallel_loop3A_57, %parallel_loop3A_69 : i32
      %parallel_loop3A_71 = arith.extui %parallel_loop3A_70 : i1 to i32
      %parallel_loop3A_72 = arith.subi %parallel_loop3A_68, %parallel_loop3A_71 : i32
      %parallel_loop3A_73 = arith.cmpi ne, %parallel_loop3A_65, %parallel_loop3A_72 : i32
      %parallel_loop3A_74 = arith.remsi %parallel_loop3A_55, %parallel_loop3A_57 : i32
      %parallel_loop3A_75 = arith.constant 0 : i32
      %parallel_loop3A_76 = arith.cmpi ne, %parallel_loop3A_74, %parallel_loop3A_75 : i32
      %parallel_loop3A_77 = arith.andi %parallel_loop3A_73, %parallel_loop3A_76 : i1
      %parallel_loop3A_78 = arith.constant 1 : i32
      %parallel_loop3A_79 = arith.subi %parallel_loop3A_58, %parallel_loop3A_78 : i32
      %parallel_loop3A_80 = arith.select %parallel_loop3A_77, %parallel_loop3A_79, %parallel_loop3A_58 : i32
      %parallel_loop3A_81 = arith.constant 32 : i32
      %parallel_loop3A_82 = arith.divsi %parallel_loop3A_55, %parallel_loop3A_81 : i32
      %parallel_loop3A_83 = arith.constant 0 : i32
      %parallel_loop3A_84 = arith.cmpi sgt, %parallel_loop3A_55, %parallel_loop3A_83 : i32
      %parallel_loop3A_85 = arith.extui %parallel_loop3A_84 : i1 to i32
      %parallel_loop3A_86 = arith.constant 0 : i32
      %parallel_loop3A_87 = arith.cmpi slt, %parallel_loop3A_55, %parallel_loop3A_86 : i32
      %parallel_loop3A_88 = arith.extui %parallel_loop3A_87 : i1 to i32
      %parallel_loop3A_89 = arith.subi %parallel_loop3A_85, %parallel_loop3A_88 : i32
      %parallel_loop3A_90 = arith.constant 0 : i32
      %parallel_loop3A_91 = arith.cmpi sgt, %parallel_loop3A_81, %parallel_loop3A_90 : i32
      %parallel_loop3A_92 = arith.extui %parallel_loop3A_91 : i1 to i32
      %parallel_loop3A_93 = arith.constant 0 : i32
      %parallel_loop3A_94 = arith.cmpi slt, %parallel_loop3A_81, %parallel_loop3A_93 : i32
      %parallel_loop3A_95 = arith.extui %parallel_loop3A_94 : i1 to i32
      %parallel_loop3A_96 = arith.subi %parallel_loop3A_92, %parallel_loop3A_95 : i32
      %parallel_loop3A_97 = arith.cmpi ne, %parallel_loop3A_89, %parallel_loop3A_96 : i32
      %parallel_loop3A_98 = arith.remsi %parallel_loop3A_55, %parallel_loop3A_81 : i32
      %parallel_loop3A_99 = arith.constant 0 : i32
      %parallel_loop3A_100 = arith.cmpi ne, %parallel_loop3A_98, %parallel_loop3A_99 : i32
      %parallel_loop3A_101 = arith.andi %parallel_loop3A_97, %parallel_loop3A_100 : i1
      %parallel_loop3A_102 = arith.constant 1 : i32
      %parallel_loop3A_103 = arith.subi %parallel_loop3A_82, %parallel_loop3A_102 : i32
      %parallel_loop3A_104 = arith.select %parallel_loop3A_101, %parallel_loop3A_103, %parallel_loop3A_82 : i32
      %parallel_loop3A_105 = arith.constant 32 : i32
      %parallel_loop3A_106 = arith.muli %parallel_loop3A_104, %parallel_loop3A_105 : i32
      %parallel_loop3A_107 = arith.subi %parallel_loop3A_55, %parallel_loop3A_106 : i32
      %parallel_loop3A_108 = arith.constant 16 : i32
      %parallel_loop3A_109 = arith.muli %parallel_loop3A_107, %parallel_loop3A_108 : i32
      %parallel_loop3A_110 = arith.index_cast %parallel_loop3A_80 : i32 to index
      %parallel_loop3A_111 = arith.index_cast %parallel_loop3A_109 : i32 to index
      %parallel_loop3A_112 = tpu.vector_load %arg10[%parallel_loop3A_110, %parallel_loop3A_111] {strides = array<i32>} : memref<2x512xf32, #tpu.memory_space<vmem>>, vector<16xf32>,
      %parallel_loop3A_113 = arith.addf %parallel_loop3A_56, %parallel_loop3A_112 : vector<16xf32>
      scf.yield %parallel_loop3A_113 : vector<16xf32>
    } {sc.loop_unroll_factor = 4 : i64, sc.parallel_access}
    %swap3A = arith.constant 0 : index
    %swap3A_50 = tpu.vector_load %arg14[%swap3A] {strides = array<i32>} : memref<16xf32, #tpu.memory_space<vmem>>, vector<16xf32>,
    tpu.vector_store %arg14[%swap3A], %scan3A_42 {strides = array<i32>} : memref<16xf32, #tpu.memory_space<vmem>>, vector<16xf32>,
    %run_scoped3A_51 = arith.constant 0 : i32
    "tpu.region"() ({
      %run_scoped3A_55 = tpu.sem_alloc : memref<!tpu.dma_semaphore, #tpu.memory_space<semaphore_mem>>
      %dma_start3A_56 = arith.constant 0 : i32
      %dma_start3A_57 = tpu.memref_slice %arg6[%run_scoped3A_51, %add3A, %dma_start3A_56] : memref<2x32x16xf32, #tpu.memory_space<hbm>> -> memref<1x1x16xf32, #tpu.memory_space<hbm>>
      %dma_start3A_58 = tpu.memref_squeeze %dma_start3A_57 : memref<1x1x16xf32, #tpu.memory_space<hbm>> -> memref<16xf32, #tpu.memory_space<hbm>>
      %dma_start3A_59 = arith.constant 0 : i32
      %dma_start3A_60 = tpu.memref_slice %arg6[%run_scoped3A_51, %add3A, %dma_start3A_59] : memref<2x32x16xf32, #tpu.memory_space<hbm>> -> memref<1x1x16xf32, #tpu.memory_space<hbm>>
      %dma_start3A_61 = tpu.memref_squeeze %dma_start3A_60 : memref<1x1x16xf32, #tpu.memory_space<hbm>> -> memref<16xf32, #tpu.memory_space<hbm>>
      tpu.enqueue_dma source(%arg14 : memref<16xf32, #tpu.memory_space<vmem>>) target(%dma_start3A_61 : memref<16xf32, #tpu.memory_space<hbm>>) target_semaphore(%run_scoped3A_55 : memref<!tpu.dma_semaphore, #tpu.memory_space<semaphore_mem>>)
      %dma_wait3A = arith.constant 0 : i32
      %dma_wait3A_62 = tpu.memref_slice %arg6[%run_scoped3A_51, %add3A, %dma_wait3A] : memref<2x32x16xf32, #tpu.memory_space<hbm>> -> memref<1x1x16xf32, #tpu.memory_space<hbm>>
      %dma_wait3A_63 = tpu.memref_squeeze %dma_wait3A_62 : memref<1x1x16xf32, #tpu.memory_space<hbm>> -> memref<16xf32, #tpu.memory_space<hbm>>
      %dma_wait3A_64 = arith.constant 0 : i32
      %dma_wait3A_65 = tpu.memref_slice %arg6[%run_scoped3A_51, %add3A, %dma_wait3A_64] : memref<2x32x16xf32, #tpu.memory_space<hbm>> -> memref<1x1x16xf32, #tpu.memory_space<hbm>>
      %dma_wait3A_66 = tpu.memref_squeeze %dma_wait3A_65 : memref<1x1x16xf32, #tpu.memory_space<hbm>> -> memref<16xf32, #tpu.memory_space<hbm>>
      tpu.wait_dma2 semaphore(%run_scoped3A_55 : memref<!tpu.dma_semaphore, #tpu.memory_space<semaphore_mem>>) src(%arg14 : memref<16xf32, #tpu.memory_space<vmem>>) dst(%dma_wait3A_66 : memref<16xf32, #tpu.memory_space<hbm>>)
      tpu.yield
    }) : () -> ()
    %swap3A_52 = arith.constant 0 : index
    %swap3A_53 = tpu.vector_load %arg14[%swap3A_52] {strides = array<i32>} : memref<16xf32, #tpu.memory_space<vmem>>, vector<16xf32>,
    tpu.vector_store %arg14[%swap3A_52], %parallel_loop3A_49 {strides = array<i32>} : memref<16xf32, #tpu.memory_space<vmem>>, vector<16xf32>,
    %run_scoped3A_54 = arith.constant 1 : i32
    "tpu.region"() ({
      %run_scoped3A_55 = tpu.sem_alloc : memref<!tpu.dma_semaphore, #tpu.memory_space<semaphore_mem>>
      %dma_start3A_56 = arith.constant 0 : i32
      %dma_start3A_57 = tpu.memref_slice %arg6[%run_scoped3A_54, %add3A, %dma_start3A_56] : memref<2x32x16xf32, #tpu.memory_space<hbm>> -> memref<1x1x16xf32, #tpu.memory_space<hbm>>
      %dma_start3A_58 = tpu.memref_squeeze %dma_start3A_57 : memref<1x1x16xf32, #tpu.memory_space<hbm>> -> memref<16xf32, #tpu.memory_space<hbm>>
      %dma_start3A_59 = arith.constant 0 : i32
      %dma_start3A_60 = tpu.memref_slice %arg6[%run_scoped3A_54, %add3A, %dma_start3A_59] : memref<2x32x16xf32, #tpu.memory_space<hbm>> -> memref<1x1x16xf32, #tpu.memory_space<hbm>>
      %dma_start3A_61 = tpu.memref_squeeze %dma_start3A_60 : memref<1x1x16xf32, #tpu.memory_space<hbm>> -> memref<16xf32, #tpu.memory_space<hbm>>
      tpu.enqueue_dma source(%arg14 : memref<16xf32, #tpu.memory_space<vmem>>) target(%dma_start3A_61 : memref<16xf32, #tpu.memory_space<hbm>>) target_semaphore(%run_scoped3A_55 : memref<!tpu.dma_semaphore, #tpu.memory_space<semaphore_mem>>)
      %dma_wait3A = arith.constant 0 : i32
      %dma_wait3A_62 = tpu.memref_slice %arg6[%run_scoped3A_54, %add3A, %dma_wait3A] : memref<2x32x16xf32, #tpu.memory_space<hbm>> -> memref<1x1x16xf32, #tpu.memory_space<hbm>>
      %dma_wait3A_63 = tpu.memref_squeeze %dma_wait3A_62 : memref<1x1x16xf32, #tpu.memory_space<hbm>> -> memref<16xf32, #tpu.memory_space<hbm>>
      %dma_wait3A_64 = arith.constant 0 : i32
      %dma_wait3A_65 = tpu.memref_slice %arg6[%run_scoped3A_54, %add3A, %dma_wait3A_64] : memref<2x32x16xf32, #tpu.memory_space<hbm>> -> memref<1x1x16xf32, #tpu.memory_space<hbm>>
      %dma_wait3A_66 = tpu.memref_squeeze %dma_wait3A_65 : memref<1x1x16xf32, #tpu.memory_space<hbm>> -> memref<16xf32, #tpu.memory_space<hbm>>
      tpu.wait_dma2 semaphore(%run_scoped3A_55 : memref<!tpu.dma_semaphore, #tpu.memory_space<semaphore_mem>>) src(%arg14 : memref<16xf32, #tpu.memory_space<vmem>>) dst(%dma_wait3A_66 : memref<16xf32, #tpu.memory_space<hbm>>)
      tpu.yield
    }) : () -> ()
    return
  }
}

</mosaic_0001>

<sc_bundles>
// kernel: kernel.3.cloned.1.call-start
scs
__scs_entry_jumppad:
0x0: {  	(pc) =	sbr.rel $0x88, $3  }
0x1: {  	(tag) =	ssettag $0x0;
	lr =	simm.s32 $0x1  }
0x2: {  	[smem:$0x3F9D] =	sst lr;
	_ =	strace $0xD0000000  }
0x3: {  	_ = 	snop  }
0x4: {  	_ = 	snop  }
0x5: {  	_ = 	snop  }
0x6: {  	_ = 	snop  }
0x7: {  	_ = 	snop  }
__scs_overlays_trampoline_lowered:
0x8: {  	[smem:$0x3FAC] =	sst s0  }
0x9: {  	[smem:$0x3FAD] =	sst s1  }
0xa: {  	[smem:$0x3FAE] =	sst s2  }
0xb: {  	[smem:$0x3FAF] =	sst s3  }
0xc: {  	[smem:$0x3FB0] =	sst s4  }
0xd: {  	[smem:$0x3FB1] =	sst s5  }
0xe: {  	[smem:$0x3FB2] =	sst s6  }
0xf: {  	[smem:$0x3FB3] =	sst s7  }
0x10: {  	[smem:$0x3FB4] =	sst s8  }
0x11: {  	[smem:$0x3FB5] =	sst s9;
	s0 =	simm.s32 @!p0 $0x0  }
0x12: {  	s1 =	sld [smem:$0x3F9B];
	s0 =	simm.s32 @p0 $0x1  }
0x13: {  	[smem:$0x3FB6] =	sst s0;
	s0 =	simm.s32 @!p1 $0x0  }
0x14: {  	s2 =	sld [smem:$0x3F9A];
	s0 =	simm.s32 @p1 $0x1  }
0x15: {  	[smem:$0x3FB7] =	sst s0;
	s0 =	simm.s32 @!p2 $0x0  }
0x16: {  	s3 =	sld [smem:$0x3FDB];
	s0 =	simm.s32 @p2 $0x1  }
0x17: {  	s4 =	simm.s32 $0x1BF5;
	[smem:$0x3FB9] =	sst s0  }
0x18: {  	s0 =	sld [smem:$0x3F9C];
	_ =	swait.ge [sflag:s4], $0x0  }
0x19: {  	s7 =	sld [smem:$0x3F9D]  }
0x1a: {  	s8 =	sadd.s32 $0xFFFFE003, lr  }
0x1b: {  	s9 =	sadd.s32 $0xFFFFFEF7, lr;
	s5 =	simm.s32 $0xFFFFFFFF;
	p2 =	slt.u32 s8, $0xFFFFF086  }
0x1c: {  	p1 =	slt.u32 s9, $0xF7A;
	s5 =	simm.s32 @!p2 $0x0  }
0x1d: {  	s5 =	simm.s32 @p1 $0x1;
	p0 =	seq.s32 s7, s2  }
0x1e: {  	s7 =	smul.u32 @!p0 $0xF7A, s2;
	p2 =	seq.s32 @!p0 s5, $0x0  }
0x1f: {  	s9 =	smul.u32 $0xF7A, s1;
	s8 =	simm.s32 @!p0 $0x1BF5;
	p2 =	por !p2, p0  }
0x20: {  	[sflag:s8] =	ssyncset.s32 @!p0 $0xFFFFF086;
	s6 =	sadd.s32 @!p0 s3, s7;
	s7 =	simm.s32 @!p0 $0x108  }
0x21: {  	s3 =	sadd.s32 s3, s9;
	s6 =	sadd.s32 @!p0 $0x88, s6;
	s7 =	simm.s32 @p2 $0x1082  }
0x22: {  	[simem:s7], [sflag:s8] =	dma.local @!p0 [hbm:s6], $0xF7A  }
0x23: {  	s9 =	sor.u32 $0xD0000000, s2;
	s6 =	simm.s32 $0x108;
	_ =	swait.ge @!p0 [sflag:s8], $0x0  }
0x24: {  	s3 =	sadd.s32 $0x88, s3;
	s6 =	simm.s32 @!p1 $0x1082;
	[sflag:s4] =	ssyncset.s32 $0xFFFFF086  }
0x25: {  	[simem:s6], [sflag:s4] =	dma.local [hbm:s3], $0xF7A  }
0x26: {  	[smem:$0x3F9D] =	sst s1;
	(tag) =	ssettag s2;
	_ =	strace s9  }
0x27: {  	s1 =	sld [smem:$0x3FAD]  }
0x28: {  	s2 =	sld [smem:$0x3FAE]  }
0x29: {  	s4 =	sld [smem:$0x3FB0]  }
0x2a: {  	p0 =	seq.s32 s5, $0x0;
	s5 =	sld [smem:$0x3FB1]  }
0x2b: {  	s6 =	sld [smem:$0x3FB2]  }
0x2c: {  	s7 =	sld [smem:$0x3FB3]  }
0x2d: {  	s3 =	simm.s32 $0x108;
	s8 =	sld [smem:$0x3FB4]  }
0x2e: {  	s3 =	simm.s32 @!p0 $0x1082;
	s9 =	sld [smem:$0x3FB5]  }
0x2f: {  	lr =	sadd.s32 s0, s3;
	s0 =	sld [smem:$0x3FAC]  }
0x30: {  	s3 =	sld [smem:$0x3FAF]  }
0x31: {  	[smem:$0x3FB8] =	sst s10  }
0x32: {  	s10 =	sld [smem:$0x3FB6];
	_ =	sdelay $0x3  }
0x33: {  	p0 =	seq.s32 s10, $0x1;
	s10 =	sld [smem:$0x3FB8];
	_ =	sdelay $0x3  }
0x34: {  	[smem:$0x3FB8] =	sst s10  }
0x35: {  	s10 =	sld [smem:$0x3FB7];
	_ =	sdelay $0x3  }
0x36: {  	p1 =	seq.s32 s10, $0x1;
	s10 =	sld [smem:$0x3FB8];
	_ =	sdelay $0x3  }
0x37: {  	[smem:$0x3FB8] =	sst s10  }
0x38: {  	s10 =	sld [smem:$0x3FB9]  }
0x39: {  	_ = 	snop;
	(pc) =	sbr.ind lr, $3  }
0x3a: {  	_ = 	snop  }
0x3b: {  	_ = 	snop  }
0x3c: {  	p2 =	seq.s32 s10, $0x1;
	s10 =	sld [smem:$0x3FB8]  }
0x3d: {  	_ =	shalt  }
0x3e: {  	_ =	shalt  }
0x3f: {  	_ =	shalt  }
0x40: {  	_ =	shalt  }
0x41: {  	_ =	shalt  }
0x42: {  	_ =	shalt  }
0x43: {  	_ =	shalt  }
0x44: {  	_ =	shalt  }
0x45: {  	_ =	shalt  }
0x46: {  	_ =	shalt  }
0x47: {  	_ =	shalt  }
0x48: {  	_ =	shalt  }
0x49: {  	_ =	shalt  }
0x4a: {  	_ =	shalt  }
0x4b: {  	_ =	shalt  }
0x4c: {  	_ =	shalt  }
0x4d: {  	_ =	shalt  }
0x4e: {  	_ =	shalt  }
0x4f: {  	_ =	shalt  }
0x50: {  	_ =	shalt  }
0x51: {  	_ =	shalt  }
0x52: {  	_ =	shalt  }
0x53: {  	_ =	shalt  }
0x54: {  	_ =	shalt  }
0x55: {  	_ =	shalt  }
0x56: {  	_ =	shalt  }
0x57: {  	_ =	shalt  }
0x58: {  	_ =	shalt  }
0x59: {  	_ =	shalt  }
0x5a: {  	_ =	shalt  }
0x5b: {  	_ =	shalt  }
0x5c: {  	_ =	shalt  }
0x5d: {  	_ =	shalt  }
0x5e: {  	_ =	shalt  }
0x5f: {  	_ =	shalt  }
0x60: {  	_ =	shalt  }
0x61: {  	_ =	shalt  }
0x62: {  	_ =	shalt  }
0x63: {  	_ =	shalt  }
0x64: {  	_ =	shalt  }
0x65: {  	_ =	shalt  }
0x66: {  	_ =	shalt  }
0x67: {  	_ =	shalt  }
0x68: {  	_ =	shalt  }
0x69: {  	_ =	shalt  }
0x6a: {  	_ =	shalt  }
0x6b: {  	_ =	shalt  }
0x6c: {  	_ =	shalt  }
0x6d: {  	_ =	shalt  }
0x6e: {  	_ =	shalt  }
0x6f: {  	_ =	shalt  }
0x70: {  	_ =	shalt  }
0x71: {  	_ =	shalt  }
0x72: {  	_ =	shalt  }
0x73: {  	_ =	shalt  }
0x74: {  	_ =	shalt  }
0x75: {  	_ =	shalt  }
0x76: {  	_ =	shalt  }
0x77: {  	_ =	shalt  }
0x78: {  	_ =	shalt  }
0x79: {  	_ =	shalt  }
0x7a: {  	_ =	shalt  }
0x7b: {  	_ =	shalt  }
0x7c: {  	_ =	shalt  }
0x7d: {  	_ =	shalt  }
0x7e: {  	_ =	shalt  }
0x7f: {  	_ =	shalt  }
0x80: {  	_ =	shalt  }
0x81: {  	_ =	shalt  }
0x82: {  	_ =	shalt  }
0x83: {  	_ =	shalt  }
0x84: {  	_ =	shalt  }
0x85: {  	_ =	shalt  }
0x86: {  	_ =	shalt  }
0x87: {  	_ =	shalt  }
.Lfunc_end0:
.L_simem_size_0:
called_computation_lowered:
.L_overlay_start_0:
0x88: {  	s2 =	sld [smem:$0x3FD9]  }
0x89: {  	s3 =	sld [smem:$0x3FFE];
	_ =	sdelay $0x1  }
0x8a: {  	s1 =	srdreg.scid  }
0x8b: {  	s0 =	sand.u32 $0x1, s1  }
0x8c: {  	s17 =	sshll.u32 s0, $0xA;
	s2 =	sadd.s32 s3, s2  }
0x8d: {  	s2 =	sadd.s32 s2, s17  }
0x8e: {  	[smem:$0x3FC4] =	sst s2  }
0x8f: {  	_ = 	snop  }
0x90: {  	s2 =	sld [smem:$0x3FC9]  }
0x91: {  	s18 =	sld [smem:$0x3FC8]  }
0x92: {  	s4 =	sld [smem:$0x3FC7]  }
0x93: {  	s5 =	sld [smem:$0x3FC6];
	(tm) =	ssettm $0x1  }
0x94: {  	s6 =	sld [smem:$0x3FFB];
	_ =	sdelay $0x3  }
0x95: {  	_ =	strace s6  }
0x96: {  	s6 =	sld [smem:$0x3FFC];
	_ =	sdelay $0x3  }
0x97: {  	_ =	strace s6  }
0x98: {  	s6 =	sld [smem:$0x3FFD];
	_ =	sdelay $0x3  }
0x99: {  	_ =	strace s6  }
0x9a: {  	_ =	strace $0x8FFFFFFF  }
0x9b: {  	s19 =	sld [smem:$0x3FDB];
	_ =	sdelay $0x1  }
0x9c: {  	s7 =	simm.s32 $_scs_section_size  }
0x9d: {  	s8 =	simm.s32 $_size__tile_overlayer_lowered;
	s9 =	simm.s32 $_tile_overlayer_lowered  }
0x9e: {  	s22 =	simm.s32 $0x1BFF;
	s21 =	sshll.u32 s9, $0x1;
	s6 =	sadd.s32 s7, s19  }
0x9f: {  	s10 =	simm.s32 $0x0;
	s20 =	sshll.u32 s8, $0x1;
	s8 =	sadd.s32 s21, s6  }
0xa0: {  	[timem:s10], [sflag:s22] =	dma.local [hbm:s8], s20  }
0xa1: {  	_ =	swait.ge [sflag:s22], s20  }
0xa2: {  	s7 =	ssub.s32 $0x0, s20;
	[sflag:s22] =	ssyncset.done $0x0  }
0xa3: {  	[sflag:s22] =	ssyncadd.s32 s7;
	_ =	sdelay $0x1  }
0xa4: {  	s23 =	simm.s32 $0x1B8B  }
0xa5: {  	_ =	swait.ge [sflag:s23], $0x1  }
0xa6: {  	[sflag:s23] =	ssyncset.done $0x0  }
0xa7: {  	s25 =	simm.s32 $0x1B8E;
	s24 =	sld [smem:$0x3FFE];
	[sflag:s23] =	ssyncadd.s32 $0xFFFFFFFF  }
0xa8: {  	s26 =	simm.s32 $execute0_lowered;
	[smem:$0x3FD2] =	sst s25  }
0xa9: {  	s8 =	sshll.u32 s26, $0x1;
	_ =	strace $0x80000046;
	[dreg:$0x1] =	wrdreg $0xFFFFFFFF  }
0xaa: {  	s28 =	simm.s32 $_size_execute0_lowered;
	s6 =	sadd.s32 s6, s8;
	[dreg:$0x0] =	wrdreg $0x0  }
0xab: {  	s8 =	sshll.u32 s28, $0x1;
	[dreg:$0x2] =	wrdreg s6  }
0xac: {  	[dreg:$0x3] =	wrdreg s8  }
0xad: {  	[dreg:$0x4] =	wrdreg $0xC0  }
0xae: {  	_ =	task [dreg:s10], $0x5FFFF  }
0xaf: {  	[dreg:$0x1] =	wrdreg $0xFFFFFFFF  }
0xb0: {  	[dreg:$0x0] =	wrdreg $0x60  }
0xb1: {  	[dreg:$0x2] =	wrdreg s2  }
0xb2: {  	[dreg:$0x3] =	wrdreg s4  }
0xb3: {  	[dreg:$0x4] =	wrdreg s18  }
0xb4: {  	[dreg:$0x5] =	wrdreg s5  }
0xb5: {  	[dreg:$0x6] =	wrdreg s24  }
0xb6: {  	[dreg:$0x7] =	wrdreg $0x9  }
0xb7: {  	_ =	task.clear_ibuf [dreg:s10], $0x8FFFF;
	_ =	strace $0x90000046  }
0xb8: {  	s29 =	simm.s32 $0x9;
	_ =	strace $0x80000048  }
0xb9: {  	_ =	swait.ge [sflag:s29], $0x1  }
0xba: {  	[sflag:s29] =	ssyncadd.s32 $0xFFFFFFFF  }
0xbb: {  	_ =	strace $0x90000048  }
0xbc: {  	_ =	sfence  }
0xbd: {  	s30 =	sld [smem:$0x0];
	_ =	sdelay $0x2  }
0xbe: {  	s31 =	sshll.u32 s1, $0xD;
	s1 =	sshrl.u32 s1, $0x2  }
0xbf: {  	s3 =	sand.u32 $0x4000, s31;
	s1 =	sadd.s32 s1, s30  }
0xc0: {  	s0 =	sor.u32 s3, s0;
	s1 =	sshll.u32 s1, $0x11  }
0xc1: {  	s0 =	sor.u32 s1, s0  }
0xc2: {  	s0 =	sadd.s32 $0x8F2B, s0  }
0xc3: {  	[sflag:s0] =	ssyncadd.remote.s32 $0x1  }
0xc4: {  	_ =	sfence.sel $0xFFFF  }
0xc5: {  	[dreg:$0x0] =	wrdreg $0xFFFFFFFF;
	(pc) =	sbr.abs _section_cstart, $3  }
0xc6: {  	[dreg:$0x1] =	wrdreg $0xFFFFFFFF  }
0xc7: {  	_ =	task.clear_ibuf [dreg:s10], $0x2FFFF;
	_ =	strace $0x9FFFFFFF  }
0xc8: {  	(tm) =	ssettm $0x7FFFFFFF  }
0xc9: {  	_ =	shalt  }
tec
execute0_lowered:
.L_overlay_start_1:
0x0: {  	(tag) =	ssettag $0x1  }
0x1: {  	s10 =	rddreg [dreg:$0x0]  }
0x2: {  	s0 =	rddreg [dreg:$0x1]  }
0x3: {  	s1 =	rddreg [dreg:$0x2]  }
0x4: {  	s2 =	rddreg [dreg:$0x3];
	s3 =	srdreg.scid  }
0x5: {  	s7 =	stileid.u32;
	s4 =	rddreg [dreg:$0x4]  }
0x6: {  	s11 =	simm.s32 $0x0;
	s3 =	sand.u32 $0x1, s3;
	s5 =	sshll.u32 s7, $0x1  }
0x7: {  	[smem:$0x7FF] =	sst s11;
	s16 =	sshll.u32 s7, $0xB;
	s5 =	sor.u32 s3, s5  }
0x8: {  	s3 =	ssub.s32 $0x2, s3;
	_ =	strace $0x80000047;
	s6 =	sshll.u32 s5, $0x4  }
0x9: {  	s15 =	sshrl.u32 s3, $0x1;
	s17 =	sshll.u32 s5, $0x8;
	s8 =	smul.u32 $0x26000, s5  }
0xa: {  	s21 =	sshll.u32 s5, $0x1;
	s9 =	sshllo.u32 s5, $0x1;
	s5 =	sshll.u32 s5, $0xB  }
0xb: {  	s4 =	sadd.s32 s6, s4;
	s3 =	ssub.s32 s3, s15;
	s6 =	sand.u32 $0x7000, s16  }
0xc: {  	s7 =	sand.u32 $0x300, s17;
	s5 =	sadd.s32 s2, s5;
	[smem:$0x7FD] =	sst s21  }
0xd: {  	s22 =	sshll.u32 s9, $0xA;
	s10 =	sadd.s32 s10, s8;
	[smem:$0x7F2] =	sst s5  }
0xe: {  	s18 =	sshll.u32 s9, $0x7;
	s24 =	sadd.s32 s2, s22;
	[smem:$0x7EF] =	sst s10  }
0xf: {  	s7 =	sor.u32 s6, s7;
	s25 =	sadd.s32 $0x200, s4;
	[smem:$0x7F5] =	sst s24  }
0x10: {  	s8 =	sand.u32 $0x380, s18;
	s26 =	sadd.s32 $0x400, s4;
	[smem:$0x7F6] =	sst s25  }
0x11: {  	s28 =	smax.u32 s3, $0x1;
	s7 =	sshrl.u32 s7, $0x3;
	[smem:$0x7F7] =	sst s26  }
0x12: {  	s10 =	sadd.s32 $0x1300, s10;
	s6 =	sor.u32 s6, s8;
	[smem:$0x7F8] =	sst s28  }
0x13: {  	[smem:$0x7F0] =	sst s10;
	s19 =	sadd.s32 s0, s7;
	s7 =	sadd.s32 s1, s7  }
0x14: {  	v0 =	vimm.s32 $0xECA86420;
	vm0 =	vcmask $0xB08;
	vm1 =	vcmask $0x1310;
	s20 =	sshrl.u32 s6, $0x3;
	[smem:$0x7F1] =	sst s7  }
0x15: {  	vm2 =	vcmask $0x1B18;
	vm3 =	vcmask $0x300;
	vm4 =	vcmask $0x2320;
	s0 =	sadd.s32 s0, s20;
	[smem:$0x7FB] =	sst s19  }
0x16: {  	vm5 =	vcmask $0x2B28;
	vm6 =	vcmask $0x3330;
	vm7 =	vcmask $0x3B38;
	s23 =	sadd.s32 s1, s20;
	[smem:$0x7F3] =	sst s0  }
0x17: {  	v1 =	vlaneseq.u32;
	vm8 =	vmmov $0xff;
	vm9 =	vcmask $0x704;
	s29 =	sadd.s32 $0x80, s19;
	[smem:$0x7F4] =	sst s23  }
0x18: {  	vm10 =	vcmask $0xF0C;
	vm11 =	vcmask $0x1714;
	v0 =	vunpack.c.l.s4.s8 v0;
	s22 =	simm.s32 $0x5000;
	s30 =	sadd.s32 $0x100, s19;
	[smem:$0x7F9] =	sst s29  }
0x19: {  	vm12 =	vcmask $0x1F1C;
	vm13 =	vcmask $0x2724;
	vm14 =	vcmask $0x2F2C;
	s2 =	simm.s32 $0x3;
	s31 =	sadd.s32 $0x180, s19;
	[smem:$0x7FA] =	sst s30  }
0x1a: {  	vm15 =	vcmask $0x3734;
	v1 =	vmul.u32 $0x2, v1;
	v0 =	vunpack.c.0.s8.s32 v0;
	s1 =	simm.s32 $0x0;
	[smem:$0x7FC] =	sst s31;
	s23 =	simm.s32 $0xE800  }
.LBB2_1:
0x1b: {  	s0 =	sld [smem:$0x7EF];
	_ =	sdelay $0x1  }
0x1c: {  	s18 =	sld [smem:$0x7F0]  }
0x1d: {  	[tilespmem:s22], [sflag:$0x1] =	stream.linear.gather [hbm4b:s0+s11], $0x9800, $0x38;
	[tilespmem:$0x18080] =	vst v63  }
0x1e: {  	s19 =	sld [smem:$0x7FB]  }
0x1f: {  	[tilespmem:s23], [sflag:$0x2] =	stream.linear.gather [hbm4b:s18+s11], $0x9800, $0x38;
	[tilespmem:$0x18080] =	vst v63  }
0x20: {  	s20 =	sld [smem:$0x7F9]  }
0x21: {  	[tilespmem:s11], [sflag:$0x3] =	stream.linear.gather [hbm4b:s19+s11], $0x80, $0x38;
	[tilespmem:$0x18080] =	vst v63  }
0x22: {  	s21 =	simm.s32 $0x100;
	s22 =	sld [smem:$0x7FA]  }
0x23: {  	[tilespmem:s21], [sflag:$0x3] =	stream.linear.gather [hbm4b:s20+s11], $0x80, $0x38;
	[tilespmem:$0x18080] =	vst v63  }
0x24: {  	s24 =	sld [smem:$0x7FC];
	s23 =	simm.s32 $0x200  }
0x25: {  	[tilespmem:s23], [sflag:$0x3] =	stream.linear.gather [hbm4b:s22+s11], $0x80, $0x38;
	[tilespmem:$0x18080] =	vst v63  }
0x26: {  	[smem:$0x786] =	sst s1;
	s25 =	simm.s32 $0x300  }
0x27: {  	[tilespmem:s25], [sflag:$0x3] =	stream.linear.gather [hbm4b:s24+s11], $0x80, $0x38;
	[tilespmem:$0x18080] =	vst v63  }
0x28: {  	_ =	swait.ge [sflag:s2], $0x200  }
0x29: {  	s26 =	sld [smem:$0x7F1]  }
0x2a: {  	[sflag:s2] =	ssyncset.done $0x0  }
0x2b: {  	s4 =	simm.s32 $0x800;
	[sflag:s2] =	ssyncadd.s32 $0xFFFFFE00  }
0x2c: {  	[tilespmem:s4], [sflag:$0x3] =	stream.linear.gather [hbm4b:s26+s11], $0x80, $0x38;
	[tilespmem:$0x18080] =	vst v63  }
0x2d: {  	s3 =	simm.s32 $0x900;
	s5 =	sadd.s32 $0x80, s26  }
0x2e: {  	[tilespmem:s3], [sflag:$0x3] =	stream.linear.gather [hbm4b:s5+s11], $0x80, $0x38;
	[tilespmem:$0x18080] =	vst v63  }
0x2f: {  	s7 =	simm.s32 $0xA00;
	s6 =	sadd.s32 $0x100, s26  }
0x30: {  	[tilespmem:s7], [sflag:$0x3] =	stream.linear.gather [hbm4b:s6+s11], $0x80, $0x38;
	[tilespmem:$0x18080] =	vst v63  }
0x31: {  	s9 =	simm.s32 $0xB00;
	s8 =	sadd.s32 $0x180, s26  }
0x32: {  	[tilespmem:s9], [sflag:$0x3] =	stream.linear.gather [hbm4b:s8+s11], $0x80, $0x38;
	[tilespmem:$0x18080] =	vst v63  }
0x33: {  	_ =	swait.ge [sflag:s2], $0x200  }
0x34: {  	s10 =	sld [smem:$0x7F2]  }
0x35: {  	[sflag:s2] =	ssyncset.done $0x0  }
0x36: {  	s12 =	simm.s32 $0x1000;
	[sflag:s2] =	ssyncadd.s32 $0xFFFFFE00  }
0x37: {  	[tilespmem:s12], [sflag:$0x3] =	stream.linear.gather [hbm4b:s10+s11], $0x2000, $0x38;
	[tilespmem:$0x18080] =	vst v63  }
0x38: {  	_ =	swait.ge [sflag:s2], $0x2000  }
0x39: {  	s13 =	sand.u32 $0x40, s11;
	s14 =	sand.u32 $0x300, s11;
	[sflag:s2] =	ssyncset.done $0x0  }
0x3a: {  	s6 =	sor.u32 s13, s14;
	[sflag:s2] =	ssyncadd.s32 $0xFFFFE000  }
0x3b: {  	v5 =	vld [tilespmem:s6+$0x30];
	_ =	sdelay $0x4  }
0x3c: {  	(v2sf) =	vpush v5, $0xF  }
0x3d: {  	(v2sf) =	vpush v5, $0xB;
	_ =	sdelay $0x1  }
0x3e: {  	(v2sf) =	vpush v5, $0x6  }
0x3f: {  	(v2sf) =	vpush v5, $0xE;
	_ =	sdelay $0x1  }
0x40: {  	(v2sf) =	vpush v5, $0xA;
	_ =	sdelay $0x1  }
0x41: {  	(v2sf) =	vpush v5, $0xD  }
0x42: {  	(v2sf) =	vpush v5, $0x9  }
0x43: {  	(v2sf) =	vpush v5, $0x5;
	_ =	sdelay $0x1  }
0x44: {  	(v2sf) =	vpush v5, $0xC  }
0x45: {  	(v2sf) =	vpush v5, $0x8;
	_ =	sdelay $0x1  }
0x46: {  	(v2sf) =	vpush v5, $0x4;
	s15 =	spop (v2sf)  }
0x47: {  	s9 =	smulhi.u32 $0x6BCA1AF3, s15;
	s16 =	spop (v2sf)  }
0x48: {  	s0 =	sshra.s32 s15, $0x1F;
	s25 =	smulhi.u32 $0x6BCA1AF3, s16  }
0x49: {  	s19 =	spop (v2sf);
	s15 =	smul.u32 $0x6BCA1AF3, s0  }
0x4a: {  	s29 =	smulhi.u32 $0x6BCA1AF3, s19;
	s20 =	spop (v2sf)  }
0x4b: {  	(v2sf) =	vpush v5, $0x3;
	s2 =	sshra.s32 s19, $0x1F;
	s28 =	smulhi.u32 $0x6BCA1AF3, s20  }
0x4c: {  	s4 =	spop (v2sf);
	s31 =	smul.u32 $0x6BCA1AF3, s2  }
0x4d: {  	[smem:$0x7B8] =	sst s6;
	s3 =	sshra.s32 s20, $0x1F;
	s5 =	smulhi.u32 $0x6BCA1AF3, s4  }
0x4e: {  	s21 =	spop (v2sf);
	s11 =	smul.u32 $0x6BCA1AF3, s3  }
0x4f: {  	s7 =	smulhi.u32 $0x6BCA1AF3, s21;
	s8 =	spop (v2sf)  }
0x50: {  	s10 =	smulhi.u32 $0x6BCA1AF3, s8;
	s12 =	spop (v2sf)  }
0x51: {  	[smem:$0x787] =	sst s5;
	s22 =	smulhi.u32 $0x6BCA1AF3, s12  }
0x52: {  	(v2sf) =	vpush v5, $0x2;
	s13 =	spop (v2sf);
	[smem:$0x789] =	sst s10  }
0x53: {  	s23 =	smulhi.u32 $0x6BCA1AF3, s13;
	s14 =	spop (v2sf)  }
0x54: {  	(v2sf) =	vpush v5, $0x1;
	[smem:$0x78A] =	sst s22;
	s24 =	smulhi.u32 $0x6BCA1AF3, s14  }
0x55: {  	s17 =	spop (v2sf);
	[smem:$0x788] =	sst s23  }
0x56: {  	s5 =	sshra.s32 s21, $0x1F;
	s26 =	smulhi.u32 $0x6BCA1AF3, s17;
	[smem:$0x78B] =	sst s24  }
0x57: {  	s4 =	sshra.s32 s4, $0x1F;
	s0 =	smul.u32 $0x6BCA1AF3, s5;
	(v2sf) =	vpush v5, $0x0;
	v2 =	vld [tilespmem:s6+$0x0]  }
0x58: {  	s12 =	sshra.s32 s12, $0x1F;
	s10 =	smul.u32 $0x6BCA1AF3, s4;
	[smem:$0x78C] =	sst s26  }
0x59: {  	s13 =	sshra.s32 s13, $0x1F;
	s20 =	smul.u32 $0x6BCA1AF3, s12;
	(v2sf) =	vpush v5, $0x7;
	v3 =	vld [tilespmem:s6+$0x10]  }
0x5a: {  	s4 =	smul.u32 $0x6BCA1AF3, s13;
	s18 =	spop (v2sf);
	v4 =	vld [tilespmem:s6+$0x20]  }
0x5b: {  	s8 =	sshra.s32 s8, $0x1F;
	s30 =	smulhi.u32 $0x6BCA1AF3, s18  }
0x5c: {  	s17 =	sshra.s32 s17, $0x1F;
	s24 =	smul.u32 $0x6BCA1AF3, s8;
	(v2sf) =	vpush v2, $0x7  }
0x5d: {  	s8 =	smul.u32 $0x6BCA1AF3, s17;
	s21 =	sshra.s32 s18, $0x1F  }
0x5e: {  	s1 =	sshra.s32 s16, $0x1F;
	s2 =	smul.u32 $0x6BCA1AF3, s21;
	(v2sf) =	vpush v3, $0x7  }
0x5f: {  	s16 =	sshra.s32 s14, $0x1F;
	s0 =	sadd.s32 s0, s7;
	s6 =	smul.u32 $0x6BCA1AF3, s1;
	(v2sf) =	vpush v4, $0x7  }
0x60: {  	s11 =	sadd.s32 s11, s28;
	s1 =	smul.u32 $0x6BCA1AF3, s16;
	[smem:$0x7BE] =	sst s0;
	(v2sf) =	vpush v2, $0x0  }
0x61: {  	[smem:$0x7C1] =	sst s11;
	s19 =	spop (v2sf);
	(v2sf) =	vpush v3, $0x0  }
0x62: {  	[smem:$0x794] =	sst s2;
	s22 =	smulhi.u32 $0x6BCA1AF3, s19;
	s3 =	sshra.s32 s19, $0x1F  }
0x63: {  	s6 =	sadd.s32 s6, s25;
	s26 =	spop (v2sf);
	s23 =	smul.u32 $0x6BCA1AF3, s3  }
0x64: {  	[smem:$0x7C4] =	sst s6;
	s5 =	smulhi.u32 $0x6BCA1AF3, s26;
	s2 =	sshra.s32 s26, $0x1F;
	(v2sf) =	vpush v4, $0x0  }
0x65: {  	[smem:$0x790] =	sst s22;
	s2 =	smul.u32 $0x6BCA1AF3, s2  }
0x66: {  	[smem:$0x791] =	sst s23;
	s12 =	spop (v2sf)  }
0x67: {  	[smem:$0x792] =	sst s5;
	(v2sf) =	vpush v2, $0x1;
	s13 =	smulhi.u32 $0x6BCA1AF3, s12;
	s3 =	sshra.s32 s12, $0x1F  }
0x68: {  	(v2sf) =	vpush v3, $0x1;
	s16 =	spop (v2sf);
	s14 =	smul.u32 $0x6BCA1AF3, s3  }
0x69: {  	[smem:$0x793] =	sst s2;
	(v2sf) =	vpush v4, $0x1;
	s17 =	smulhi.u32 $0x6BCA1AF3, s16;
	s2 =	sshra.s32 s16, $0x1F  }
0x6a: {  	[smem:$0x78E] =	sst s13;
	s13 =	smul.u32 $0x6BCA1AF3, s2  }
0x6b: {  	[smem:$0x78F] =	sst s14;
	s18 =	spop (v2sf)  }
0x6c: {  	[smem:$0x78D] =	sst s17;
	s21 =	sshra.s32 s18, $0x1F;
	s3 =	smulhi.u32 $0x6BCA1AF3, s18  }
0x6d: {  	s19 =	spop (v2sf);
	s5 =	smul.u32 $0x6BCA1AF3, s21  }
0x6e: {  	(v2sf) =	vpush v2, $0x2;
	s22 =	spop (v2sf);
	s23 =	sshra.s32 s19, $0x1F;
	s2 =	smulhi.u32 $0x6BCA1AF3, s19  }
0x6f: {  	s12 =	smul.u32 $0x6BCA1AF3, s23;
	s14 =	spop (v2sf)  }
0x70: {  	s26 =	sshra.s32 s22, $0x1F;
	s18 =	smulhi.u32 $0x6BCA1AF3, s22;
	s19 =	spop (v2sf)  }
0x71: {  	s21 =	sshra.s32 s14, $0x1F;
	[smem:$0x797] =	sst s12;
	s12 =	smul.u32 $0x6BCA1AF3, s26  }
0x72: {  	(v2sf) =	vpush v3, $0x2;
	[smem:$0x795] =	sst s5;
	s17 =	smul.u32 $0x6BCA1AF3, s21;
	s23 =	sshra.s32 s19, $0x1F  }
0x73: {  	(v2sf) =	vpush v4, $0x2;
	s22 =	spop (v2sf);
	s5 =	smul.u32 $0x6BCA1AF3, s23  }
0x74: {  	[smem:$0x79A] =	sst s18;
	s26 =	sshra.s32 s22, $0x1F;
	s23 =	smulhi.u32 $0x6BCA1AF3, s19  }
0x75: {  	[smem:$0x799] =	sst s12;
	s16 =	smul.u32 $0x6BCA1AF3, s26  }
0x76: {  	s26 =	smulhi.u32 $0x6BCA1AF3, s14;
	s14 =	spop (v2sf)  }
0x77: {  	(v2sf) =	vpush v2, $0x3;
	[smem:$0x79B] =	sst s5;
	s12 =	spop (v2sf);
	s5 =	sshra.s32 s14, $0x1F  }
0x78: {  	(v2sf) =	vpush v3, $0x3;
	s19 =	smul.u32 $0x6BCA1AF3, s5;
	s18 =	spop (v2sf)  }
0x79: {  	[smem:$0x796] =	sst s3;
	(v2sf) =	vpush v4, $0x3;
	s14 =	smulhi.u32 $0x6BCA1AF3, s14;
	s3 =	sshra.s32 s18, $0x1F  }
0x7a: {  	[smem:$0x79C] =	sst s19;
	s19 =	sshra.s32 s12, $0x1F;
	s5 =	smul.u32 $0x6BCA1AF3, s3  }
0x7b: {  	[smem:$0x798] =	sst s2;
	(v2sf) =	vpush v2, $0x4;
	s21 =	smul.u32 $0x6BCA1AF3, s19  }
0x7c: {  	[smem:$0x79D] =	sst s14;
	s19 =	smulhi.u32 $0x6BCA1AF3, s12  }
0x7d: {  	s12 =	spop (v2sf);
	[smem:$0x7A0] =	sst s5  }
0x7e: {  	s2 =	sshra.s32 s12, $0x1F;
	s12 =	smulhi.u32 $0x6BCA1AF3, s12;
	[smem:$0x79E] =	sst s21  }
0x7f: {  	[smem:$0x79F] =	sst s19;
	s21 =	smulhi.u32 $0x6BCA1AF3, s18  }
0x80: {  	s3 =	smul.u32 $0x6BCA1AF3, s2;
	[smem:$0x7A3] =	sst s12  }
0x81: {  	s14 =	spop (v2sf);
	[smem:$0x7A1] =	sst s21  }
0x82: {  	s18 =	spop (v2sf);
	s5 =	sshra.s32 s14, $0x1F;
	s19 =	smulhi.u32 $0x6BCA1AF3, s14  }
0x83: {  	[smem:$0x7A2] =	sst s3;
	s21 =	smul.u32 $0x6BCA1AF3, s5;
	s3 =	sshra.s32 s18, $0x1F  }
0x84: {  	s5 =	smul.u32 $0x6BCA1AF3, s3;
	[smem:$0x7A5] =	sst s19  }
0x85: {  	[smem:$0x7A4] =	sst s21;
	s21 =	smulhi.u32 $0x6BCA1AF3, s18  }
0x86: {  	(v2sf) =	vpush v3, $0x4;
	[smem:$0x7A6] =	sst s5;
	s12 =	spop (v2sf)  }
0x87: {  	(v2sf) =	vpush v4, $0x4;
	[smem:$0x7A7] =	sst s21;
	s18 =	spop (v2sf);
	s2 =	sshra.s32 s12, $0x1F  }
0x88: {  	s3 =	smul.u32 $0x6BCA1AF3, s2;
	s19 =	spop (v2sf);
	s21 =	sshra.s32 s18, $0x1F  }
0x89: {  	s5 =	smul.u32 $0x6BCA1AF3, s21;
	s21 =	sld [smem:$0x787]  }
0x8a: {  	s0 =	spop (v2sf);
	[smem:$0x7A8] =	sst s3  }
0x8b: {  	s3 =	sadd.s32 s15, s9;
	s9 =	smulhi.u32 $0x6BCA1AF3, s12;
	[smem:$0x7AA] =	sst s5  }
0x8c: {  	s12 =	smulhi.u32 $0x6BCA1AF3, s18;
	s15 =	sshra.s32 s0, $0x1F;
	[smem:$0x7C3] =	sst s3  }
0x8d: {  	s18 =	smul.u32 $0x6BCA1AF3, s15;
	s15 =	sld [smem:$0x78C]  }
0x8e: {  	[smem:$0x7A9] =	sst s9  }
0x8f: {  	s14 =	sshra.s32 s19, $0x1F;
	[smem:$0x7AB] =	sst s12  }
0x90: {  	s0 =	smulhi.u32 $0x6BCA1AF3, s0;
	s2 =	sadd.s32 s10, s21;
	s10 =	sld [smem:$0x789]  }
0x91: {  	s5 =	smul.u32 $0x6BCA1AF3, s14;
	s12 =	sld [smem:$0x78A]  }
0x92: {  	s14 =	smulhi.u32 $0x6BCA1AF3, s19;
	[smem:$0x7AF] =	sst s0  }
0x93: {  	(v2sf) =	vpush v2, $0xC;
	[smem:$0x7AC] =	sst s5  }
0x94: {  	(v2sf) =	vpush v2, $0x8;
	[smem:$0x7AD] =	sst s14  }
0x95: {  	(v2sf) =	vpush v3, $0xC;
	s6 =	spop (v2sf);
	[smem:$0x7AE] =	sst s18  }
0x96: {  	s7 =	spop (v2sf);
	s19 =	sshra.s32 s6, $0x1F;
	[smem:$0x7C2] =	sst s2  }
0x97: {  	s25 =	smul.u32 $0x6BCA1AF3, s19;
	s5 =	sld [smem:$0x788]  }
0x98: {  	(v2sf) =	vpush v3, $0x8;
	s19 =	smulhi.u32 $0x6BCA1AF3, s7;
	s14 =	sld [smem:$0x78B]  }
0x99: {  	[smem:$0x7B0] =	sst s25  }
0x9a: {  	s3 =	sshra.s32 s7, $0x1F;
	[smem:$0x7B3] =	sst s19  }
0x9b: {  	s11 =	smul.u32 $0x6BCA1AF3, s3;
	s0 =	sadd.s32 s8, s15;
	s15 =	sld [smem:$0x791]  }
0x9c: {  	s19 =	sld [smem:$0x792]  }
0x9d: {  	s18 =	smulhi.u32 $0x6BCA1AF3, s6;
	[smem:$0x7B2] =	sst s11  }
0x9e: {  	[smem:$0x7C5] =	sst s0  }
0x9f: {  	[smem:$0x7B1] =	sst s18  }
0xa0: {  	s2 =	sadd.s32 s4, s5;
	s1 =	sadd.s32 s1, s14;
	s14 =	sld [smem:$0x790]  }
0xa1: {  	[smem:$0x7BC] =	sst s2  }
0xa2: {  	s6 =	spop (v2sf);
	[smem:$0x7BD] =	sst s1  }
0xa3: {  	(v2sf) =	vpush v4, $0xC;
	s5 =	spop (v2sf);
	s2 =	sadd.s32 s24, s10;
	s10 =	sld [smem:$0x78D]  }
0xa4: {  	(v2sf) =	vpush v4, $0x8;
	s4 =	spop (v2sf);
	s24 =	sshra.s32 s5, $0x1F;
	[smem:$0x7C0] =	sst s2  }
0xa5: {  	s2 =	sadd.s32 s20, s12;
	s25 =	smul.u32 $0x6BCA1AF3, s24;
	s12 =	sld [smem:$0x78E]  }
0xa6: {  	s20 =	sshra.s32 s6, $0x1F;
	s24 =	smulhi.u32 $0x6BCA1AF3, s6;
	s6 =	sld [smem:$0x795]  }
0xa7: {  	s3 =	spop (v2sf);
	[smem:$0x7C6] =	sst s2  }
0xa8: {  	s21 =	smul.u32 $0x6BCA1AF3, s20;
	s20 =	sld [smem:$0x793]  }
0xa9: {  	s15 =	sadd.s32 s15, s14;
	s14 =	sadd.s32 s17, s26;
	s17 =	sld [smem:$0x79B]  }
0xaa: {  	s7 =	sshra.s32 s3, $0x1F;
	[smem:$0x7B6] =	sst s25  }
0xab: {  	(v2sf) =	vpush v2, $0xD;
	s8 =	smul.u32 $0x6BCA1AF3, s7;
	s7 =	sadd.s32 s13, s10;
	s13 =	sld [smem:$0x78F]  }
0xac: {  	(v2sf) =	vpush v2, $0x9;
	s0 =	sshra.s32 s4, $0x1F;
	[smem:$0x7B5] =	sst s24  }
0xad: {  	(v2sf) =	vpush v2, $0x5;
	s2 =	smul.u32 $0x6BCA1AF3, s0;
	[smem:$0x7C8] =	sst s14  }
0xae: {  	(v2sf) =	vpush v3, $0xD;
	[smem:$0x7B4] =	sst s21  }
0xaf: {  	s22 =	smulhi.u32 $0x6BCA1AF3, s22;
	(v2sf) =	vpush v3, $0x9;
	[smem:$0x7B7] =	sst s2  }
0xb0: {  	(v2sf) =	vpush v3, $0x5;
	s28 =	smulhi.u32 $0x6BCA1AF3, s3;
	[smem:$0x7BF] =	sst s7  }
0xb1: {  	(v2sf) =	vpush v4, $0xD;
	s25 =	sadd.s32 s31, s29;
	s29 =	smulhi.u32 $0x6BCA1AF3, s4;
	s21 =	sld [smem:$0x794]  }
0xb2: {  	(v2sf) =	vpush v4, $0x9;
	s2 =	spop (v2sf);
	s7 =	sld [smem:$0x796]  }
0xb3: {  	[smem:$0x7B9] =	sst s8;
	s0 =	spop (v2sf)  }
0xb4: {  	s9 =	sshra.s32 s2, $0x1F;
	s8 =	sld [smem:$0x797];
	s24 =	smulhi.u32 $0x6BCA1AF3, s2  }
0xb5: {  	s1 =	smul.u32 $0x6BCA1AF3, s9;
	s9 =	sld [smem:$0x798]  }
0xb6: {  	s11 =	sshra.s32 s0, $0x1F;
	s10 =	sadd.s32 s13, s12;
	s13 =	sld [smem:$0x79A]  }
0xb7: {  	s18 =	smul.u32 $0x6BCA1AF3, s11;
	s11 =	sld [smem:$0x799]  }
0xb8: {  	s12 =	sadd.s32 s20, s19;
	s20 =	sadd.s32 s21, s30;
	[smem:$0x7BA] =	sst s1  }
0xb9: {  	s30 =	smulhi.u32 $0x6BCA1AF3, s5;
	s1 =	sadd.s32 s6, s7;
	[smem:$0x7BB] =	sst s18  }
0xba: {  	s21 =	spop (v2sf);
	[dreg:$0xb] =	wrdreg s1;
	s1 =	sadd.s32 s8, s9  }
0xbb: {  	s18 =	sadd.s32 s16, s22;
	s9 =	spop (v2sf);
	[dreg:$0x9] =	wrdreg s1  }
0xbc: {  	(v2sf) =	vpush v4, $0x5;
	s19 =	sshra.s32 s21, $0x1F;
	[smem:$0x7CA] =	sst s18;
	s8 =	spop (v2sf)  }
0xbd: {  	s1 =	sadd.s32 s17, s23;
	s23 =	smul.u32 $0x6BCA1AF3, s19;
	s4 =	spop (v2sf)  }
0xbe: {  	s31 =	sadd.s32 s11, s13;
	s11 =	sld [smem:$0x79C];
	s5 =	spop (v2sf)  }
0xbf: {  	s19 =	sld [smem:$0x79D];
	s26 =	sshra.s32 s8, $0x1F;
	s7 =	spop (v2sf)  }
0xc0: {  	s18 =	smul.u32 $0x6BCA1AF3, s26;
	s3 =	spop (v2sf);
	s2 =	sshra.s32 s7, $0x1F  }
0xc1: {  	s14 =	smul.u32 $0x6BCA1AF3, s2;
	s2 =	spop (v2sf);
	s6 =	sshra.s32 s3, $0x1F  }
0xc2: {  	s13 =	smul.u32 $0x6BCA1AF3, s6;
	s26 =	sshra.s32 s2, $0x1F;
	s6 =	sld [smem:$0x79E]  }
0xc3: {  	s19 =	sadd.s32 s11, s19;
	s11 =	smul.u32 $0x6BCA1AF3, s26;
	s26 =	sld [smem:$0x79F]  }
0xc4: {  	_ = 	snop  }
0xc5: {  	[smem:$0x7C7] =	sst s25  }
0xc6: {  	s6 =	sadd.s32 s6, s26;
	s26 =	sld [smem:$0x7A1]  }
0xc7: {  	[smem:$0x7CB] =	sst s6  }
0xc8: {  	s6 =	sld [smem:$0x7A0]  }
0xc9: {  	s25 =	smulhi.u32 $0x6BCA1AF3, s0;
	[smem:$0x7C9] =	sst s1;
	s1 =	sshra.s32 s5, $0x1F  }
0xca: {  	s0 =	sshra.s32 s4, $0x1F;
	s16 =	smul.u32 $0x6BCA1AF3, s1  }
0xcb: {  	s1 =	spop (v2sf);
	s6 =	sadd.s32 s6, s26;
	s26 =	sld [smem:$0x7A3]  }
0xcc: {  	s17 =	smul.u32 $0x6BCA1AF3, s0;
	s0 =	sshra.s32 s1, $0x1F;
	[smem:$0x7CC] =	sst s6  }
0xcd: {  	s6 =	smul.u32 $0x6BCA1AF3, s0;
	s0 =	sld [smem:$0x7A2]  }
0xce: {  	_ =	sdelay $0x1  }
0xcf: {  	s0 =	sadd.s32 s0, s26;
	s26 =	sld [smem:$0x7A5]  }
0xd0: {  	[smem:$0x7CD] =	sst s0  }
0xd1: {  	s0 =	sld [smem:$0x7A4];
	_ =	sdelay $0x2  }
0xd2: {  	s0 =	sadd.s32 s0, s26;
	s26 =	sld [smem:$0x7A7]  }
0xd3: {  	[smem:$0x7D0] =	sst s0  }
0xd4: {  	s0 =	smulhi.u32 $0x6BCA1AF3, s21;
	s21 =	sld [smem:$0x7A6]  }
0xd5: {  	_ =	sdelay $0x1  }
0xd6: {  	s21 =	sadd.s32 s21, s26;
	s26 =	sld [smem:$0x7A9]  }
0xd7: {  	[smem:$0x7D1] =	sst s21  }
0xd8: {  	s21 =	sld [smem:$0x7A8];
	_ =	sdelay $0x2  }
0xd9: {  	s21 =	sadd.s32 s21, s26;
	s26 =	sld [smem:$0x7AB]  }
0xda: {  	[smem:$0x7D4] =	sst s21  }
0xdb: {  	s21 =	sld [smem:$0x7AA];
	_ =	sdelay $0x2  }
0xdc: {  	s21 =	sadd.s32 s21, s26;
	s26 =	sld [smem:$0x7AD]  }
0xdd: {  	[smem:$0x7D5] =	sst s21  }
0xde: {  	s21 =	sld [smem:$0x7AC];
	_ =	sdelay $0x1  }
0xdf: {  	s22 =	sshra.s32 s9, $0x1F  }
0xe0: {  	s9 =	smulhi.u32 $0x6BCA1AF3, s9;
	s21 =	sadd.s32 s21, s26;
	s26 =	sld [smem:$0x7AF]  }
0xe1: {  	s22 =	smul.u32 $0x6BCA1AF3, s22;
	[smem:$0x7D6] =	sst s21  }
0xe2: {  	s21 =	sld [smem:$0x7AE]  }
0xe3: {  	[dreg:$0x1c] =	wrdreg s31;
	s9 =	sadd.s32 s22, s9  }
0xe4: {  	[smem:$0x7DC] =	sst s9  }
0xe5: {  	s21 =	sadd.s32 s21, s26;
	s26 =	sld [smem:$0x7B1]  }
0xe6: {  	s8 =	smulhi.u32 $0x6BCA1AF3, s8;
	[dreg:$0x18] =	wrdreg s21  }
0xe7: {  	s21 =	sld [smem:$0x7B0]  }
0xe8: {  	s8 =	sadd.s32 s18, s8;
	s18 =	sld [smem:$0x7BE]  }
0xe9: {  	[smem:$0x7E5] =	sst s8  }
0xea: {  	s21 =	sadd.s32 s21, s26;
	s26 =	sld [smem:$0x7B3]  }
0xeb: {  	s4 =	smulhi.u32 $0x6BCA1AF3, s4;
	[dreg:$0x16] =	wrdreg s21  }
0xec: {  	s21 =	sld [smem:$0x7B2]  }
0xed: {  	s4 =	sadd.s32 s17, s4;
	s17 =	sld [smem:$0x7BF]  }
0xee: {  	[smem:$0x7DE] =	sst s4  }
0xef: {  	s3 =	smulhi.u32 $0x6BCA1AF3, s3;
	s21 =	sadd.s32 s21, s26;
	s26 =	sld [smem:$0x7B5]  }
0xf0: {  	[dreg:$0x14] =	wrdreg s21  }
0xf1: {  	s3 =	sadd.s32 s13, s3;
	s21 =	sld [smem:$0x7B4]  }
0xf2: {  	s2 =	smulhi.u32 $0x6BCA1AF3, s2;
	[smem:$0x7E6] =	sst s3  }
0xf3: {  	(v2sf) =	vpush v2, $0xE;
	s3 =	sld [smem:$0x7BC]  }
0xf4: {  	s2 =	sadd.s32 s11, s2;
	s21 =	sadd.s32 s21, s26;
	s26 =	sld [smem:$0x7B6]  }
0xf5: {  	[smem:$0x7E8] =	sst s2  }
0xf6: {  	[smem:$0x7CE] =	sst s21  }
0xf7: {  	s0 =	sadd.s32 s23, s0;
	s21 =	sadd.s32 s26, s30;
	s26 =	sld [smem:$0x7B7]  }
0xf8: {  	s5 =	smulhi.u32 $0x6BCA1AF3, s5;
	[smem:$0x7DB] =	sst s0  }
0xf9: {  	[smem:$0x7CF] =	sst s21  }
0xfa: {  	s23 =	sadd.s32 s16, s5;
	s21 =	sadd.s32 s26, s29;
	s26 =	sld [smem:$0x7B9]  }
0xfb: {  	[smem:$0x7E0] =	sst s23  }
0xfc: {  	s0 =	smulhi.u32 $0x6BCA1AF3, s1;
	[smem:$0x7D2] =	sst s21  }
0xfd: {  	s7 =	smulhi.u32 $0x6BCA1AF3, s7;
	s21 =	sadd.s32 s26, s28;
	s26 =	sld [smem:$0x7BA]  }
0xfe: {  	s8 =	sshra.s32 s18, $0x6;
	s23 =	sld [smem:$0x7C0];
	s0 =	sadd.s32 s6, s0  }
0xff: {  	s22 =	sshra.s32 s17, $0x1F;
	s13 =	sshrl.u32 s10, $0x1F;
	[smem:$0x7E1] =	sst s0  }
0x100: {  	v6 =	vmov s22;
	s22 =	sshra.s32 s15, $0x1F;
	s28 =	sadd.s32 s26, s24;
	s24 =	sld [smem:$0x7BB]  }
0x101: {  	s4 =	sshrl.u32 s3, $0x1F;
	s5 =	sshra.s32 s10, $0x6;
	s29 =	sld [smem:$0x7B8]  }
0x102: {  	v6 =	vsel vm3, s5, v6;
	s5 =	sshra.s32 s12, $0x6;
	[smem:$0x7D3] =	sst s21;
	s26 =	spop (v2sf)  }
0x103: {  	s21 =	sadd.s32 s24, s25;
	s25 =	smulhi.u32 $0x6BCA1AF3, s26;
	s24 =	sshrl.u32 s23, $0x1F  }
0x104: {  	[smem:$0x7D7] =	sst s21;
	s21 =	sshra.s32 s26, $0x1F;
	s26 =	sadd.s32 s14, s7  }
0x105: {  	s7 =	sshra.s32 s10, $0x1F;
	s14 =	sld [smem:$0x7BD];
	s10 =	sshra.s32 s23, $0x6  }
0x106: {  	v7 =	vmov s4;
	s23 =	sld [smem:$0x7C3];
	s1 =	smul.u32 $0x6BCA1AF3, s21;
	s21 =	sshrl.u32 s18, $0x1F  }
0x107: {  	[smem:$0x7D8] =	sst s26;
	v6 =	vsel vm9, s7, v6;
	s7 =	sshrl.u32 s15, $0x1F;
	v7 =	vsel vm0, s21, v7;
	s21 =	sshra.s32 s15, $0x6  }
0x108: {  	s11 =	sadd.s32 s1, s25;
	s1 =	sshra.s32 s3, $0x6;
	s25 =	sld [smem:$0x7C1]  }
0x109: {  	s16 =	sshrl.u32 s14, $0x1F;
	s6 =	sshra.s32 s14, $0x6;
	s3 =	sld [smem:$0x7C5]  }
0x10a: {  	v6 =	vsel vm0, s5, v6;
	s14 =	sshra.s32 s12, $0x1F;
	s5 =	sshrl.u32 s23, $0x1F;
	v8 =	vmov s16;
	v9 =	vmov s1;
	s16 =	sld [smem:$0x7C2]  }
0x10b: {  	s1 =	sshrl.u32 s12, $0x1F;
	v11 =	vmov s6;
	s12 =	sld [smem:$0x7C8];
	v9 =	vsel vm0, s8, v9;
	s8 =	sshra.s32 s23, $0x6  }
0x10c: {  	v6 =	vsel vm10, s14, v6;
	v8 =	vsel vm0, s24, v8;
	s24 =	sshra.s32 s20, $0x6;
	v11 =	vsel vm0, s10, v11;
	s10 =	sshrl.u32 s20, $0x1F;
	s26 =	sshrl.u32 s25, $0x1F  }
0x10d: {  	v10 =	vmov s13;
	v6 =	vsel vm1, s21, v6;
	s0 =	sshra.s32 s25, $0x6;
	s25 =	sshra.s32 s20, $0x1F;
	s6 =	sshra.s32 s3, $0x6  }
0x10e: {  	v10 =	vnsel vm3, $0x0, v10;
	v6 =	vsel vm11, s22, v6;
	s14 =	sshra.s32 s3, $0x1F;
	s15 =	sshrl.u32 s3, $0x1F;
	s20 =	sld [smem:$0x7C6]  }
0x10f: {  	v10 =	vsel vm0, s1, v10;
	s18 =	sshrl.u32 s16, $0x1F;
	s4 =	sshra.s32 s16, $0x6;
	v7 =	vsel vm1, s26, v7;
	s26 =	sld [smem:$0x7C4];
	v6 =	vsel vm2, s24, v6  }
0x110: {  	v10 =	vsel vm1, s7, v10;
	s7 =	sshra.s32 s12, $0x1F;
	v8 =	vsel vm1, s18, v8;
	v6 =	vsel vm12, s25, v6;
	s18 =	sld [smem:$0x7C7];
	s25 =	smov.u32 s17  }
0x111: {  	s17 =	sshrl.u32 s17, $0x1F;
	s21 =	sshra.s32 s20, $0x6;
	s22 =	sshra.s32 s20, $0x1F  }
0x112: {  	v9 =	vsel vm1, s0, v9;
	v10 =	vsel vm2, s10, v10;
	s16 =	sshrl.u32 s20, $0x1F;
	v12 =	vsel vm4, s6, v6;
	s13 =	sshrl.u32 s26, $0x1F;
	s0 =	sshra.s32 s26, $0x6  }
0x113: {  	v6 =	vsel vm2, s5, v7;
	s26 =	sshra.s32 s25, $0x6;
	v12 =	vsel vm13, s14, v12;
	s25 =	rddreg [dreg:$0x9];
	s20 =	sshra.s32 s18, $0x6;
	v7 =	vsel vm2, s13, v8  }
0x114: {  	s23 =	sshrl.u32 s18, $0x1F;
	s24 =	sshra.s32 s18, $0x1F;
	v12 =	vsel vm5, s21, v12;
	s18 =	sld [smem:$0x7C9];
	v8 =	vsel vm2, s8, v9;
	v9 =	vsel vm4, s15, v10  }
0x115: {  	s6 =	sshra.s32 s12, $0x6;
	s5 =	sshrl.u32 s19, $0x1F;
	s21 =	sld [smem:$0x7CA];
	v10 =	vsel vm14, s22, v12;
	v9 =	vsel vm5, s16, v9  }
0x116: {  	s14 =	sshra.s32 s19, $0x6;
	s2 =	sshra.s32 s25, $0x1F;
	v10 =	vsel vm6, s20, v10;
	v9 =	vsel vm6, s23, v9;
	s23 =	sld [smem:$0x7CB]  }
0x117: {  	v11 =	vsel vm1, s4, v11;
	s10 =	sshra.s32 s18, $0x6;
	s13 =	sshra.s32 s18, $0x1F;
	v12 =	vsel vm15, s24, v10;
	s24 =	rddreg [dreg:$0xb]  }
0x118: {  	s4 =	sshrl.u32 s18, $0x1F;
	s22 =	sshra.s32 s21, $0x6;
	v10 =	vsel vm2, s0, v11;
	v11 =	vmov s2;
	s2 =	sld [smem:$0x7CC]  }
0x119: {  	s9 =	sshra.s32 s21, $0x1F;
	s18 =	sshrl.u32 s21, $0x1F;
	s21 =	sld [smem:$0x7CD]  }
0x11a: {  	s15 =	sshra.s32 s19, $0x1F;
	v14 =	vsel vm7, s17, v9;
	s17 =	sld [smem:$0x7D2];
	s0 =	sshra.s32 s24, $0x1F  }
0x11b: {  	(v2sf) =	vpush v2, $0xA;
	v15 =	vsel vm7, s26, v12;
	s26 =	sshra.s32 s31, $0x1F;
	v11 =	vsel vm3, s10, v11;
	s31 =	sld [smem:$0x7D6];
	s16 =	sshra.s32 s23, $0x6  }
0x11c: {  	(v2sf) =	vpush v3, $0xE;
	s19 =	sshra.s32 s23, $0x1F;
	v12 =	vmov s26;
	v11 =	vsel vm9, s13, v11;
	s26 =	sld [smem:$0x7CE];
	s3 =	sshra.s32 s2, $0x6  }
0x11d: {  	v16 =	vmov s4;
	v9 =	vmov s0;
	s20 =	sshra.s32 s2, $0x1F;
	s24 =	sshrl.u32 s2, $0x1F;
	s2 =	sld [smem:$0x7CF];
	v11 =	vsel vm0, s16, v11  }
0x11e: {  	s12 =	sshrl.u32 s12, $0x1F;
	v17 =	vmov s18;
	s18 =	sshrl.u32 s28, $0x1F;
	v9 =	vsel vm3, s6, v9;
	v11 =	vsel vm10, s19, v11;
	s19 =	sld [smem:$0x7D3]  }
0x11f: {  	s4 =	sshra.s32 s28, $0x6;
	s1 =	sshrl.u32 s23, $0x1F;
	v17 =	vnsel vm3, $0x0, v17;
	v12 =	vsel vm3, s22, v12;
	v9 =	vsel vm9, s7, v9;
	s7 =	sld [smem:$0x7D5]  }
0x120: {  	(v2sf) =	vpush v3, $0xA;
	s22 =	sshra.s32 s21, $0x6;
	s25 =	sshra.s32 s21, $0x1F;
	v12 =	vsel vm9, s9, v12;
	v17 =	vsel vm0, s24, v17;
	s24 =	sld [smem:$0x7D7]  }
0x121: {  	s30 =	sshrl.u32 s21, $0x1F;
	s0 =	sshra.s32 s26, $0x6;
	v12 =	vsel vm0, s3, v12;
	s3 =	sld [smem:$0x7D0]  }
0x122: {  	s9 =	sshra.s32 s17, $0x6;
	s23 =	sshrl.u32 s26, $0x1F;
	v9 =	vsel vm0, s14, v9;
	[smem:$0x7D9] =	sst s0  }
0x123: {  	s26 =	sshrl.u32 s17, $0x1F;
	s14 =	sshra.s32 s31, $0x1F;
	v9 =	vsel vm10, s15, v9;
	s15 =	sld [smem:$0x7D1]  }
0x124: {  	(v2sf) =	vpush v4, $0xE;
	v16 =	vnsel vm3, $0x0, v16;
	s13 =	sshrl.u32 s2, $0x1F;
	s0 =	sshra.s32 s2, $0x6;
	s2 =	sld [smem:$0x7D4]  }
0x125: {  	(v2sf) =	vpush v4, $0xA;
	v16 =	vsel vm0, s1, v16;
	[smem:$0x7DA] =	sst s0;
	s10 =	sshra.s32 s19, $0x6;
	s1 =	sshrl.u32 s24, $0x1F  }
0x126: {  	v13 =	vmov s12;
	v18 =	vmov s23;
	s24 =	sshra.s32 s24, $0x6;
	s23 =	sld [smem:$0x7D9];
	s6 =	sshra.s32 s3, $0x6  }
0x127: {  	v13 =	vnsel vm3, $0x0, v13;
	s8 =	sshra.s32 s3, $0x1F;
	s0 =	sshrl.u32 s3, $0x1F;
	v32 =	vmov s24;
	s24 =	sld [smem:$0x7E1]  }
0x128: {  	(v2sf) =	vpush v2, $0xF;
	v13 =	vsel vm0, s5, v13;
	[smem:$0x7DD] =	sst s0;
	s0 =	sshrl.u32 s15, $0x1F;
	s21 =	sshra.s32 s2, $0x6  }
0x129: {  	v13 =	vsel vm1, s30, v13;
	v9 =	vsel vm1, s22, v9;
	s3 =	sshra.s32 s2, $0x1F;
	s30 =	sshrl.u32 s2, $0x1F;
	s2 =	sld [smem:$0x7DA]  }
0x12a: {  	v26 =	vmov s9;
	s9 =	sshrl.u32 s7, $0x1F;
	v9 =	vsel vm11, s25, v9;
	s25 =	sshra.s32 s7, $0x6;
	[smem:$0x7DF] =	sst s0  }
0x12b: {  	(v2sf) =	vpush v2, $0xB;
	v12 =	vsel vm10, s20, v12;
	s16 =	sshra.s32 s15, $0x6;
	s20 =	sshra.s32 s15, $0x1F;
	v20 =	vmov s23;
	s23 =	sld [smem:$0x7DC]  }
0x12c: {  	v23 =	vmov s26;
	v12 =	vsel vm1, s16, v12;
	s16 =	sshrl.u32 s19, $0x1F;
	s19 =	spop (v2sf);
	s26 =	sld [smem:$0x7DD]  }
0x12d: {  	v11 =	vsel vm1, s6, v11;
	s6 =	spop (v2sf);
	s22 =	sshra.s32 s19, $0x1F;
	v25 =	vld [tilespmem:s29+$0x800];
	[smem:$0x7E9] =	sst s9  }
0x12e: {  	(v2sf) =	vpush v2, $0x6;
	v29 =	vmov s18;
	s0 =	sshra.s32 s31, $0x6;
	v12 =	vsel vm11, s20, v12;
	s18 =	sld [smem:$0x7DF];
	s15 =	smul.u32 $0x6BCA1AF3, s22  }
0x12f: {  	v11 =	vsel vm11, s8, v11;
	s17 =	spop (v2sf);
	v12 =	vsel vm2, s0, v12;
	s20 =	sshra.s32 s6, $0x1F;
	s0 =	rddreg [dreg:$0x18]  }
0x130: {  	s8 =	sshra.s32 s7, $0x1F;
	v11 =	vsel vm2, s25, v11;
	v12 =	vsel vm12, s14, v12;
	s25 =	smul.u32 $0x6BCA1AF3, s20;
	s14 =	rddreg [dreg:$0x16]  }
0x131: {  	v19 =	vmov s13;
	(v2sf) =	vpush v3, $0xF;
	v24 =	vmov s16;
	s13 =	sshrl.u32 s23, $0x1F;
	s16 =	sshra.s32 s23, $0x6;
	s23 =	smulhi.u32 $0x6BCA1AF3, s6  }
0x132: {  	v27 =	vmov s10;
	v9 =	vsel vm2, s21, v9;
	s21 =	sshra.s32 s17, $0x1F;
	s10 =	smulhi.u32 $0x6BCA1AF3, s17;
	s6 =	sld [smem:$0x7E0]  }
0x133: {  	s22 =	sshra.s32 s0, $0x6;
	s28 =	smul.u32 $0x6BCA1AF3, s21;
	s21 =	spop (v2sf)  }
0x134: {  	v9 =	vsel vm12, s3, v9;
	v11 =	vsel vm12, s8, v11;
	s20 =	sshra.s32 s14, $0x6;
	s8 =	spop (v2sf);
	s3 =	sshra.s32 s21, $0x1F  }
0x135: {  	s14 =	sshra.s32 s14, $0x1F;
	v11 =	vsel vm4, s20, v11;
	s12 =	smul.u32 $0x6BCA1AF3, s3;
	s3 =	rddreg [dreg:$0x14]  }
0x136: {  	s5 =	sshra.s32 s8, $0x1F;
	v28 =	vsel vm13, s14, v11;
	s14 =	sld [smem:$0x7DE];
	s9 =	smulhi.u32 $0x6BCA1AF3, s8  }
0x137: {  	v9 =	vsel vm4, s22, v9;
	s7 =	spop (v2sf);
	s22 =	sshra.s32 s3, $0x6;
	s20 =	smul.u32 $0x6BCA1AF3, s5  }
0x138: {  	v30 =	vmov s1;
	s5 =	smulhi.u32 $0x6BCA1AF3, s19;
	s19 =	sld [smem:$0x7D8];
	v12 =	vsel vm4, s22, v12;
	s22 =	sshra.s32 s0, $0x1F  }
0x139: {  	(v2sf) =	vpush v3, $0xB;
	v16 =	vsel vm1, s26, v16;
	s1 =	sshra.s32 s3, $0x1F;
	v22 =	vsel vm13, s22, v9;
	s22 =	sld [smem:$0x7DB];
	s26 =	sshra.s32 s14, $0x6  }
0x13a: {  	(v2sf) =	vpush v3, $0x6;
	v17 =	vsel vm1, s18, v17;
	s8 =	spop (v2sf);
	s18 =	sshra.s32 s7, $0x1F;
	[smem:$0x7EA] =	sst s26  }
0x13b: {  	s3 =	sshrl.u32 s6, $0x1F;
	v33 =	vsel vm13, s1, v12;
	s1 =	smul.u32 $0x6BCA1AF3, s18;
	s18 =	sld [smem:$0x7E5];
	v34 =	vld [tilespmem:s29+$0x810]  }
0x13c: {  	v6 =	vcombine.low v7, v6;
	v21 =	vmov s2;
	(v2sf) =	vpush v4, $0xF;
	s26 =	smulhi.u32 $0x6BCA1AF3, s21;
	v7 =	vld [tilespmem:s29+$0x820];
	[smem:$0x7E2] =	sst s7;
	s2 =	sshrl.u32 s22, $0x1F  }
0x13d: {  	(v2sf) =	vpush v4, $0xB;
	s17 =	sshrl.u32 s14, $0x1F;
	s21 =	spop (v2sf);
	v9 =	vsel vm0, s2, v18;
	v18 =	vld [tilespmem:s29+$0x830];
	[smem:$0x7E3] =	sst s8  }
0x13e: {  	v11 =	vsel vm0, s13, v19;
	v19 =	vcvt.s32.f32 v25;
	s14 =	sshra.s32 s6, $0x6;
	s6 =	sshra.s32 s8, $0x1F;
	[smem:$0x7E4] =	sst s21  }
0x13f: {  	v31 =	vmov s4;
	(v2sf) =	vpush v4, $0x6;
	v12 =	vsel vm0, s16, v21;
	s16 =	sshra.s32 s18, $0x6;
	s8 =	sshra.s32 s21, $0x1F;
	s21 =	sld [smem:$0x7E6]  }
0x140: {  	v21 =	vperm.xlane v15, v1;
	s4 =	smul.u32 $0x6BCA1AF3, s6;
	v15 =	vsel vm5, s16, v22;
	[tilespmem:s29+$0xC00] =	vst v19;
	s13 =	spop (v2sf);
	v22 =	vcvt.s32.f32 v34  }
0x141: {  	v8 =	vcombine.low v10, v8;
	s22 =	sshra.s32 s22, $0x6;
	s6 =	smul.u32 $0x6BCA1AF3, s8;
	[smem:$0x7E7] =	sst s13  }
0x142: {  	v6 =	vperm.xlane v6, v0;
	v10 =	vsel vm2, s30, v13;
	v13 =	vsel vm0, s22, v20;
	s16 =	sld [smem:$0x7E8];
	s22 =	sshrl.u32 s21, $0x1F;
	s8 =	sshra.s32 s13, $0x1F;
	[tilespmem:s29+$0xC10] =	vst v22  }
0x143: {  	v8 =	vperm.xlane v8, v0;
	v20 =	vperm.xlane v14, v1;
	s2 =	sshra.s32 s21, $0x6;
	s21 =	smul.u32 $0x6BCA1AF3, s8;
	s8 =	sld [smem:$0x7E9]  }
0x144: {  	v7 =	vcvt.s32.f32 v7  }
0x145: {  	v8 =	vsel vm8, v21, v8;
	v19 =	vsel vm0, s3, v24;
	v6 =	vsel vm8, v20, v6  }
0x146: {  	v6 =	vadd.s32 v6, v8;
	v8 =	vcvt.s32.f32 v18;
	s3 =	sld [smem:$0x7EA];
	[tilespmem:s29+$0xC20] =	vst v7;
	v16 =	vsel vm2, s8, v16;
	s8 =	simm.s32 $0x0  }
0x147: {  	[dreg:$0xd] =	wrdreg s8  }
0x148: {  	s7 =	sshrl.u32 s31, $0x1F;
	s31 =	spop (v2sf);
	[tilespmem:s29+$0xC30] =	vst v8  }
0x149: {  	v14 =	vsel vm0, s17, v23;
	s17 =	spop (v2sf);
	[smem:$0x7EB] =	sst s31  }
0x14a: {  	s0 =	simm.s32 $0x40;
	s13 =	sshrl.u32 s16, $0x1F;
	[smem:$0x7EC] =	sst s17  }
0x14b: {  	s16 =	sshra.s32 s16, $0x6;
	v18 =	vsel vm0, s22, v29;
	s30 =	spop (v2sf);
	v7 =	vmul.u32 $0xFFFFFF68, v6;
	s22 =	sshra.s32 s17, $0x1F;
	[tilespmem:s29+$0x30] =	vst v6  }
0x14c: {  	v25 =	vsel vm0, s13, v30;
	s13 =	sshra.s32 s30, $0x1F;
	s8 =	spop (v2sf);
	[smem:$0x7ED] =	sst s30  }
0x14d: {  	v5 =	vadd.s32 v5, v7;
	v20 =	vsel vm0, s3, v26;
	s3 =	sshra.s32 s19, $0x6;
	v26 =	vsel vm0, s2, v31;
	s2 =	simm.s32 $0x80;
	[smem:$0x7EE] =	sst s8  }
0x14e: {  	v21 =	vsel vm0, s14, v27;
	v17 =	vsel vm2, s7, v17;
	s14 =	spop (v2sf);
	s31 =	sshra.s32 s31, $0x1F;
	s17 =	sshra.s32 s24, $0x6;
	[tilespmem:s29+$0x430] =	vst v5  }
0x14f: {  	v22 =	vsel vm0, s16, v32;
	v24 =	vsel vm5, s3, v28;
	v23 =	vsel vm5, s17, v33;
	s30 =	sshra.s32 s8, $0x1F;
	[dreg:$0x1b] =	wrdreg s14;
	s14 =	sshra.s32 s14, $0x1F  }
.LBB2_2:
0x150: {  	[dreg:$0x10] =	wrdreg s0  }
0x151: {  	[dreg:$0xf] =	wrdreg s2;
	s3 =	sand.u32 $0x300, s2  }
0x152: {  	s2 =	smul.u32 $0x6BCA1AF3, s31;
	s16 =	sadd.s32 s25, s23;
	s10 =	sadd.s32 s28, s10  }
0x153: {  	s12 =	sadd.s32 s12, s26;
	s9 =	sadd.s32 s20, s9;
	s8 =	smul.u32 $0x6BCA1AF3, s30  }
0x154: {  	s26 =	sshrl.u32 s11, $0x1F;
	s20 =	sshra.s32 s11, $0x6;
	s0 =	rddreg [dreg:$0x10]  }
0x155: {  	s25 =	sshra.s32 s18, $0x1F;
	s15 =	sadd.s32 s15, s5;
	v9 =	vsel vm1, s26, v9;
	s26 =	sld [smem:$0x7E4]  }
0x156: {  	v15 =	vsel vm14, s25, v15;
	s25 =	rddreg [dreg:$0x16];
	s0 =	sand.u32 $0x40, s0;
	s17 =	sshrl.u32 s15, $0x1F  }
0x157: {  	s7 =	sor.u32 s0, s3;
	s0 =	smul.u32 $0x6BCA1AF3, s14;
	s14 =	sld [smem:$0x7E2]  }
0x158: {  	s5 =	smul.u32 $0x6BCA1AF3, s13;
	v13 =	vsel vm1, s20, v13;
	s20 =	sshrl.u32 s16, $0x1F;
	v11 =	vsel vm1, s17, v11;
	s17 =	rddreg [dreg:$0x18]  }
0x159: {  	s23 =	sshra.s32 s15, $0x6;
	s3 =	smul.u32 $0x6BCA1AF3, s22;
	s22 =	sld [smem:$0x7E3];
	v5 =	vld [tilespmem:s7+$0x30]  }
0x15a: {  	v14 =	vsel vm1, s20, v14;
	s20 =	sshra.s32 s19, $0x1F;
	v12 =	vsel vm1, s23, v12;
	s23 =	sld [smem:$0x7E7];
	s15 =	smulhi.u32 $0x6BCA1AF3, s26  }
0x15b: {  	s16 =	sshra.s32 s16, $0x6;
	v24 =	vsel vm14, s20, v24;
	s20 =	sld [smem:$0x7ED];
	s13 =	smulhi.u32 $0x6BCA1AF3, s14  }
0x15c: {  	s26 =	sld [smem:$0x7EB];
	s14 =	sshrl.u32 s17, $0x1F;
	s17 =	smulhi.u32 $0x6BCA1AF3, s22  }
0x15d: {  	s22 =	sshrl.u32 s10, $0x1F;
	s11 =	smulhi.u32 $0x6BCA1AF3, s23;
	s10 =	sshra.s32 s10, $0x6  }
0x15e: {  	s23 =	sld [smem:$0x7EC];
	s6 =	sadd.s32 s6, s15;
	v10 =	vsel vm4, s14, v10;
	s14 =	sshrl.u32 s25, $0x1F;
	(v2sf) =	vpush v5, $0xF  }
0x15f: {  	v19 =	vsel vm1, s22, v19;
	s22 =	smov.u32 s18;
	s18 =	smulhi.u32 $0x6BCA1AF3, s26;
	s25 =	sshrl.u32 s12, $0x1F;
	(v2sf) =	vpush v5, $0xB  }
0x160: {  	v27 =	vld [tilespmem:s7+$0x800];
	v21 =	vsel vm1, s10, v21;
	s26 =	sshrl.u32 s9, $0x1F;
	s10 =	smulhi.u32 $0x6BCA1AF3, s20;
	s12 =	sshra.s32 s12, $0x6  }
0x161: {  	v28 =	vld [tilespmem:s7+$0x810];
	s20 =	smov.u32 s19;
	s9 =	sshra.s32 s9, $0x6;
	v18 =	vsel vm1, s25, v18;
	s25 =	sld [smem:$0x7EE]  }
0x162: {  	v29 =	vld [tilespmem:s7+$0x820];
	v25 =	vsel vm1, s26, v25;
	s26 =	sshra.s32 s24, $0x1F;
	s13 =	sadd.s32 s1, s13;
	s4 =	sadd.s32 s4, s17;
	(v2sf) =	vpush v5, $0x6  }
0x163: {  	v20 =	vsel vm1, s16, v20;
	s24 =	sshrl.u32 s24, $0x1F;
	s16 =	smulhi.u32 $0x6BCA1AF3, s23;
	s23 =	rddreg [dreg:$0x14]  }
0x164: {  	v16 =	vsel vm4, s14, v16;
	v26 =	vsel vm1, s12, v26;
	s2 =	sadd.s32 s2, s18;
	s12 =	sshrl.u32 s4, $0x1F;
	s15 =	sshra.s32 s13, $0x6  }
0x165: {  	v22 =	vsel vm1, s9, v22;
	v23 =	vsel vm14, s26, v23;
	s4 =	sshra.s32 s4, $0x6;
	s14 =	sshrl.u32 s23, $0x1F;
	s23 =	sadd.s32 s21, s11;
	(v2sf) =	vpush v5, $0xE  }
0x166: {  	v27 =	vcvt.s32.f32 v27;
	v28 =	vcvt.s32.f32 v28;
	s11 =	sshrl.u32 s13, $0x1F;
	s18 =	sshrl.u32 s2, $0x1F;
	s2 =	sshra.s32 s2, $0x6;
	(v2sf) =	vpush v5, $0xA  }
0x167: {  	v29 =	vcvt.s32.f32 v29;
	s19 =	smulhi.u32 $0x6BCA1AF3, s25;
	v17 =	vsel vm4, s14, v17;
	s14 =	rddreg [dreg:$0x1b];
	s1 =	sadd.s32 s3, s16;
	(v2sf) =	vpush v5, $0xD  }
0x168: {  	v11 =	vsel vm2, s12, v11;
	v13 =	vsel vm2, s15, v13;
	v12 =	vsel vm2, s4, v12;
	s25 =	sadd.s32 s5, s10;
	s16 =	sshra.s32 s6, $0x6;
	s10 =	rddreg [dreg:$0x9]  }
0x169: {  	v9 =	vsel vm2, s11, v9;
	v19 =	vsel vm2, s18, v19;
	s17 =	smulhi.u32 $0x6BCA1AF3, s14;
	s14 =	sshrl.u32 s22, $0x1F;
	s21 =	sshra.s32 s1, $0x6;
	(v2sf) =	vpush v5, $0x9  }
0x16a: {  	v21 =	vsel vm2, s2, v21;
	v15 =	vsel vm6, s16, v15;
	s22 =	sshrl.u32 s25, $0x1F;
	s3 =	sshra.s32 s25, $0x6;
	s16 =	sshrl.u32 s1, $0x1F;
	(v2sf) =	vpush v5, $0x5  }
0x16b: {  	v17 =	vsel vm5, s24, v17;
	s1 =	sshra.s32 s1, $0x1F;
	v9 =	vcombine.low v11, v9;
	v11 =	vcombine.low v12, v13;
	s26 =	sadd.s32 s8, s19;
	s19 =	sshrl.u32 s20, $0x1F  }
0x16c: {  	v10 =	vsel vm5, s14, v10;
	s20 =	sshra.s32 s23, $0x6;
	v18 =	vsel vm2, s22, v18;
	s22 =	rddreg [dreg:$0xb];
	s0 =	sadd.s32 s0, s17;
	(v2sf) =	vpush v5, $0xC  }
0x16d: {  	v24 =	vsel vm6, s21, v24;
	v26 =	vsel vm2, s3, v26;
	s17 =	sshrl.u32 s23, $0x1F;
	s23 =	sshrl.u32 s26, $0x1F;
	(v2sf) =	vpush v5, $0x8;
	s5 =	spop (v2sf)  }
0x16e: {  	v16 =	vsel vm5, s19, v16;
	s25 =	sshra.s32 s26, $0x6;
	v20 =	vsel vm2, s20, v20;
	(v2sf) =	vpush v5, $0x4;
	s14 =	smulhi.u32 $0x6BCA1AF3, s5;
	s4 =	spop (v2sf)  }
0x16f: {  	v7 =	vld [tilespmem:s7+$0x0];
	s26 =	sshrl.u32 s6, $0x1F;
	v24 =	vsel vm15, s1, v24;
	v16 =	vsel vm6, s16, v16;
	s16 =	rddreg [dreg:$0xd];
	(v2sf) =	vpush v5, $0x3;
	s15 =	smulhi.u32 $0x6BCA1AF3, s4  }
0x170: {  	v6 =	vld [tilespmem:s7+$0x10];
	s6 =	sshra.s32 s6, $0x1F;
	v9 =	vperm.xlane v9, v0;
	v11 =	vperm.xlane v11, v0;
	s8 =	sadd.s32 $0x4, s16;
	(v2sf) =	vpush v5, $0x2;
	[smem:$0x73D] =	sst s14  }
0x171: {  	v14 =	vsel vm2, s17, v14;
	v25 =	vsel vm2, s23, v25;
	(v2sf) =	vpush v5, $0x1;
	s14 =	sshrl.u32 s10, $0x1F;
	[smem:$0x73E] =	sst s15;
	s15 =	spop (v2sf)  }
0x172: {  	v8 =	vld [tilespmem:s7+$0x20];
	v22 =	vsel vm2, s25, v22;
	[dreg:$0xd] =	wrdreg s8;
	(v2sf) =	vpush v5, $0x0;
	v16 =	vsel vm7, s14, v16;
	s14 =	smov.u32 s7;
	s17 =	smulhi.u32 $0x6BCA1AF3, s15  }
0x173: {  	s13 =	sshra.s32 s0, $0x6;
	v15 =	vsel vm15, s6, v15;
	s19 =	sshrl.u32 s0, $0x1F;
	v10 =	vsel vm6, s26, v10;
	(v2sf) =	vpush v5, $0x7;
	[smem:$0x7B8] =	sst s14  }
0x174: {  	s0 =	sshra.s32 s0, $0x1F;
	v13 =	vcombine.low v21, v20;
	v23 =	vsel vm6, s13, v23;
	(v2sf) =	vpush v7, $0x7;
	[smem:$0x745] =	sst s17;
	s17 =	spop (v2sf)  }
0x175: {  	s23 =	sshrl.u32 s22, $0x1F;
	v17 =	vsel vm6, s19, v17;
	v12 =	vcombine.low v19, v14;
	(v2sf) =	vpush v6, $0x7;
	s18 =	smulhi.u32 $0x6BCA1AF3, s17;
	s3 =	spop (v2sf)  }
0x176: {  	s6 =	sshra.s32 s22, $0x6;
	v14 =	vcombine.low v25, v18;
	v18 =	vcombine.low v22, v26;
	v10 =	vsel vm7, s23, v10;
	s20 =	smulhi.u32 $0x6BCA1AF3, s3;
	s24 =	spop (v2sf)  }
0x177: {  	v15 =	vsel vm7, s6, v15;
	v23 =	vsel vm15, s0, v23;
	(v2sf) =	vpush v8, $0x7;
	[smem:$0x740] =	sst s18;
	s21 =	smulhi.u32 $0x6BCA1AF3, s24  }
0x178: {  	v15 =	vperm.xlane v15, v1;
	v10 =	vperm.xlane v10, v1;
	(v2sf) =	vpush v7, $0x0;
	s11 =	spop (v2sf);
	[smem:$0x741] =	sst s20  }
0x179: {  	v13 =	vperm.xlane v13, v0;
	v12 =	vperm.xlane v12, v0;
	(v2sf) =	vpush v6, $0x0;
	s1 =	smulhi.u32 $0x6BCA1AF3, s11;
	s12 =	spop (v2sf)  }
0x17a: {  	v14 =	vperm.xlane v14, v0;
	v11 =	vsel vm8, v15, v11;
	(v2sf) =	vpush v8, $0x0;
	[smem:$0x73F] =	sst s21;
	s9 =	smulhi.u32 $0x6BCA1AF3, s12  }
0x17b: {  	v15 =	vperm.xlane v18, v0;
	v9 =	vsel vm8, v10, v9;
	(v2sf) =	vpush v7, $0x1;
	s18 =	sshra.s32 s10, $0x6;
	s13 =	spop (v2sf);
	s21 =	rddreg [dreg:$0x1c]  }
0x17c: {  	v9 =	vadd.s32 v9, v11;
	s5 =	sshra.s32 s5, $0x1F;
	(v2sf) =	vpush v6, $0x1;
	v19 =	vsel vm7, s18, v24;
	[smem:$0x743] =	sst s9;
	s9 =	spop (v2sf)  }
0x17d: {  	v16 =	vperm.xlane v16, v1;
	(v2sf) =	vpush v8, $0x1;
	v19 =	vperm.xlane v19, v1;
	s2 =	sshrl.u32 s21, $0x1F;
	s6 =	sshra.s32 s21, $0x6;
	s19 =	spop (v2sf)  }
0x17e: {  	s18 =	smul.u32 $0x6BCA1AF3, s5;
	(v2sf) =	vpush v7, $0x2;
	v17 =	vsel vm7, s2, v17;
	v20 =	vsel vm7, s6, v23;
	s28 =	spop (v2sf)  }
0x17f: {  	[tilespmem:s7+$0xC00] =	vst v27;
	[smem:$0x742] =	sst s1;
	(v2sf) =	vpush v6, $0x2;
	v17 =	vperm.xlane v17, v1;
	v20 =	vperm.xlane v20, v1;
	s10 =	spop (v2sf)  }
0x180: {  	[tilespmem:s7+$0xC10] =	vst v28;
	p0 =	slt.u32 s8, $0x1C;
	v10 =	vsel vm8, v16, v12;
	s25 =	smulhi.u32 $0x6BCA1AF3, s13;
	v12 =	vsel vm8, v19, v13;
	(v2sf) =	vpush v8, $0x2;
	s23 =	spop (v2sf)  }
0x181: {  	v30 =	vld [tilespmem:s7+$0x830];
	[tilespmem:s7+$0xC20] =	vst v29;
	s1 =	smov.u32 s29;
	s2 =	sshra.s32 s17, $0x1F;
	(v2sf) =	vpush v7, $0x3;
	v11 =	vsel vm8, v17, v14;
	v13 =	vsel vm8, v20, v15;
	s8 =	spop (v2sf)  }
0x182: {  	[tilespmem:s1+$0x0] =	vst v9;
	s14 =	smul.u32 $0x6BCA1AF3, s2;
	v14 =	vmul.u32 $0xFFFFFF68, v9;
	v9 =	vadd.s32 v10, v12;
	(v2sf) =	vpush v6, $0x3;
	s6 =	spop (v2sf)  }
0x183: {  	s22 =	smulhi.u32 $0x6BCA1AF3, s19;
	v10 =	vadd.s32 v11, v13;
	v11 =	vmul.u32 $0xFFFFFF68, v9;
	[tilespmem:s1+$0x10] =	vst v9;
	(v2sf) =	vpush v8, $0x3;
	s29 =	spop (v2sf)  }
0x184: {  	s20 =	smulhi.u32 $0x6BCA1AF3, s28;
	v9 =	vmul.u32 $0xFFFFFF68, v10;
	v12 =	vadd.s32 v2, v14;
	[tilespmem:s1+$0x20] =	vst v10;
	(v2sf) =	vpush v7, $0x4;
	s16 =	spop (v2sf)  }
0x185: {  	s4 =	sshra.s32 s4, $0x1F;
	s31 =	smulhi.u32 $0x6BCA1AF3, s23;
	v2 =	vmov v7;
	[tilespmem:s1+$0x400] =	vst v12;
	v7 =	vadd.s32 v3, v11;
	[smem:$0x747] =	sst s16  }
0x186: {  	v30 =	vcvt.s32.f32 v30;
	s0 =	sshra.s32 s15, $0x1F;
	v9 =	vadd.s32 v4, v9;
	[tilespmem:s1+$0x410] =	vst v7;
	s16 =	smul.u32 $0x6BCA1AF3, s4;
	s15 =	spop (v2sf)  }
0x187: {  	[tilespmem:s1+$0x420] =	vst v9;
	s1 =	sshra.s32 s28, $0x1F;
	s4 =	smul.u32 $0x6BCA1AF3, s0;
	s17 =	spop (v2sf)  }
0x188: {  	[tilespmem:s7+$0xC30] =	vst v30;
	s7 =	sshra.s32 s3, $0x1F;
	s28 =	smul.u32 $0x6BCA1AF3, s1;
	s2 =	spop (v2sf)  }
0x189: {  	s3 =	sshra.s32 s24, $0x1F;
	[smem:$0x746] =	sst s4;
	s5 =	spop (v2sf)  }
0x18a: {  	s4 =	smul.u32 $0x6BCA1AF3, s3;
	s24 =	spop (v2sf)  }
0x18b: {  	[smem:$0x748] =	sst s2;
	s2 =	sshra.s32 s12, $0x1F;
	s12 =	spop (v2sf)  }
0x18c: {  	s3 =	sshra.s32 s13, $0x1F;
	[smem:$0x74A] =	sst s5;
	s13 =	spop (v2sf)  }
0x18d: {  	[smem:$0x749] =	sst s24;
	s24 =	spop (v2sf)  }
0x18e: {  	s5 =	smul.u32 $0x6BCA1AF3, s2;
	s2 =	sshra.s32 s19, $0x1F;
	s19 =	spop (v2sf)  }
0x18f: {  	[smem:$0x74B] =	sst s24;
	s24 =	spop (v2sf)  }
0x190: {  	s0 =	smul.u32 $0x6BCA1AF3, s2;
	s2 =	spop (v2sf)  }
0x191: {  	[smem:$0x74C] =	sst s24;
	s24 =	sshra.s32 s23, $0x1F;
	s23 =	spop (v2sf)  }
0x192: {  	[smem:$0x74E] =	sst s23;
	s23 =	spop (v2sf)  }
0x193: {  	s1 =	smul.u32 $0x6BCA1AF3, s24;
	s24 =	spop (v2sf)  }
0x194: {  	[smem:$0x74F] =	sst s24  }
0x195: {  	s24 =	sld [smem:$0x73D];
	_ =	sdelay $0x1  }
0x196: {  	s7 =	smul.u32 $0x6BCA1AF3, s7  }
0x197: {  	s11 =	sshra.s32 s11, $0x1F;
	s18 =	sadd.s32 s18, s24;
	s24 =	sld [smem:$0x73E]  }
0x198: {  	s11 =	smul.u32 $0x6BCA1AF3, s11  }
0x199: {  	s26 =	smulhi.u32 $0x6BCA1AF3, s9  }
0x19a: {  	s9 =	sshra.s32 s9, $0x1F;
	s16 =	sadd.s32 s16, s24;
	s24 =	sld [smem:$0x73F]  }
0x19b: {  	s9 =	smul.u32 $0x6BCA1AF3, s9  }
0x19c: {  	s30 =	smulhi.u32 $0x6BCA1AF3, s10;
	s10 =	sshra.s32 s10, $0x1F  }
0x19d: {  	s10 =	smul.u32 $0x6BCA1AF3, s10;
	s4 =	sadd.s32 s4, s24;
	s24 =	sld [smem:$0x740]  }
0x19e: {  	[smem:$0x744] =	sst s20;
	s21 =	smulhi.u32 $0x6BCA1AF3, s8  }
0x19f: {  	s8 =	sshra.s32 s8, $0x1F;
	s20 =	smulhi.u32 $0x6BCA1AF3, s6;
	[smem:$0x74D] =	sst s2  }
0x1a0: {  	s3 =	smul.u32 $0x6BCA1AF3, s3;
	s2 =	sadd.s32 s14, s24;
	s24 =	sld [smem:$0x741]  }
0x1a1: {  	s8 =	smul.u32 $0x6BCA1AF3, s8;
	s6 =	sshra.s32 s6, $0x1F;
	s14 =	sld [smem:$0x743]  }
0x1a2: {  	s9 =	sadd.s32 s9, s26;
	s6 =	smul.u32 $0x6BCA1AF3, s6;
	s25 =	sadd.s32 s3, s25  }
0x1a3: {  	s26 =	sshra.s32 s25, $0x6;
	s1 =	sadd.s32 s1, s31;
	s31 =	sld [smem:$0x749]  }
0x1a4: {  	s7 =	sadd.s32 s7, s24;
	s24 =	sld [smem:$0x742];
	s3 =	sadd.s32 s5, s14  }
0x1a5: {  	v3 =	vmov v6;
	s14 =	sadd.s32 s0, s22;
	s0 =	sadd.s32 s6, s20;
	s6 =	sadd.s32 s8, s21  }
0x1a6: {  	v4 =	vmov v8;
	(v2sf) =	vpush v3, $0x4;
	s5 =	sadd.s32 s10, s30;
	s21 =	sshrl.u32 s25, $0x1F;
	s25 =	sshrl.u32 s4, $0x1F  }
0x1a7: {  	(v2sf) =	vpush v4, $0x4;
	s4 =	sshra.s32 s4, $0x6;
	s8 =	sshra.s32 s16, $0x6;
	s30 =	sld [smem:$0x74A]  }
0x1a8: {  	v9 =	vmov s26;
	s20 =	sshra.s32 s0, $0x1F;
	s22 =	sshra.s32 s6, $0x6;
	v7 =	vmov s21;
	s21 =	sshra.s32 s6, $0x1F  }
0x1a9: {  	(v2sf) =	vpush v2, $0xC;
	s6 =	sshrl.u32 s6, $0x1F;
	v9 =	vsel vm0, s4, v9;
	s4 =	sshrl.u32 s5, $0x1F;
	v7 =	vsel vm0, s25, v7;
	s25 =	sshrl.u32 s2, $0x1F  }
0x1aa: {  	v6 =	vmov s20;
	v10 =	vmov s6;
	s20 =	sshrl.u32 s7, $0x1F;
	s2 =	sshra.s32 s2, $0x6;
	s6 =	sshra.s32 s14, $0x1F  }
0x1ab: {  	(v2sf) =	vpush v2, $0x8;
	s11 =	sadd.s32 s11, s24;
	s24 =	sshrl.u32 s9, $0x1F;
	v6 =	vsel vm3, s22, v6;
	s22 =	sshra.s32 s9, $0x6  }
0x1ac: {  	v7 =	vsel vm1, s25, v7;
	v9 =	vsel vm1, s2, v9;
	s25 =	sshrl.u32 s18, $0x1F;
	s2 =	sshra.s32 s14, $0x6;
	v8 =	vmov s24;
	s26 =	sshrl.u32 s11, $0x1F  }
0x1ad: {  	s9 =	sshra.s32 s3, $0x6;
	v6 =	vsel vm9, s21, v6;
	s24 =	sshra.s32 s1, $0x6;
	v8 =	vsel vm0, s26, v8;
	s26 =	sld [smem:$0x744]  }
0x1ae: {  	v11 =	vmov s22;
	s21 =	sshra.s32 s1, $0x1F;
	s22 =	sshra.s32 s11, $0x6;
	s11 =	sshra.s32 s5, $0x1F;
	v6 =	vsel vm0, s24, v6  }
0x1af: {  	(v2sf) =	vpush v3, $0xC;
	s1 =	sshrl.u32 s1, $0x1F;
	v7 =	vsel vm2, s25, v7;
	s25 =	sshrl.u32 s0, $0x1F;
	s24 =	sshra.s32 s5, $0x6;
	v6 =	vsel vm10, s21, v6  }
0x1b0: {  	v11 =	vsel vm0, s22, v11;
	s22 =	sshra.s32 s7, $0x6;
	s5 =	sshra.s32 s18, $0x6;
	v6 =	vsel vm1, s24, v6;
	s10 =	sadd.s32 s28, s26  }
0x1b1: {  	v10 =	vnsel vm3, $0x0, v10;
	v6 =	vsel vm11, s11, v6;
	s11 =	sld [smem:$0x745];
	s21 =	sshra.s32 s10, $0x6;
	s24 =	sshra.s32 s10, $0x1F  }
0x1b2: {  	v10 =	vsel vm0, s1, v10;
	v8 =	vsel vm1, s20, v8;
	v11 =	vsel vm1, s22, v11;
	s7 =	sshrl.u32 s10, $0x1F;
	s10 =	sshrl.u32 s14, $0x1F;
	s14 =	sld [smem:$0x746]  }
0x1b3: {  	s0 =	sshra.s32 s0, $0x6;
	s18 =	sshrl.u32 s3, $0x1F;
	v10 =	vsel vm1, s4, v10;
	v9 =	vsel vm2, s5, v9;
	v11 =	vsel vm2, s8, v11;
	s26 =	sshrl.u32 s16, $0x1F  }
0x1b4: {  	s8 =	sshra.s32 s31, $0x1F;
	s16 =	sshra.s32 s3, $0x1F;
	s28 =	sld [smem:$0x748];
	v8 =	vsel vm2, s26, v8;
	v6 =	vsel vm2, s21, v6;
	v10 =	vsel vm2, s7, v10  }
0x1b5: {  	s8 =	smul.u32 $0x6BCA1AF3, s8;
	v7 =	vcombine.low v8, v7;
	v6 =	vsel vm12, s24, v6;
	v8 =	vsel vm4, s10, v10;
	s24 =	spop (v2sf);
	s5 =	sadd.s32 s14, s11  }
0x1b6: {  	[smem:$0x756] =	sst s24;
	v8 =	vsel vm5, s18, v8;
	s4 =	spop (v2sf);
	s18 =	sshra.s32 s15, $0x1F  }
0x1b7: {  	s20 =	sshra.s32 s5, $0x6;
	s21 =	sshrl.u32 s5, $0x1F;
	[smem:$0x757] =	sst s4  }
0x1b8: {  	v6 =	vsel vm4, s2, v6;
	s22 =	sshra.s32 s5, $0x1F;
	s26 =	spop (v2sf);
	s5 =	sld [smem:$0x747]  }
0x1b9: {  	s3 =	sshra.s32 s29, $0x1F;
	v6 =	vsel vm13, s6, v6;
	s1 =	smul.u32 $0x6BCA1AF3, s18;
	s18 =	sld [smem:$0x7B8]  }
0x1ba: {  	s6 =	sshra.s32 s28, $0x1F;
	v6 =	vsel vm5, s9, v6;
	[smem:$0x750] =	sst s26;
	s11 =	spop (v2sf)  }
0x1bb: {  	s4 =	sshra.s32 s4, $0x1F;
	s26 =	sld [smem:$0x74B];
	s6 =	smul.u32 $0x6BCA1AF3, s6;
	v6 =	vsel vm14, s16, v6  }
0x1bc: {  	v9 =	vcombine.low v11, v9;
	v8 =	vsel vm6, s21, v8;
	s21 =	sshra.s32 s17, $0x1F;
	[smem:$0x755] =	sst s4;
	s16 =	smul.u32 $0x6BCA1AF3, s3;
	v6 =	vsel vm6, s20, v6  }
0x1bd: {  	v8 =	vsel vm7, s25, v8;
	[smem:$0x752] =	sst s11;
	s25 =	smulhi.u32 $0x6BCA1AF3, s29;
	s11 =	sshra.s32 s12, $0x1F;
	v6 =	vsel vm15, s22, v6  }
0x1be: {  	v9 =	vperm.xlane v9, v0;
	v7 =	vperm.xlane v7, v0;
	s10 =	sshra.s32 s5, $0x1F;
	s20 =	spop (v2sf);
	s14 =	smulhi.u32 $0x6BCA1AF3, s5;
	v6 =	vsel vm7, s0, v6  }
0x1bf: {  	s3 =	sshra.s32 s13, $0x1F;
	v8 =	vperm.xlane v8, v1;
	(v2sf) =	vpush v3, $0x8;
	[smem:$0x754] =	sst s20;
	s7 =	smul.u32 $0x6BCA1AF3, s10;
	v6 =	vperm.xlane v6, v1  }
0x1c0: {  	s10 =	sshra.s32 s30, $0x1F;
	s9 =	sshra.s32 s26, $0x1F;
	s20 =	smulhi.u32 $0x6BCA1AF3, s15  }
0x1c1: {  	(v2sf) =	vpush v4, $0xC;
	s15 =	smul.u32 $0x6BCA1AF3, s21;
	v7 =	vsel vm8, v8, v7;
	s0 =	sadd.s32 s16, s25;
	s25 =	sld [smem:$0x74C];
	v6 =	vsel vm8, v6, v9  }
0x1c2: {  	s9 =	smul.u32 $0x6BCA1AF3, s9;
	[dreg:$0xb] =	wrdreg s0;
	s7 =	sadd.s32 s7, s14;
	v6 =	vadd.s32 v7, v6  }
0x1c3: {  	(v2sf) =	vpush v4, $0x8;
	s21 =	sshra.s32 s0, $0x1F;
	s0 =	sadd.s32 s1, s20;
	[dreg:$0x9] =	wrdreg s7;
	v7 =	vmul.u32 $0xFFFFFF68, v6  }
0x1c4: {  	s22 =	sshra.s32 s19, $0x1F;
	(v2sf) =	vpush v2, $0xD;
	s14 =	smulhi.u32 $0x6BCA1AF3, s28;
	[dreg:$0x1c] =	wrdreg s0  }
0x1c5: {  	s7 =	sshra.s32 s7, $0x1F;
	s1 =	sshra.s32 s0, $0x1F;
	[tilespmem:s18+$0x30] =	vst v6;
	v6 =	vmov s21;
	s21 =	sld [smem:$0x74E];
	v5 =	vadd.s32 v5, v7  }
0x1c6: {  	s20 =	smov.u32 s23;
	v7 =	vmov s1;
	s1 =	sld [smem:$0x74F];
	[tilespmem:s18+$0x430] =	vst v5;
	v5 =	vmov s7;
	s7 =	smul.u32 $0x6BCA1AF3, s10  }
0x1c7: {  	(v2sf) =	vpush v2, $0x9;
	s18 =	sld [smem:$0x74D];
	s10 =	smulhi.u32 $0x6BCA1AF3, s17;
	s17 =	sshra.s32 s24, $0x1F  }
0x1c8: {  	s5 =	sshra.s32 s25, $0x1F;
	(v2sf) =	vpush v2, $0x5;
	s24 =	smulhi.u32 $0x6BCA1AF3, s30;
	[smem:$0x753] =	sst s17  }
0x1c9: {  	s17 =	sadd.s32 s15, s10;
	s10 =	sadd.s32 s6, s14;
	s6 =	smul.u32 $0x6BCA1AF3, s11  }
0x1ca: {  	(v2sf) =	vpush v3, $0xD;
	s16 =	sshra.s32 s1, $0x1F;
	s24 =	sadd.s32 s7, s24;
	s11 =	smul.u32 $0x6BCA1AF3, s3  }
0x1cb: {  	(v2sf) =	vpush v3, $0x9;
	s3 =	smulhi.u32 $0x6BCA1AF3, s31;
	[smem:$0x751] =	sst s16;
	s16 =	sshra.s32 s24, $0x6  }
0x1cc: {  	s4 =	sshra.s32 s17, $0x6;
	s14 =	sshra.s32 s10, $0x6;
	v7 =	vsel vm3, s16, v7;
	s16 =	smulhi.u32 $0x6BCA1AF3, s12  }
0x1cd: {  	(v2sf) =	vpush v3, $0x5;
	s15 =	sshra.s32 s17, $0x1F;
	v5 =	vsel vm3, s14, v5;
	s3 =	sadd.s32 s8, s3;
	s14 =	smulhi.u32 $0x6BCA1AF3, s13  }
0x1ce: {  	s7 =	sshra.s32 s10, $0x1F;
	s30 =	spop (v2sf);
	[smem:$0x75F] =	sst s3  }
0x1cf: {  	s13 =	smulhi.u32 $0x6BCA1AF3, s19;
	v5 =	vsel vm9, s7, v5;
	s7 =	sshra.s32 s24, $0x1F;
	[smem:$0x75D] =	sst s30  }
0x1d0: {  	(v2sf) =	vpush v4, $0xD;
	v6 =	vsel vm3, s4, v6;
	s31 =	spop (v2sf);
	v7 =	vsel vm9, s7, v7;
	s7 =	sadd.s32 s6, s16;
	s6 =	smul.u32 $0x6BCA1AF3, s22  }
0x1d1: {  	(v2sf) =	vpush v4, $0x9;
	v6 =	vsel vm9, s15, v6;
	s4 =	sadd.s32 s11, s14;
	s16 =	sshra.s32 s3, $0x6;
	[smem:$0x75E] =	sst s31  }
0x1d2: {  	s28 =	spop (v2sf);
	[smem:$0x761] =	sst s4;
	v6 =	vsel vm0, s16, v6;
	s16 =	sshra.s32 s4, $0x6  }
0x1d3: {  	[smem:$0x760] =	sst s7;
	s15 =	spop (v2sf);
	v7 =	vsel vm0, s16, v7;
	s16 =	sshra.s32 s4, $0x1F  }
0x1d4: {  	(v2sf) =	vpush v4, $0x5;
	s4 =	sadd.s32 s6, s13;
	s6 =	smulhi.u32 $0x6BCA1AF3, s20;
	s20 =	sld [smem:$0x755]  }
0x1d5: {  	s5 =	smul.u32 $0x6BCA1AF3, s5;
	(v2sf) =	vpush v2, $0xE;
	[smem:$0x758] =	sst s15  }
0x1d6: {  	s29 =	spop (v2sf);
	[smem:$0x76C] =	sst s4  }
0x1d7: {  	s23 =	sshra.s32 s23, $0x1F;
	[smem:$0x768] =	sst s29;
	s14 =	spop (v2sf)  }
0x1d8: {  	s0 =	sshra.s32 s21, $0x1F;
	s11 =	smulhi.u32 $0x6BCA1AF3, s26;
	[smem:$0x76A] =	sst s14  }
0x1d9: {  	s2 =	sshra.s32 s18, $0x1F;
	(v2sf) =	vpush v2, $0xA;
	s26 =	spop (v2sf);
	s14 =	smul.u32 $0x6BCA1AF3, s23  }
0x1da: {  	s10 =	sshrl.u32 s10, $0x1F;
	[smem:$0x76B] =	sst s26;
	s19 =	spop (v2sf)  }
0x1db: {  	s2 =	smul.u32 $0x6BCA1AF3, s2;
	s22 =	smov.u32 s3;
	[smem:$0x759] =	sst s19  }
0x1dc: {  	s12 =	spop (v2sf);
	s6 =	sadd.s32 s14, s6;
	s14 =	sld [smem:$0x753]  }
0x1dd: {  	(v2sf) =	vpush v3, $0xE;
	s19 =	smulhi.u32 $0x6BCA1AF3, s25;
	s25 =	sadd.s32 s9, s11;
	[smem:$0x76D] =	sst s12  }
0x1de: {  	s22 =	sshra.s32 s22, $0x1F;
	s15 =	sshra.s32 s7, $0x6;
	[smem:$0x769] =	sst s25  }
0x1df: {  	v6 =	vsel vm10, s22, v6;
	v5 =	vsel vm0, s15, v5;
	s15 =	sshra.s32 s7, $0x1F;
	s22 =	spop (v2sf);
	[smem:$0x782] =	sst s6  }
0x1e0: {  	v9 =	vmov s10;
	s10 =	sshrl.u32 s24, $0x1F;
	(v2sf) =	vpush v3, $0xA;
	v5 =	vsel vm10, s15, v5;
	[smem:$0x76E] =	sst s22;
	s15 =	spop (v2sf)  }
0x1e1: {  	s13 =	sshra.s32 s4, $0x6;
	s3 =	sadd.s32 s5, s19;
	[smem:$0x76F] =	sst s15  }
0x1e2: {  	s4 =	sshra.s32 s4, $0x1F;
	s19 =	smulhi.u32 $0x6BCA1AF3, s18;
	[smem:$0x770] =	sst s3  }
0x1e3: {  	v10 =	vmov s10;
	(v2sf) =	vpush v4, $0xE;
	s9 =	sshra.s32 s25, $0x6;
	s12 =	spop (v2sf);
	s10 =	sld [smem:$0x76E]  }
0x1e4: {  	v5 =	vsel vm1, s13, v5;
	s22 =	sshra.s32 s3, $0x6;
	[smem:$0x771] =	sst s12;
	s11 =	spop (v2sf)  }
0x1e5: {  	(v2sf) =	vpush v4, $0xA;
	v5 =	vsel vm11, s4, v5;
	s4 =	smul.u32 $0x6BCA1AF3, s14;
	[smem:$0x779] =	sst s11;
	s11 =	sshra.s32 s25, $0x1F  }
0x1e6: {  	(v2sf) =	vpush v2, $0xF;
	v7 =	vsel vm10, s16, v7;
	s25 =	smulhi.u32 $0x6BCA1AF3, s21;
	s21 =	sadd.s32 s2, s19;
	s2 =	sld [smem:$0x750]  }
0x1e7: {  	s7 =	sshra.s32 s3, $0x1F;
	v7 =	vsel vm1, s22, v7;
	[smem:$0x75B] =	sst s4  }
0x1e8: {  	s16 =	spop (v2sf);
	v7 =	vsel vm11, s7, v7;
	s7 =	sld [smem:$0x754]  }
0x1e9: {  	v6 =	vsel vm1, s9, v6;
	[smem:$0x77B] =	sst s16  }
0x1ea: {  	(v2sf) =	vpush v2, $0xB;
	v6 =	vsel vm11, s11, v6;
	s11 =	sld [smem:$0x751]  }
0x1eb: {  	(v2sf) =	vpush v2, $0x6;
	s24 =	sshra.s32 s6, $0x6;
	s4 =	smul.u32 $0x6BCA1AF3, s20;
	[smem:$0x77A] =	sst s21  }
0x1ec: {  	s23 =	spop (v2sf);
	v7 =	vsel vm2, s24, v7;
	s24 =	sshra.s32 s26, $0x1F;
	s26 =	sld [smem:$0x759]  }
0x1ed: {  	(v2sf) =	vpush v3, $0xF;
	[smem:$0x77C] =	sst s23  }
0x1ee: {  	s8 =	smul.u32 $0x6BCA1AF3, s0;
	[smem:$0x75C] =	sst s4  }
0x1ef: {  	(v2sf) =	vpush v3, $0xB;
	s18 =	spop (v2sf);
	s4 =	sld [smem:$0x756]  }
0x1f0: {  	s5 =	sadd.s32 s8, s25;
	[smem:$0x77D] =	sst s18  }
0x1f1: {  	s23 =	sshra.s32 s23, $0x1F;
	[smem:$0x77E] =	sst s5  }
0x1f2: {  	s16 =	spop (v2sf);
	[smem:$0x775] =	sst s23  }
0x1f3: {  	(v2sf) =	vpush v3, $0x6;
	[smem:$0x77F] =	sst s16  }
0x1f4: {  	s9 =	spop (v2sf);
	s3 =	smul.u32 $0x6BCA1AF3, s11  }
0x1f5: {  	[smem:$0x780] =	sst s9;
	s8 =	spop (v2sf)  }
0x1f6: {  	(v2sf) =	vpush v4, $0xF;
	s0 =	sshra.s32 s2, $0x1F;
	[smem:$0x7E2] =	sst s8  }
0x1f7: {  	s0 =	smul.u32 $0x6BCA1AF3, s0;
	[smem:$0x75A] =	sst s3  }
0x1f8: {  	s3 =	sld [smem:$0x752]  }
0x1f9: {  	s13 =	spop (v2sf);
	[smem:$0x762] =	sst s0  }
0x1fa: {  	[smem:$0x7E3] =	sst s13;
	s19 =	spop (v2sf)  }
0x1fb: {  	s13 =	sshra.s32 s7, $0x1F;
	[smem:$0x7E4] =	sst s19  }
0x1fc: {  	s14 =	sshra.s32 s30, $0x1F;
	s22 =	spop (v2sf);
	s30 =	smul.u32 $0x6BCA1AF3, s13  }
0x1fd: {  	(v2sf) =	vpush v4, $0xB;
	s13 =	smul.u32 $0x6BCA1AF3, s14;
	s14 =	sld [smem:$0x76D]  }
0x1fe: {  	[smem:$0x7E7] =	sst s22;
	s25 =	spop (v2sf)  }
0x1ff: {  	s22 =	smulhi.u32 $0x6BCA1AF3, s1;
	[smem:$0x7EB] =	sst s25  }
0x200: {  	s1 =	sshrl.u32 s17, $0x1F;
	s17 =	sshra.s32 s21, $0x6;
	s25 =	sld [smem:$0x757]  }
0x201: {  	s11 =	sshra.s32 s3, $0x1F;
	v6 =	vsel vm2, s17, v6;
	s17 =	sld [smem:$0x758]  }
0x202: {  	s8 =	spop (v2sf);
	[smem:$0x764] =	sst s13;
	s13 =	sshra.s32 s15, $0x1F  }
0x203: {  	s15 =	sshra.s32 s21, $0x1F;
	s21 =	sshra.s32 s12, $0x1F;
	s12 =	sld [smem:$0x75B]  }
0x204: {  	(v2sf) =	vpush v4, $0x6;
	s11 =	smul.u32 $0x6BCA1AF3, s11;
	[smem:$0x7EC] =	sst s8  }
0x205: {  	s8 =	spop (v2sf);
	[smem:$0x767] =	sst s13  }
0x206: {  	[smem:$0x7ED] =	sst s8  }
0x207: {  	s20 =	sshra.s32 s31, $0x1F;
	[smem:$0x763] =	sst s11  }
0x208: {  	s0 =	smov.u32 s6;
	v8 =	vmov s1;
	s1 =	sshra.s32 s14, $0x1F;
	s11 =	sld [smem:$0x76A]  }
0x209: {  	s14 =	smul.u32 $0x6BCA1AF3, s20;
	s20 =	sshra.s32 s5, $0x1F;
	[smem:$0x765] =	sst s1  }
0x20a: {  	v6 =	vsel vm12, s15, v6;
	s15 =	sshra.s32 s0, $0x1F;
	s8 =	sshra.s32 s5, $0x6;
	s5 =	sld [smem:$0x75A]  }
0x20b: {  	s19 =	smulhi.u32 $0x6BCA1AF3, s4;
	v7 =	vsel vm12, s15, v7;
	s15 =	sld [smem:$0x779]  }
0x20c: {  	s1 =	sshra.s32 s10, $0x1F;
	s31 =	smulhi.u32 $0x6BCA1AF3, s25;
	s25 =	spop (v2sf)  }
0x20d: {  	[smem:$0x766] =	sst s1;
	s1 =	smulhi.u32 $0x6BCA1AF3, s2  }
0x20e: {  	s2 =	smulhi.u32 $0x6BCA1AF3, s3;
	s3 =	sld [smem:$0x75D]  }
0x20f: {  	v5 =	vsel vm2, s8, v5;
	[smem:$0x7EE] =	sst s25  }
0x210: {  	s19 =	sadd.s32 s12, s19;
	v5 =	vsel vm12, s20, v5;
	s20 =	sld [smem:$0x75C]  }
0x211: {  	s4 =	smov.u32 s28;
	s28 =	sshra.s32 s28, $0x1F;
	[dreg:$0x16] =	wrdreg s19  }
0x212: {  	s13 =	smul.u32 $0x6BCA1AF3, s28;
	s28 =	sadd.s32 s5, s22;
	s22 =	sld [smem:$0x77B]  }
0x213: {  	s25 =	spop (v2sf);
	s5 =	sshra.s32 s18, $0x1F;
	s18 =	sld [smem:$0x75E]  }
0x214: {  	[dreg:$0x1b] =	wrdreg s25  }
0x215: {  	s6 =	sshra.s32 s17, $0x1F;
	s12 =	smulhi.u32 $0x6BCA1AF3, s7;
	[smem:$0x776] =	sst s5  }
0x216: {  	s5 =	smul.u32 $0x6BCA1AF3, s6;
	s6 =	sshra.s32 s28, $0x6;
	[dreg:$0x18] =	wrdreg s28  }
0x217: {  	s7 =	sadd.s32 s20, s31;
	s20 =	sshra.s32 s16, $0x1F;
	v6 =	vsel vm4, s6, v6;
	s6 =	sld [smem:$0x761]  }
0x218: {  	[smem:$0x777] =	sst s20  }
0x219: {  	s0 =	sshra.s32 s22, $0x1F;
	s22 =	sld [smem:$0x75F]  }
0x21a: {  	s8 =	sshra.s32 s29, $0x1F;
	[smem:$0x772] =	sst s5  }
0x21b: {  	s20 =	smul.u32 $0x6BCA1AF3, s8;
	s8 =	sld [smem:$0x762]  }
0x21c: {  	[dreg:$0x14] =	wrdreg s7  }
0x21d: {  	[smem:$0x774] =	sst s0  }
0x21e: {  	s0 =	smulhi.u32 $0x6BCA1AF3, s4;
	s4 =	sshra.s32 s9, $0x1F;
	s9 =	sld [smem:$0x760]  }
0x21f: {  	[smem:$0x778] =	sst s4  }
0x220: {  	s11 =	sshra.s32 s11, $0x1F;
	s18 =	smulhi.u32 $0x6BCA1AF3, s18;
	[smem:$0x773] =	sst s20  }
0x221: {  	s20 =	smul.u32 $0x6BCA1AF3, s11;
	s11 =	sld [smem:$0x763]  }
0x222: {  	v10 =	vnsel vm3, $0x0, v10;
	s4 =	sshrl.u32 s6, $0x1F;
	s6 =	sld [smem:$0x7EB];
	s23 =	sshrl.u32 s22, $0x1F  }
0x223: {  	v8 =	vnsel vm3, $0x0, v8;
	s22 =	sshra.s32 s19, $0x6;
	v10 =	vsel vm0, s4, v10;
	s4 =	smul.u32 $0x6BCA1AF3, s24;
	s24 =	sld [smem:$0x766]  }
0x224: {  	v8 =	vsel vm0, s23, v8;
	s23 =	sadd.s32 s8, s1;
	s8 =	sadd.s32 s30, s12;
	s12 =	sld [smem:$0x764]  }
0x225: {  	v9 =	vnsel vm3, $0x0, v9;
	s16 =	sshrl.u32 s9, $0x1F;
	v5 =	vsel vm4, s22, v5;
	s22 =	sld [smem:$0x7E4]  }
0x226: {  	s10 =	sshra.s32 s15, $0x1F;
	v9 =	vsel vm0, s16, v9;
	s16 =	sadd.s32 s14, s18;
	s14 =	sld [smem:$0x7E2]  }
0x227: {  	s15 =	smulhi.u32 $0x6BCA1AF3, s3;
	s9 =	sshra.s32 s7, $0x6;
	s18 =	sld [smem:$0x7E3]  }
0x228: {  	s5 =	sadd.s32 s11, s2;
	s11 =	sld [smem:$0x767];
	s2 =	smul.u32 $0x6BCA1AF3, s24  }
0x229: {  	v7 =	vsel vm4, s9, v7;
	s24 =	smulhi.u32 $0x6BCA1AF3, s17;
	s9 =	sadd.s32 s12, s15;
	s15 =	sld [smem:$0x765]  }
0x22a: {  	s17 =	sshrl.u32 s5, $0x1F;
	s1 =	sshra.s32 s14, $0x1F;
	s14 =	sld [smem:$0x7ED]  }
0x22b: {  	v12 =	vmov s17;
	s17 =	sshra.s32 s23, $0x6;
	[smem:$0x781] =	sst s1  }
0x22c: {  	v13 =	vmov s17;
	s17 =	sshrl.u32 s9, $0x1F;
	s1 =	sld [smem:$0x7E7]  }
0x22d: {  	s9 =	sshra.s32 s9, $0x6;
	v17 =	vmov s17;
	s17 =	sshra.s32 s19, $0x1F;
	s19 =	sld [smem:$0x76E]  }
0x22e: {  	v21 =	vmov s9;
	s9 =	sld [smem:$0x76F]  }
0x22f: {  	s12 =	smul.u32 $0x6BCA1AF3, s15;
	s15 =	sadd.s32 s13, s0;
	s13 =	sld [smem:$0x7EC]  }
0x230: {  	s29 =	sshra.s32 s26, $0x1F;
	s0 =	sshra.s32 s18, $0x1F;
	s18 =	sld [smem:$0x7EE]  }
0x231: {  	s3 =	smul.u32 $0x6BCA1AF3, s29;
	[smem:$0x783] =	sst s0;
	s0 =	sshra.s32 s22, $0x1F  }
0x232: {  	[smem:$0x784] =	sst s0;
	s0 =	sshra.s32 s1, $0x1F;
	s22 =	sshra.s32 s13, $0x1F  }
0x233: {  	s13 =	sshra.s32 s14, $0x1F;
	s14 =	sshra.s32 s25, $0x1F;
	s25 =	sld [smem:$0x768]  }
0x234: {  	s1 =	smul.u32 $0x6BCA1AF3, s21;
	s21 =	sshrl.u32 s23, $0x1F;
	[smem:$0x785] =	sst s0  }
0x235: {  	s0 =	smul.u32 $0x6BCA1AF3, s11;
	v11 =	vmov s21;
	s21 =	sld [smem:$0x769]  }
0x236: {  	s31 =	sshra.s32 s6, $0x1F;
	s11 =	smulhi.u32 $0x6BCA1AF3, s25;
	s25 =	sld [smem:$0x76A]  }
0x237: {  	v5 =	vsel vm13, s17, v5;
	s17 =	sshrl.u32 s15, $0x1F;
	s23 =	sshra.s32 s28, $0x1F;
	s9 =	smulhi.u32 $0x6BCA1AF3, s9  }
0x238: {  	v23 =	vmov s17;
	s17 =	sld [smem:$0x773];
	s30 =	sshra.s32 s18, $0x1F;
	v6 =	vsel vm13, s23, v6;
	s23 =	smulhi.u32 $0x6BCA1AF3, s26  }
0x239: {  	s6 =	sshrl.u32 s21, $0x1F;
	s18 =	smulhi.u32 $0x6BCA1AF3, s25;
	s25 =	sld [smem:$0x76B]  }
0x23a: {  	s26 =	sld [smem:$0x76D];
	v8 =	vsel vm1, s6, v8;
	s6 =	sshrl.u32 s8, $0x1F;
	s8 =	sshra.s32 s8, $0x6  }
0x23b: {  	s3 =	sadd.s32 s3, s23;
	s23 =	sld [smem:$0x77A];
	v20 =	vmov s8;
	s8 =	smulhi.u32 $0x6BCA1AF3, s19  }
0x23c: {  	s21 =	smulhi.u32 $0x6BCA1AF3, s25;
	s25 =	sld [smem:$0x76C]  }
0x23d: {  	s5 =	sshra.s32 s5, $0x6;
	s0 =	sadd.s32 s0, s9;
	s19 =	sld [smem:$0x770]  }
0x23e: {  	s11 =	sadd.s32 s17, s11;
	s17 =	sld [smem:$0x779];
	s2 =	sadd.s32 s2, s8  }
0x23f: {  	v14 =	vmov s5;
	s8 =	sld [smem:$0x777];
	s5 =	sshrl.u32 s25, $0x1F;
	s25 =	sshrl.u32 s16, $0x1F  }
0x240: {  	s26 =	smulhi.u32 $0x6BCA1AF3, s26;
	s16 =	sshra.s32 s16, $0x6;
	v22 =	vmov s25;
	s25 =	sld [smem:$0x771]  }
0x241: {  	v16 =	vmov s6;
	s6 =	smul.u32 $0x6BCA1AF3, s10;
	s10 =	sshra.s32 s15, $0x6;
	v27 =	vmov s16;
	s16 =	sld [smem:$0x772]  }
0x242: {  	s9 =	sshra.s32 s11, $0x6;
	v18 =	vsel vm1, s5, v9;
	s5 =	sshrl.u32 s19, $0x1F;
	s19 =	sld [smem:$0x774]  }
0x243: {  	s18 =	sadd.s32 s20, s18;
	s4 =	sadd.s32 s4, s21;
	s21 =	sld [smem:$0x775]  }
0x244: {  	v26 =	vsel vm1, s5, v10;
	s5 =	sld [smem:$0x77B];
	s29 =	smulhi.u32 $0x6BCA1AF3, s25;
	s25 =	sshra.s32 s7, $0x1F  }
0x245: {  	s7 =	sadd.s32 s16, s24;
	s15 =	smul.u32 $0x6BCA1AF3, s19;
	s24 =	sld [smem:$0x776]  }
0x246: {  	s19 =	sadd.s32 s12, s26;
	s12 =	smul.u32 $0x6BCA1AF3, s8;
	s16 =	sld [smem:$0x778]  }
0x247: {  	s8 =	smulhi.u32 $0x6BCA1AF3, s17;
	s26 =	sshrl.u32 s23, $0x1F;
	s17 =	sshrl.u32 s3, $0x1F  }
0x248: {  	v63 =	vmov s10;
	s3 =	sshra.s32 s3, $0x6;
	v7 =	vsel vm13, s25, v7;
	s25 =	smul.u32 $0x6BCA1AF3, s21;
	s10 =	sshrl.u32 s7, $0x1F  }
0x249: {  	s21 =	sshrl.u32 s11, $0x1F;
	s5 =	smulhi.u32 $0x6BCA1AF3, s5;
	v10 =	vsel vm2, s26, v8;
	s26 =	sld [smem:$0x77E]  }
0x24a: {  	s7 =	sshra.s32 s7, $0x6;
	s11 =	sshrl.u32 s4, $0x1F;
	v9 =	vsel vm0, s10, v11;
	v11 =	vsel vm0, s21, v12;
	s21 =	sld [smem:$0x77D]  }
0x24b: {  	v19 =	vsel vm0, s17, v17;
	s17 =	sshrl.u32 s2, $0x1F;
	v12 =	vsel vm0, s9, v14;
	s10 =	sshra.s32 s18, $0x6;
	v14 =	vsel vm0, s11, v16;
	s11 =	sld [smem:$0x77F]  }
0x24c: {  	s9 =	sshra.s32 s4, $0x6;
	s20 =	smul.u32 $0x6BCA1AF3, s16;
	s16 =	sld [smem:$0x77C]  }
0x24d: {  	s28 =	smul.u32 $0x6BCA1AF3, s24;
	s24 =	sadd.s32 s1, s29;
	s29 =	sld [smem:$0x7B8]  }
0x24e: {  	v13 =	vsel vm0, s7, v13;
	v15 =	vsel vm5, s10, v6;
	s7 =	sshrl.u32 s26, $0x1F;
	s10 =	smulhi.u32 $0x6BCA1AF3, s21;
	s21 =	sld [smem:$0x780]  }
0x24f: {  	v16 =	vsel vm2, s7, v18;
	s7 =	sld [smem:$0x781];
	s23 =	smulhi.u32 $0x6BCA1AF3, s16;
	s16 =	sshra.s32 s19, $0x6  }
0x250: {  	s26 =	smulhi.u32 $0x6BCA1AF3, s11;
	s11 =	sshrl.u32 s0, $0x1F;
	v24 =	vsel vm5, s16, v5;
	s16 =	sld [smem:$0x782]  }
0x251: {  	v20 =	vsel vm0, s9, v20;
	v25 =	vsel vm0, s11, v23;
	s11 =	sadd.s32 s6, s8;
	s6 =	sld [smem:$0x784];
	s9 =	smulhi.u32 $0x6BCA1AF3, s21  }
.Ltmp0:
0x252: {  	s2 =	sshra.s32 s2, $0x6;
	s21 =	sld [smem:$0x783];
	(pc) =	sbr.rel @p0 .LBB2_2-.Ltmp0, $4  }
0x253: {  	v18 =	vsel vm0, s17, v22;
	s1 =	smul.u32 $0x6BCA1AF3, s7;
	s17 =	sshrl.u32 s16, $0x1F;
	s16 =	sld [smem:$0x785]  }
0x254: {  	s0 =	sshra.s32 s0, $0x6;
	s7 =	rddreg [dreg:$0xf];
	s6 =	smul.u32 $0x6BCA1AF3, s6  }
0x255: {  	v21 =	vsel vm0, s3, v21;
	s8 =	sshra.s32 s24, $0x6;
	s4 =	smul.u32 $0x6BCA1AF3, s21;
	v17 =	vsel vm2, s17, v26;
	s17 =	rddreg [dreg:$0x10]  }
0x256: {  	v22 =	vsel vm0, s0, v63;
	v23 =	vsel vm5, s8, v7;
	v26 =	vsel vm0, s2, v27;
	s2 =	sadd.s32 $0x80, s7;
	s0 =	sadd.s32 $0x40, s17;
	s21 =	smul.u32 $0x6BCA1AF3, s16  }
0x257: {  	s3 =	smul.u32 $0x6BCA1AF3, s31;
	s0 =	sld [smem:$0x7E2]  }
0x258: {  	s7 =	smul.u32 $0x6BCA1AF3, s22;
	s2 =	sld [smem:$0x7E3]  }
0x259: {  	s8 =	smul.u32 $0x6BCA1AF3, s13;
	s17 =	sld [smem:$0x7E4]  }
0x25a: {  	s5 =	sadd.s32 s15, s5;
	s16 =	sld [smem:$0x7E7];
	s0 =	smulhi.u32 $0x6BCA1AF3, s0  }
0x25b: {  	s9 =	sadd.s32 s20, s9;
	s20 =	sld [smem:$0x7EB];
	s2 =	smulhi.u32 $0x6BCA1AF3, s2  }
0x25c: {  	s12 =	sadd.s32 s12, s26;
	s26 =	sld [smem:$0x7EC];
	s15 =	smulhi.u32 $0x6BCA1AF3, s17  }
0x25d: {  	s13 =	sadd.s32 s25, s23;
	s16 =	smulhi.u32 $0x6BCA1AF3, s16  }
0x25e: {  	s10 =	sadd.s32 s28, s10;
	s23 =	rddreg [dreg:$0x18];
	s22 =	smulhi.u32 $0x6BCA1AF3, s20  }
0x25f: {  	s25 =	rddreg [dreg:$0x16];
	s20 =	smulhi.u32 $0x6BCA1AF3, s26;
	s17 =	sadd.s32 s1, s0  }
0x260: {  	s4 =	sadd.s32 s4, s2;
	s0 =	sadd.s32 s6, s15;
	s6 =	smul.u32 $0x6BCA1AF3, s30  }
0x261: {  	s2 =	sadd.s32 s21, s16;
	s1 =	sadd.s32 s3, s22;
	s3 =	smul.u32 $0x6BCA1AF3, s14  }
0x262: {  	s14 =	sshrl.u32 s23, $0x1F;
	s15 =	sshrl.u32 s11, $0x1F;
	s11 =	sshra.s32 s11, $0x6  }
0x263: {  	s16 =	sshrl.u32 s5, $0x1F;
	s5 =	sshra.s32 s5, $0x6;
	s23 =	smov.u32 s18  }
0x264: {  	s18 =	sshrl.u32 s25, $0x1F;
	s22 =	smov.u32 s19;
	s19 =	sshrl.u32 s13, $0x1F  }
0x265: {  	s13 =	sshra.s32 s13, $0x6;
	s21 =	sshrl.u32 s10, $0x1F;
	s25 =	rddreg [dreg:$0x14]  }
0x266: {  	s10 =	sshra.s32 s10, $0x6;
	v5 =	vsel vm1, s15, v9;
	v6 =	vsel vm1, s16, v11;
	s16 =	sld [smem:$0x7ED];
	v9 =	vsel vm1, s5, v12;
	s5 =	sshrl.u32 s12, $0x1F  }
0x267: {  	v7 =	vsel vm4, s14, v10;
	v8 =	vsel vm1, s11, v13;
	s11 =	sshra.s32 s12, $0x6;
	s26 =	sshra.s32 s23, $0x1F;
	s14 =	sld [smem:$0x7EE]  }
0x268: {  	v11 =	vsel vm1, s19, v14;
	v12 =	vsel vm1, s21, v19;
	s19 =	sshra.s32 s22, $0x1F;
	s21 =	sshrl.u32 s9, $0x1F;
	s9 =	sshra.s32 s9, $0x6  }
0x269: {  	v13 =	vsel vm4, s18, v16;
	s18 =	sshra.s32 s0, $0x6;
	v10 =	vsel vm14, s26, v15;
	s26 =	sshra.s32 s24, $0x1F;
	v18 =	vsel vm1, s5, v18;
	s5 =	sadd.s32 s7, s20  }
0x26a: {  	v16 =	vsel vm14, s19, v24;
	v19 =	vsel vm1, s21, v25;
	s19 =	sshrl.u32 s2, $0x1F;
	s20 =	sshrl.u32 s22, $0x1F;
	s21 =	sshrl.u32 s1, $0x1F  }
0x26b: {  	v14 =	vsel vm1, s13, v20;
	v15 =	vsel vm1, s10, v21;
	v20 =	vsel vm1, s11, v26;
	s2 =	sshra.s32 s2, $0x6;
	s1 =	sshra.s32 s1, $0x6;
	s11 =	sshra.s32 s0, $0x1F  }
0x26c: {  	v21 =	vsel vm1, s9, v22;
	s0 =	sshrl.u32 s0, $0x1F;
	v22 =	vsel vm14, s26, v23;
	v10 =	vsel vm6, s18, v10;
	s22 =	sshra.s32 s5, $0x6;
	s15 =	smulhi.u32 $0x6BCA1AF3, s16  }
0x26d: {  	v11 =	vsel vm2, s19, v11;
	v13 =	vsel vm5, s20, v13;
	v12 =	vsel vm2, s21, v12;
	s16 =	sshrl.u32 s25, $0x1F;
	s12 =	smulhi.u32 $0x6BCA1AF3, s14;
	s25 =	rddreg [dreg:$0x1b]  }
0x26e: {  	v14 =	vsel vm2, s2, v14;
	v15 =	vsel vm2, s1, v15;
	s14 =	sshrl.u32 s17, $0x1F;
	s17 =	sshra.s32 s17, $0x6;
	v17 =	vsel vm4, s16, v17;
	s16 =	sshrl.u32 s23, $0x1F  }
0x26f: {  	v16 =	vsel vm6, s22, v16;
	v10 =	vsel vm15, s11, v10;
	v5 =	vsel vm2, s14, v5;
	s23 =	sshrl.u32 s24, $0x1F;
	s7 =	sadd.s32 s8, s15;
	s6 =	sadd.s32 s6, s12  }
0x270: {  	v8 =	vsel vm2, s17, v8;
	s15 =	sshrl.u32 s4, $0x1F;
	s4 =	sshra.s32 s4, $0x6;
	v7 =	vsel vm5, s16, v7;
	v17 =	vsel vm5, s23, v17;
	s12 =	sshra.s32 s5, $0x1F  }
0x271: {  	s10 =	smulhi.u32 $0x6BCA1AF3, s25;
	s5 =	sshrl.u32 s5, $0x1F;
	v6 =	vsel vm2, s15, v6;
	v9 =	vsel vm2, s4, v9;
	s25 =	sshrl.u32 s7, $0x1F;
	v16 =	vsel vm15, s12, v16  }
0x272: {  	s26 =	sshrl.u32 s6, $0x1F;
	s7 =	sshra.s32 s7, $0x6;
	v7 =	vsel vm6, s0, v7;
	v13 =	vsel vm6, s5, v13;
	v18 =	vsel vm2, s25, v18  }
0x273: {  	s18 =	rddreg [dreg:$0x9];
	s3 =	sadd.s32 s3, s10;
	s10 =	sshra.s32 s6, $0x6;
	v19 =	vsel vm2, s26, v19;
	v20 =	vsel vm2, s7, v20;
	v5 =	vcombine.low v6, v5  }
0x274: {  	s19 =	sshrl.u32 s18, $0x1F;
	s20 =	sshra.s32 s18, $0x6;
	v21 =	vsel vm2, s10, v21;
	v8 =	vcombine.low v9, v8;
	v9 =	vcombine.low v12, v11  }
0x275: {  	s15 =	rddreg [dreg:$0xb];
	s24 =	sshra.s32 s3, $0x6;
	s13 =	sshrl.u32 s3, $0x1F;
	v12 =	vcombine.low v15, v14;
	v13 =	vsel vm7, s19, v13;
	v16 =	vsel vm7, s20, v16  }
0x276: {  	s17 =	sshra.s32 s15, $0x6;
	v22 =	vsel vm6, s24, v22;
	v6 =	vsel vm6, s13, v17;
	v14 =	vcombine.low v19, v18  }
0x277: {  	s16 =	sshrl.u32 s15, $0x1F;
	v15 =	vcombine.low v21, v20;
	v10 =	vsel vm7, s17, v10;
	v16 =	vperm.xlane v16, v1  }
0x278: {  	s21 =	rddreg [dreg:$0x1c];
	s14 =	sshra.s32 s3, $0x1F;
	v7 =	vsel vm7, s16, v7;
	v13 =	vperm.xlane v13, v1;
	v10 =	vperm.xlane v10, v1  }
0x279: {  	s22 =	sshrl.u32 s21, $0x1F;
	v11 =	vsel vm15, s14, v22;
	v7 =	vperm.xlane v7, v1;
	v8 =	vperm.xlane v8, v0  }
0x27a: {  	s23 =	sshra.s32 s21, $0x6;
	v6 =	vsel vm7, s22, v6;
	v5 =	vperm.xlane v5, v0;
	v9 =	vperm.xlane v9, v0  }
0x27b: {  	v12 =	vperm.xlane v12, v0;
	v11 =	vsel vm7, s23, v11;
	v6 =	vperm.xlane v6, v1  }
0x27c: {  	v11 =	vperm.xlane v11, v1;
	v8 =	vsel vm8, v10, v8;
	v10 =	vperm.xlane v14, v0  }
0x27d: {  	v14 =	vperm.xlane v15, v0;
	v5 =	vsel vm8, v7, v5;
	v7 =	vsel vm8, v13, v9  }
0x27e: {  	v9 =	vsel vm8, v16, v12;
	v5 =	vadd.s32 v5, v8;
	v6 =	vsel vm8, v6, v10  }
0x27f: {  	v8 =	vsel vm8, v11, v14;
	v10 =	vmul.u32 $0xFFFFFF68, v5;
	[tilespmem:s29+$0x0] =	vst v5;
	v5 =	vadd.s32 v7, v9  }
0x280: {  	v6 =	vadd.s32 v6, v8;
	v7 =	vmul.u32 $0xFFFFFF68, v5;
	[tilespmem:s29+$0x10] =	vst v5  }
0x281: {  	v5 =	vmul.u32 $0xFFFFFF68, v6;
	v2 =	vadd.s32 v2, v10;
	[tilespmem:s29+$0x20] =	vst v6  }
0x282: {  	[tilespmem:s29+$0x400] =	vst v2;
	v2 =	vadd.s32 v3, v7  }
0x283: {  	v3 =	vadd.s32 v4, v5;
	[tilespmem:s29+$0x410] =	vst v2  }
0x284: {  	[tilespmem:s29+$0x420] =	vst v3  }
0x285: {  	s25 =	sld [smem:$0x7F3];
	_ =	sdelay $0x1  }
0x286: {  	s26 =	simm.s32 $0x80;
	s24 =	simm.s32 $0x0  }
0x287: {  	[tilespmem:s26], [sflag:$0x3] =	stream.linear.gather [hbm4b:s25+s24], $0x80, $0x38;
	[tilespmem:$0x18080] =	vst v63  }
0x288: {  	s3 =	simm.s32 $0x180;
	s2 =	sadd.s32 $0x80, s25  }
0x289: {  	[tilespmem:s3], [sflag:$0x3] =	stream.linear.gather [hbm4b:s2+s24], $0x80, $0x38;
	[tilespmem:$0x18080] =	vst v63  }
0x28a: {  	s6 =	simm.s32 $0x280;
	s5 =	sadd.s32 $0x100, s25  }
0x28b: {  	[tilespmem:s6], [sflag:$0x3] =	stream.linear.gather [hbm4b:s5+s24], $0x80, $0x38;
	[tilespmem:$0x18080] =	vst v63  }
0x28c: {  	s9 =	simm.s32 $0x3;
	s8 =	simm.s32 $0x380;
	s7 =	sadd.s32 $0x180, s25  }
0x28d: {  	[tilespmem:s8], [sflag:$0x3] =	stream.linear.gather [hbm4b:s7+s24], $0x80, $0x38;
	[tilespmem:$0x18080] =	vst v63  }
0x28e: {  	_ =	swait.ge [sflag:s9], $0x200  }
0x28f: {  	s10 =	sld [smem:$0x7F4]  }
0x290: {  	[sflag:s9] =	ssyncset.done $0x0  }
0x291: {  	s11 =	simm.s32 $0x880;
	[sflag:s9] =	ssyncadd.s32 $0xFFFFFE00  }
0x292: {  	[tilespmem:s11], [sflag:$0x3] =	stream.linear.gather [hbm4b:s10+s24], $0x80, $0x38;
	[tilespmem:$0x18080] =	vst v63  }
0x293: {  	s13 =	simm.s32 $0x980;
	s12 =	sadd.s32 $0x80, s10  }
0x294: {  	[tilespmem:s13], [sflag:$0x3] =	stream.linear.gather [hbm4b:s12+s24], $0x80, $0x38;
	[tilespmem:$0x18080] =	vst v63  }
0x295: {  	s15 =	simm.s32 $0xA80;
	s14 =	sadd.s32 $0x100, s10  }
0x296: {  	[tilespmem:s15], [sflag:$0x3] =	stream.linear.gather [hbm4b:s14+s24], $0x80, $0x38;
	[tilespmem:$0x18080] =	vst v63  }
0x297: {  	s17 =	simm.s32 $0xB80;
	s16 =	sadd.s32 $0x180, s10  }
0x298: {  	[tilespmem:s17], [sflag:$0x3] =	stream.linear.gather [hbm4b:s16+s24], $0x80, $0x38;
	[tilespmem:$0x18080] =	vst v63  }
0x299: {  	_ =	swait.ge [sflag:s9], $0x200  }
0x29a: {  	p0 =	por $0x0, $0x0;
	s0 =	simm.s32 $0x1;
	s18 =	sld [smem:$0x7F5]  }
0x29b: {  	s0 =	simm.s32 @!p0 $0x0;
	[sflag:s9] =	ssyncset.done $0x0  }
0x29c: {  	s19 =	simm.s32 $0x3000;
	s0 =	sshll.u32 s0, $0x6;
	[sflag:s9] =	ssyncadd.s32 $0xFFFFFE00  }
0x29d: {  	[tilespmem:s19], [sflag:$0x3] =	stream.linear.gather [hbm4b:s18+s24], $0x2000, $0x38;
	[tilespmem:$0x18080] =	vst v63  }
0x29e: {  	s0 =	sadd.s32 $0x0, s0;
	_ =	swait.ge [sflag:s9], $0x2000  }
0x29f: {  	s20 =	sor.u32 $0xB0, s0;
	[sflag:s9] =	ssyncset.done $0x0  }
0x2a0: {  	[smem:$0x72B] =	sst s20;
	[sflag:s9] =	ssyncadd.s32 $0xFFFFE000  }
0x2a1: {  	v5 =	vld [tilespmem:s20+$0x0];
	_ =	sdelay $0x4  }
0x2a2: {  	(v2sf) =	vpush v5, $0xF  }
0x2a3: {  	(v2sf) =	vpush v5, $0xB;
	_ =	sdelay $0x1  }
0x2a4: {  	(v2sf) =	vpush v5, $0x6;
	_ =	sdelay $0x1  }
0x2a5: {  	(v2sf) =	vpush v5, $0xE;
	_ =	sdelay $0x1  }
0x2a6: {  	(v2sf) =	vpush v5, $0xA  }
0x2a7: {  	(v2sf) =	vpush v5, $0xD  }
0x2a8: {  	(v2sf) =	vpush v5, $0x9  }
0x2a9: {  	(v2sf) =	vpush v5, $0x5  }
0x2aa: {  	(v2sf) =	vpush v5, $0xC;
	_ =	sdelay $0x3  }
0x2ab: {  	s21 =	spop (v2sf)  }
0x2ac: {  	(v2sf) =	vpush v5, $0x8;
	s18 =	smulhi.u32 $0x6BCA1AF3, s21;
	s22 =	spop (v2sf)  }
0x2ad: {  	s1 =	sshra.s32 s21, $0x1F;
	s31 =	smulhi.u32 $0x6BCA1AF3, s22  }
0x2ae: {  	s23 =	spop (v2sf);
	s5 =	smul.u32 $0x6BCA1AF3, s1  }
0x2af: {  	s20 =	sshra.s32 s22, $0x1F;
	s24 =	smulhi.u32 $0x6BCA1AF3, s23  }
0x2b0: {  	s25 =	spop (v2sf);
	s3 =	smul.u32 $0x6BCA1AF3, s20  }
0x2b1: {  	s22 =	sshra.s32 s23, $0x1F;
	s13 =	smulhi.u32 $0x6BCA1AF3, s25  }
0x2b2: {  	(v2sf) =	vpush v5, $0x4;
	s7 =	spop (v2sf);
	s23 =	sshra.s32 s25, $0x1F;
	s25 =	smul.u32 $0x6BCA1AF3, s22  }
0x2b3: {  	s11 =	smulhi.u32 $0x6BCA1AF3, s7;
	s8 =	spop (v2sf)  }
0x2b4: {  	(v2sf) =	vpush v5, $0x3;
	[smem:$0x6DC] =	sst s13;
	s9 =	spop (v2sf)  }
0x2b5: {  	s16 =	sor.u32 $0x80, s0;
	(v2sf) =	vpush v5, $0x2;
	s29 =	smulhi.u32 $0x6BCA1AF3, s8;
	s12 =	spop (v2sf)  }
0x2b6: {  	s17 =	sor.u32 $0x90, s0;
	s19 =	smulhi.u32 $0x6BCA1AF3, s9;
	s13 =	spop (v2sf)  }
0x2b7: {  	[dreg:$0x6] =	wrdreg s16;
	s4 =	sshra.s32 s8, $0x1F;
	s14 =	smulhi.u32 $0x6BCA1AF3, s13  }
0x2b8: {  	[dreg:$0x12] =	wrdreg s17;
	(v2sf) =	vpush v5, $0x1;
	s10 =	smul.u32 $0x6BCA1AF3, s4  }
0x2b9: {  	s6 =	sshra.s32 s9, $0x1F;
	s26 =	smulhi.u32 $0x6BCA1AF3, s12;
	[smem:$0x6DD] =	sst s14  }
0x2ba: {  	s21 =	sor.u32 $0xA0, s0;
	s0 =	smul.u32 $0x6BCA1AF3, s6;
	v4 =	vld [tilespmem:s16+$0x0]  }
0x2bb: {  	s15 =	spop (v2sf);
	[dreg:$0x11] =	wrdreg s21  }
0x2bc: {  	s2 =	sshra.s32 s7, $0x1F;
	(v2sf) =	vpush v5, $0x0;
	s30 =	smulhi.u32 $0x6BCA1AF3, s15;
	v2 =	vld [tilespmem:s17+$0x0]  }
0x2bd: {  	s9 =	sshra.s32 s15, $0x1F;
	s16 =	smul.u32 $0x6BCA1AF3, s2  }
0x2be: {  	(v2sf) =	vpush v5, $0x7;
	s2 =	smul.u32 $0x6BCA1AF3, s9;
	v3 =	vld [tilespmem:s21+$0x0]  }
0x2bf: {  	s7 =	sshra.s32 s12, $0x1F;
	s17 =	smul.u32 $0x6BCA1AF3, s23;
	(v2sf) =	vpush v4, $0x7  }
0x2c0: {  	s8 =	sshra.s32 s13, $0x1F;
	[smem:$0x6DE] =	sst s0;
	s0 =	smul.u32 $0x6BCA1AF3, s7  }
0x2c1: {  	s3 =	sadd.s32 s3, s31;
	s7 =	smul.u32 $0x6BCA1AF3, s8;
	s12 =	spop (v2sf);
	(v2sf) =	vpush v2, $0x7  }
0x2c2: {  	[smem:$0x716] =	sst s3;
	s20 =	smulhi.u32 $0x6BCA1AF3, s12;
	s13 =	sshra.s32 s12, $0x1F  }
0x2c3: {  	s14 =	spop (v2sf);
	s15 =	smul.u32 $0x6BCA1AF3, s13;
	(v2sf) =	vpush v3, $0x7  }
0x2c4: {  	s2 =	sadd.s32 s2, s30;
	s21 =	smulhi.u32 $0x6BCA1AF3, s14;
	s22 =	spop (v2sf);
	(v2sf) =	vpush v4, $0x0  }
0x2c5: {  	[smem:$0x6DF] =	sst s0;
	s0 =	sshra.s32 s14, $0x1F;
	s23 =	smulhi.u32 $0x6BCA1AF3, s22  }
0x2c6: {  	[smem:$0x70F] =	sst s2;
	s0 =	smul.u32 $0x6BCA1AF3, s0  }
0x2c7: {  	s1 =	sshra.s32 s22, $0x1F;
	s8 =	spop (v2sf);
	[smem:$0x6E6] =	sst s21  }
0x2c8: {  	s6 =	smul.u32 $0x6BCA1AF3, s1;
	(v2sf) =	vpush v2, $0x0;
	[smem:$0x6E2] =	sst s23  }
0x2c9: {  	s9 =	smulhi.u32 $0x6BCA1AF3, s8;
	[smem:$0x6E7] =	sst s0;
	s0 =	sshra.s32 s8, $0x1F  }
0x2ca: {  	(v2sf) =	vpush v3, $0x0;
	[smem:$0x6E3] =	sst s6;
	s0 =	smul.u32 $0x6BCA1AF3, s0  }
0x2cb: {  	[smem:$0x6E4] =	sst s9;
	s12 =	spop (v2sf)  }
0x2cc: {  	[smem:$0x6E5] =	sst s0;
	s13 =	smulhi.u32 $0x6BCA1AF3, s12;
	s1 =	sshra.s32 s12, $0x1F  }
0x2cd: {  	(v2sf) =	vpush v4, $0x1;
	s21 =	spop (v2sf);
	s14 =	smul.u32 $0x6BCA1AF3, s1  }
0x2ce: {  	(v2sf) =	vpush v2, $0x1;
	s1 =	smulhi.u32 $0x6BCA1AF3, s21;
	s22 =	spop (v2sf)  }
0x2cf: {  	[smem:$0x6E0] =	sst s13;
	s12 =	sshra.s32 s22, $0x1F;
	s4 =	smulhi.u32 $0x6BCA1AF3, s22  }
0x2d0: {  	(v2sf) =	vpush v3, $0x1;
	s23 =	spop (v2sf);
	s8 =	smul.u32 $0x6BCA1AF3, s12  }
0x2d1: {  	(v2sf) =	vpush v4, $0x2;
	[smem:$0x6E1] =	sst s14;
	s14 =	sshra.s32 s23, $0x1F;
	s22 =	smulhi.u32 $0x6BCA1AF3, s23  }
0x2d2: {  	s13 =	spop (v2sf);
	s9 =	smul.u32 $0x6BCA1AF3, s14  }
0x2d3: {  	s0 =	sshra.s32 s21, $0x1F;
	[smem:$0x6E9] =	sst s4;
	s23 =	spop (v2sf)  }
0x2d4: {  	s21 =	sshra.s32 s13, $0x1F;
	[smem:$0x6E8] =	sst s8;
	s8 =	smulhi.u32 $0x6BCA1AF3, s13  }
0x2d5: {  	s12 =	sshra.s32 s23, $0x1F;
	[smem:$0x6EA] =	sst s9;
	s9 =	smul.u32 $0x6BCA1AF3, s21  }
0x2d6: {  	(v2sf) =	vpush v2, $0x2;
	[smem:$0x6ED] =	sst s8;
	s8 =	smul.u32 $0x6BCA1AF3, s12  }
0x2d7: {  	[smem:$0x6EC] =	sst s9;
	s9 =	spop (v2sf)  }
0x2d8: {  	s0 =	smul.u32 $0x6BCA1AF3, s0;
	(v2sf) =	vpush v3, $0x2;
	[smem:$0x6EE] =	sst s8;
	s14 =	sshra.s32 s9, $0x1F  }
0x2d9: {  	s13 =	spop (v2sf);
	s8 =	smul.u32 $0x6BCA1AF3, s14  }
0x2da: {  	[smem:$0x6EB] =	sst s22;
	s21 =	sshra.s32 s13, $0x1F;
	s22 =	smulhi.u32 $0x6BCA1AF3, s13  }
0x2db: {  	[smem:$0x6EF] =	sst s8;
	s8 =	smul.u32 $0x6BCA1AF3, s21  }
0x2dc: {  	s6 =	spop (v2sf);
	s21 =	smulhi.u32 $0x6BCA1AF3, s23  }
0x2dd: {  	(v2sf) =	vpush v4, $0x3;
	s12 =	spop (v2sf);
	s23 =	smulhi.u32 $0x6BCA1AF3, s9  }
0x2de: {  	[smem:$0x6F1] =	sst s22;
	s9 =	sshra.s32 s12, $0x1F;
	s14 =	smulhi.u32 $0x6BCA1AF3, s12  }
0x2df: {  	(v2sf) =	vpush v2, $0x3;
	s13 =	spop (v2sf);
	s22 =	smul.u32 $0x6BCA1AF3, s9  }
0x2e0: {  	s0 =	sadd.s32 s0, s1;
	(v2sf) =	vpush v3, $0x3;
	s12 =	spop (v2sf);
	[smem:$0x6F0] =	sst s8  }
0x2e1: {  	s8 =	sshra.s32 s6, $0x1F;
	s4 =	sshra.s32 s12, $0x1F;
	s12 =	smulhi.u32 $0x6BCA1AF3, s12  }
0x2e2: {  	[smem:$0x712] =	sst s0;
	s28 =	smul.u32 $0x6BCA1AF3, s8  }
0x2e3: {  	[smem:$0x6F2] =	sst s22;
	s8 =	sshra.s32 s13, $0x1F;
	s22 =	smulhi.u32 $0x6BCA1AF3, s13  }
0x2e4: {  	[smem:$0x6F3] =	sst s14;
	s9 =	smul.u32 $0x6BCA1AF3, s8  }
0x2e5: {  	s8 =	smulhi.u32 $0x6BCA1AF3, s6;
	s13 =	spop (v2sf)  }
0x2e6: {  	s6 =	smul.u32 $0x6BCA1AF3, s4;
	[smem:$0x6F7] =	sst s12  }
0x2e7: {  	[smem:$0x6F5] =	sst s22;
	s14 =	spop (v2sf)  }
0x2e8: {  	[smem:$0x6F4] =	sst s9;
	s9 =	sshra.s32 s13, $0x1F;
	s13 =	smulhi.u32 $0x6BCA1AF3, s13  }
0x2e9: {  	[smem:$0x6F6] =	sst s6;
	s6 =	sshra.s32 s14, $0x1F;
	s22 =	smul.u32 $0x6BCA1AF3, s9  }
0x2ea: {  	s9 =	smul.u32 $0x6BCA1AF3, s6;
	[smem:$0x6F9] =	sst s13  }
0x2eb: {  	[smem:$0x6F8] =	sst s22;
	s22 =	smulhi.u32 $0x6BCA1AF3, s14  }
0x2ec: {  	[smem:$0x6FA] =	sst s9;
	s12 =	spop (v2sf)  }
0x2ed: {  	(v2sf) =	vpush v4, $0x4;
	[smem:$0x6FB] =	sst s22;
	s4 =	sshra.s32 s12, $0x1F  }
0x2ee: {  	s13 =	spop (v2sf);
	s6 =	smul.u32 $0x6BCA1AF3, s4  }
0x2ef: {  	s14 =	spop (v2sf);
	s9 =	sshra.s32 s13, $0x1F;
	s4 =	sld [smem:$0x6DC]  }
0x2f0: {  	(v2sf) =	vpush v2, $0x4;
	s22 =	smul.u32 $0x6BCA1AF3, s9;
	s9 =	sadd.s32 s5, s18;
	[smem:$0x6FC] =	sst s6  }
0x2f1: {  	s5 =	smulhi.u32 $0x6BCA1AF3, s12;
	[smem:$0x715] =	sst s9  }
0x2f2: {  	(v2sf) =	vpush v3, $0x4;
	s6 =	sshra.s32 s14, $0x1F;
	[smem:$0x6FE] =	sst s22  }
0x2f3: {  	s18 =	smul.u32 $0x6BCA1AF3, s6;
	[smem:$0x6FD] =	sst s5  }
0x2f4: {  	s22 =	sadd.s32 s10, s29;
	s6 =	sadd.s32 s16, s11;
	s16 =	sld [smem:$0x6DD]  }
0x2f5: {  	s3 =	sadd.s32 s17, s4;
	[smem:$0x710] =	sst s22  }
0x2f6: {  	s9 =	smulhi.u32 $0x6BCA1AF3, s13;
	[smem:$0x713] =	sst s3  }
0x2f7: {  	[smem:$0x714] =	sst s6  }
0x2f8: {  	(v2sf) =	vpush v4, $0xC;
	[smem:$0x6FF] =	sst s9  }
0x2f9: {  	(v2sf) =	vpush v4, $0x8;
	s22 =	sld [smem:$0x6DE]  }
0x2fa: {  	s10 =	smulhi.u32 $0x6BCA1AF3, s14;
	s6 =	sld [smem:$0x6DF]  }
0x2fb: {  	[smem:$0x700] =	sst s18  }
0x2fc: {  	(v2sf) =	vpush v2, $0xC;
	s3 =	spop (v2sf);
	s9 =	sadd.s32 s15, s20;
	[smem:$0x701] =	sst s10  }
0x2fd: {  	s11 =	sshra.s32 s3, $0x1F;
	[smem:$0x717] =	sst s9  }
0x2fe: {  	s9 =	sld [smem:$0x6E8];
	s12 =	smul.u32 $0x6BCA1AF3, s11;
	s4 =	sadd.s32 s7, s16  }
0x2ff: {  	s5 =	spop (v2sf);
	[smem:$0x70E] =	sst s4  }
0x300: {  	(v2sf) =	vpush v2, $0x8;
	s11 =	smulhi.u32 $0x6BCA1AF3, s3;
	s4 =	sadd.s32 s22, s19;
	[smem:$0x702] =	sst s12  }
0x301: {  	s13 =	spop (v2sf);
	s14 =	sshra.s32 s5, $0x1F;
	[smem:$0x711] =	sst s4  }
0x302: {  	s17 =	smul.u32 $0x6BCA1AF3, s14;
	[smem:$0x703] =	sst s11  }
0x303: {  	s18 =	sshra.s32 s13, $0x1F;
	s11 =	sld [smem:$0x6E0]  }
0x304: {  	(v2sf) =	vpush v3, $0xC;
	s13 =	smulhi.u32 $0x6BCA1AF3, s13;
	s4 =	sadd.s32 s6, s26;
	[smem:$0x704] =	sst s17  }
0x305: {  	(v2sf) =	vpush v3, $0x8;
	s7 =	smul.u32 $0x6BCA1AF3, s18;
	[smem:$0x718] =	sst s4  }
0x306: {  	s12 =	smulhi.u32 $0x6BCA1AF3, s5;
	[smem:$0x707] =	sst s13  }
0x307: {  	s5 =	spop (v2sf);
	[smem:$0x706] =	sst s7  }
0x308: {  	s6 =	spop (v2sf);
	s14 =	sshra.s32 s5, $0x1F;
	[smem:$0x705] =	sst s12  }
0x309: {  	s15 =	smul.u32 $0x6BCA1AF3, s14;
	s16 =	sshra.s32 s6, $0x1F;
	s12 =	sld [smem:$0x6E1]  }
0x30a: {  	s7 =	sadd.s32 s25, s24;
	s17 =	smul.u32 $0x6BCA1AF3, s16;
	s16 =	sld [smem:$0x6E2]  }
0x30b: {  	s4 =	spop (v2sf);
	[smem:$0x719] =	sst s7  }
0x30c: {  	s18 =	sshra.s32 s4, $0x1F;
	[smem:$0x708] =	sst s15  }
0x30d: {  	s19 =	smul.u32 $0x6BCA1AF3, s18;
	s18 =	sld [smem:$0x6E4]  }
0x30e: {  	[smem:$0x709] =	sst s17  }
0x30f: {  	s3 =	spop (v2sf);
	s17 =	sld [smem:$0x6E3]  }
0x310: {  	s20 =	sshra.s32 s3, $0x1F;
	s10 =	sadd.s32 s12, s11;
	s11 =	sld [smem:$0x6E9]  }
0x311: {  	s22 =	smul.u32 $0x6BCA1AF3, s20;
	[smem:$0x70A] =	sst s19  }
0x312: {  	s19 =	sld [smem:$0x6E5]  }
0x313: {  	s1 =	spop (v2sf);
	[smem:$0x70B] =	sst s22  }
0x314: {  	s0 =	spop (v2sf);
	s26 =	sshra.s32 s1, $0x1F;
	s22 =	sld [smem:$0x6E6]  }
0x315: {  	s13 =	smul.u32 $0x6BCA1AF3, s26;
	s14 =	sshra.s32 s0, $0x1F;
	s26 =	sld [smem:$0x6E7]  }
0x316: {  	s20 =	smul.u32 $0x6BCA1AF3, s14;
	s14 =	sld [smem:$0x6EB]  }
0x317: {  	s15 =	sadd.s32 s17, s16;
	s16 =	sld [smem:$0x6EC]  }
0x318: {  	(v2sf) =	vpush v4, $0xD;
	s17 =	sld [smem:$0x6ED]  }
0x319: {  	(v2sf) =	vpush v4, $0x9;
	s2 =	sadd.s32 s9, s11;
	s11 =	sld [smem:$0x6F3]  }
0x31a: {  	(v2sf) =	vpush v4, $0x5;
	[smem:$0x70C] =	sst s13  }
0x31b: {  	(v2sf) =	vpush v2, $0xD;
	[dreg:$0xa] =	wrdreg s2  }
0x31c: {  	(v2sf) =	vpush v2, $0x9;
	s13 =	sld [smem:$0x6EA]  }
0x31d: {  	(v2sf) =	vpush v2, $0x5;
	s12 =	sadd.s32 s19, s18;
	s18 =	sld [smem:$0x6EE]  }
0x31e: {  	(v2sf) =	vpush v3, $0xD;
	[smem:$0x70D] =	sst s20  }
0x31f: {  	(v2sf) =	vpush v3, $0x9;
	s20 =	sld [smem:$0x6EF]  }
0x320: {  	s19 =	sadd.s32 s26, s22;
	s22 =	sld [smem:$0x6F1];
	s2 =	sadd.s32 s13, s14  }
0x321: {  	[dreg:$0x8] =	wrdreg s2;
	s2 =	sadd.s32 s16, s17  }
0x322: {  	s30 =	smulhi.u32 $0x6BCA1AF3, s5;
	[dreg:$0x7] =	wrdreg s2  }
0x323: {  	s25 =	smulhi.u32 $0x6BCA1AF3, s4;
	s2 =	sadd.s32 s18, s21;
	s21 =	sld [smem:$0x6F0]  }
0x324: {  	s24 =	smulhi.u32 $0x6BCA1AF3, s3;
	[smem:$0x71A] =	sst s2;
	s2 =	sadd.s32 s20, s23  }
0x325: {  	s26 =	smulhi.u32 $0x6BCA1AF3, s6;
	s23 =	sadd.s32 s28, s8;
	[smem:$0x71B] =	sst s2  }
0x326: {  	[smem:$0x71D] =	sst s23;
	s23 =	smulhi.u32 $0x6BCA1AF3, s1  }
0x327: {  	s1 =	spop (v2sf);
	s2 =	sadd.s32 s21, s22;
	s22 =	smulhi.u32 $0x6BCA1AF3, s0  }
0x328: {  	s9 =	spop (v2sf);
	s0 =	sld [smem:$0x6F2]  }
0x329: {  	s3 =	sshra.s32 s1, $0x1F;
	[smem:$0x71C] =	sst s2;
	s2 =	spop (v2sf)  }
0x32a: {  	s21 =	smul.u32 $0x6BCA1AF3, s3;
	s4 =	sshra.s32 s9, $0x1F;
	s3 =	spop (v2sf)  }
0x32b: {  	s20 =	smul.u32 $0x6BCA1AF3, s4;
	s5 =	sshra.s32 s2, $0x1F;
	s4 =	spop (v2sf)  }
0x32c: {  	s18 =	smul.u32 $0x6BCA1AF3, s5;
	s6 =	sshra.s32 s3, $0x1F;
	s5 =	spop (v2sf)  }
0x32d: {  	s17 =	smul.u32 $0x6BCA1AF3, s6;
	s7 =	sshra.s32 s4, $0x1F;
	s6 =	spop (v2sf)  }
0x32e: {  	s16 =	smul.u32 $0x6BCA1AF3, s7;
	s7 =	spop (v2sf)  }
0x32f: {  	s31 =	sld [smem:$0x6F5];
	s28 =	sshra.s32 s7, $0x1F  }
0x330: {  	s29 =	sadd.s32 s0, s11;
	s11 =	smul.u32 $0x6BCA1AF3, s28;
	s28 =	sld [smem:$0x6F4]  }
0x331: {  	_ =	sdelay $0x1  }
0x332: {  	s28 =	sadd.s32 s28, s31;
	s31 =	sld [smem:$0x6F6]  }
0x333: {  	[smem:$0x71E] =	sst s28  }
0x334: {  	s28 =	sld [smem:$0x6F7];
	_ =	sdelay $0x2  }
0x335: {  	s31 =	sadd.s32 s31, s28;
	s28 =	sld [smem:$0x6F9]  }
0x336: {  	[smem:$0x71F] =	sst s31  }
0x337: {  	s31 =	sld [smem:$0x6F8];
	_ =	sdelay $0x2  }
0x338: {  	s31 =	sadd.s32 s31, s28;
	s28 =	sld [smem:$0x6FB]  }
0x339: {  	[smem:$0x720] =	sst s31  }
0x33a: {  	s31 =	sld [smem:$0x6FA];
	_ =	sdelay $0x2  }
0x33b: {  	s31 =	sadd.s32 s31, s28;
	s28 =	sld [smem:$0x6FC]  }
0x33c: {  	[smem:$0x721] =	sst s31  }
0x33d: {  	s31 =	sld [smem:$0x6FD];
	_ =	sdelay $0x2  }
0x33e: {  	s31 =	sadd.s32 s28, s31;
	s28 =	sld [smem:$0x6FE]  }
0x33f: {  	[smem:$0x722] =	sst s31  }
0x340: {  	s31 =	sld [smem:$0x6FF];
	_ =	sdelay $0x2  }
0x341: {  	s31 =	sadd.s32 s28, s31;
	s28 =	sld [smem:$0x700]  }
0x342: {  	[smem:$0x723] =	sst s31  }
0x343: {  	s31 =	sld [smem:$0x701];
	_ =	sdelay $0x2  }
0x344: {  	s31 =	sadd.s32 s28, s31;
	s28 =	sld [smem:$0x702]  }
0x345: {  	[smem:$0x724] =	sst s31  }
0x346: {  	s31 =	sld [smem:$0x703];
	_ =	sdelay $0x2  }
0x347: {  	s31 =	sadd.s32 s28, s31;
	s28 =	sld [smem:$0x704]  }
0x348: {  	(v2sf) =	vpush v3, $0x5;
	[dreg:$0x17] =	wrdreg s31  }
0x349: {  	s31 =	sld [smem:$0x705];
	_ =	sdelay $0x2  }
0x34a: {  	s31 =	sadd.s32 s28, s31;
	s28 =	sld [smem:$0x706]  }
0x34b: {  	[dreg:$0x15] =	wrdreg s31  }
0x34c: {  	s31 =	sld [smem:$0x707];
	_ =	sdelay $0x2  }
0x34d: {  	s31 =	sadd.s32 s28, s31;
	s28 =	sld [smem:$0x708];
	_ =	sdelay $0x1  }
0x34e: {  	s1 =	smulhi.u32 $0x6BCA1AF3, s1  }
0x34f: {  	s30 =	sadd.s32 s28, s30;
	s28 =	sld [smem:$0x709]  }
0x350: {  	s2 =	smulhi.u32 $0x6BCA1AF3, s2;
	s1 =	sadd.s32 s21, s1;
	s8 =	sshra.s32 s5, $0x1F  }
0x351: {  	[smem:$0x728] =	sst s1;
	s14 =	smul.u32 $0x6BCA1AF3, s8  }
0x352: {  	s8 =	spop (v2sf);
	s26 =	sadd.s32 s28, s26;
	s28 =	sld [smem:$0x70A]  }
0x353: {  	s2 =	sadd.s32 s18, s2;
	s0 =	sshra.s32 s8, $0x1F;
	s21 =	smulhi.u32 $0x6BCA1AF3, s8  }
0x354: {  	[smem:$0x730] =	sst s2;
	s0 =	smul.u32 $0x6BCA1AF3, s0  }
0x355: {  	s25 =	sadd.s32 s28, s25;
	s28 =	sld [smem:$0x70B]  }
0x356: {  	s0 =	sadd.s32 s0, s21;
	s21 =	sld [smem:$0x70F]  }
0x357: {  	[dreg:$0x13] =	wrdreg s31  }
0x358: {  	s31 =	sadd.s32 s28, s24;
	s24 =	sld [smem:$0x70C]  }
0x359: {  	[smem:$0x73C] =	sst s0  }
0x35a: {  	s0 =	sld [smem:$0x70E]  }
0x35b: {  	s5 =	smulhi.u32 $0x6BCA1AF3, s5;
	s23 =	sadd.s32 s24, s23;
	s24 =	sld [smem:$0x70D]  }
0x35c: {  	[smem:$0x725] =	sst s23  }
0x35d: {  	s9 =	smulhi.u32 $0x6BCA1AF3, s9;
	s23 =	sadd.s32 s14, s5;
	s14 =	sld [smem:$0x71E]  }
0x35e: {  	s3 =	smulhi.u32 $0x6BCA1AF3, s3;
	[smem:$0x734] =	sst s23;
	s22 =	sadd.s32 s24, s22  }
0x35f: {  	s24 =	sadd.s32 s20, s9;
	s9 =	smulhi.u32 $0x6BCA1AF3, s7;
	s7 =	sld [smem:$0x710]  }
0x360: {  	s4 =	smulhi.u32 $0x6BCA1AF3, s4;
	s13 =	sshra.s32 s6, $0x1F;
	[smem:$0x727] =	sst s22  }
0x361: {  	s6 =	smulhi.u32 $0x6BCA1AF3, s6;
	s20 =	sadd.s32 s17, s3;
	[smem:$0x729] =	sst s24  }
0x362: {  	s18 =	sshra.s32 s12, $0x1F;
	s13 =	smul.u32 $0x6BCA1AF3, s13;
	[smem:$0x72C] =	sst s20  }
0x363: {  	s2 =	sshrl.u32 s0, $0x1F;
	s5 =	sshra.s32 s10, $0x6;
	s20 =	sld [smem:$0x711]  }
0x364: {  	s3 =	sshra.s32 s10, $0x1F;
	s22 =	sadd.s32 s16, s4;
	s16 =	sld [smem:$0x712]  }
0x365: {  	s17 =	sshra.s32 s12, $0x6;
	s24 =	sadd.s32 s13, s6;
	[smem:$0x72E] =	sst s22  }
0x366: {  	s4 =	sshrl.u32 s10, $0x1F;
	s6 =	sshra.s32 s21, $0x6;
	[smem:$0x72F] =	sst s24  }
0x367: {  	s1 =	sadd.s32 s11, s9;
	s22 =	sshrl.u32 s21, $0x1F;
	s24 =	sld [smem:$0x713]  }
0x368: {  	[smem:$0x731] =	sst s1;
	s1 =	sshra.s32 s0, $0x6;
	s9 =	sshrl.u32 s7, $0x1F  }
0x369: {  	s8 =	sshra.s32 s7, $0x6;
	v8 =	vmov s22;
	s22 =	sld [smem:$0x714];
	s23 =	sshra.s32 s16, $0x1F  }
0x36a: {  	s21 =	sshrl.u32 s20, $0x1F;
	s10 =	sshra.s32 s20, $0x6;
	v9 =	vmov s1;
	s1 =	sshrl.u32 s12, $0x1F;
	v6 =	vmov s23  }
0x36b: {  	v10 =	vmov s4;
	s12 =	sshrl.u32 s15, $0x1F;
	s20 =	sld [smem:$0x715];
	s13 =	sshrl.u32 s24, $0x1F;
	v6 =	vsel vm3, s5, v6  }
0x36c: {  	v11 =	vmov s6;
	v10 =	vnsel vm3, $0x0, v10;
	s0 =	sshra.s32 s24, $0x6;
	s23 =	sshra.s32 s15, $0x6;
	s24 =	sshra.s32 s15, $0x1F;
	v6 =	vsel vm9, s3, v6  }
0x36d: {  	v8 =	vsel vm0, s21, v8;
	s21 =	sshra.s32 s19, $0x6;
	v11 =	vsel vm0, s10, v11;
	s10 =	sshrl.u32 s19, $0x1F;
	v6 =	vsel vm0, s17, v6;
	s17 =	sld [smem:$0x716]  }
0x36e: {  	v7 =	vmov s2;
	v10 =	vsel vm0, s1, v10;
	s1 =	sshra.s32 s14, $0x6;
	s2 =	sshrl.u32 s22, $0x1F;
	v6 =	vsel vm10, s18, v6;
	s18 =	sld [smem:$0x717]  }
0x36f: {  	s5 =	sshra.s32 s22, $0x6;
	s22 =	sshra.s32 s19, $0x1F;
	v6 =	vsel vm1, s23, v6;
	s23 =	sld [smem:$0x718]  }
0x370: {  	v7 =	vsel vm0, s9, v7;
	s6 =	sshrl.u32 s20, $0x1F;
	s7 =	sshra.s32 s20, $0x6;
	v6 =	vsel vm11, s24, v6;
	s24 =	sld [smem:$0x719]  }
0x371: {  	v9 =	vsel vm0, s8, v9;
	v7 =	vsel vm1, s13, v7;
	s11 =	sshrl.u32 s17, $0x1F;
	s3 =	sshra.s32 s17, $0x6;
	s19 =	sshra.s32 s18, $0x6;
	v6 =	vsel vm2, s21, v6  }
0x372: {  	v9 =	vsel vm1, s0, v9;
	v10 =	vsel vm1, s12, v10;
	s20 =	sshra.s32 s18, $0x1F;
	s0 =	sshrl.u32 s18, $0x1F;
	s21 =	sshrl.u32 s16, $0x1F;
	v12 =	vsel vm12, s22, v6  }
0x373: {  	v8 =	vsel vm1, s2, v8;
	s16 =	sshra.s32 s16, $0x6;
	v6 =	vsel vm2, s6, v7;
	s15 =	sshra.s32 s24, $0x6;
	v7 =	vsel vm4, s19, v12;
	s19 =	sld [smem:$0x71A]  }
0x374: {  	v11 =	vsel vm1, s5, v11;
	v10 =	vsel vm2, s10, v10;
	s17 =	sshrl.u32 s24, $0x1F;
	s5 =	sshra.s32 s24, $0x1F;
	s24 =	sld [smem:$0x71C];
	v12 =	vsel vm13, s20, v7  }
0x375: {  	s2 =	sshra.s32 s23, $0x6;
	s9 =	sshrl.u32 s23, $0x1F;
	s20 =	sld [smem:$0x71B];
	v7 =	vsel vm2, s11, v8;
	v8 =	vsel vm2, s7, v9;
	v9 =	vsel vm4, s0, v10  }
0x376: {  	s4 =	sshra.s32 s23, $0x1F;
	s11 =	sld [smem:$0x71D];
	v9 =	vsel vm5, s9, v9;
	s9 =	sshra.s32 s29, $0x6  }
0x377: {  	(v2sf) =	vpush v4, $0xE;
	s13 =	sshra.s32 s19, $0x6;
	s22 =	sshra.s32 s19, $0x1F;
	s6 =	sshrl.u32 s19, $0x1F  }
0x378: {  	(v2sf) =	vpush v4, $0xA;
	v12 =	vsel vm5, s2, v12;
	s2 =	sshra.s32 s24, $0x6;
	s10 =	sshra.s32 s24, $0x1F;
	v9 =	vsel vm6, s17, v9;
	s17 =	rddreg [dreg:$0x7]  }
0x379: {  	v10 =	vsel vm14, s4, v12;
	s12 =	sshra.s32 s20, $0x6;
	s23 =	sshra.s32 s20, $0x1F;
	s18 =	sshrl.u32 s20, $0x1F  }
0x37a: {  	s0 =	sshra.s32 s11, $0x6;
	s7 =	sshra.s32 s11, $0x1F;
	v10 =	vsel vm6, s15, v10;
	v9 =	vsel vm7, s21, v9;
	s21 =	sld [smem:$0x71F]  }
0x37b: {  	(v2sf) =	vpush v2, $0xE;
	s8 =	sshrl.u32 s11, $0x1F;
	s20 =	sshrl.u32 s29, $0x1F;
	s15 =	rddreg [dreg:$0xa];
	v10 =	vsel vm15, s5, v10  }
0x37c: {  	(v2sf) =	vpush v2, $0xA;
	s11 =	sshra.s32 s26, $0x6;
	s5 =	sshra.s32 s17, $0x1F;
	v16 =	vmov s18;
	v10 =	vsel vm7, s16, v10;
	s16 =	rddreg [dreg:$0x8]  }
0x37d: {  	v11 =	vsel vm2, s3, v11;
	s3 =	sshra.s32 s15, $0x1F;
	v14 =	vmov s5;
	v16 =	vnsel vm3, $0x0, v16;
	s4 =	sshra.s32 s16, $0x1F;
	s5 =	sshra.s32 s21, $0x6  }
0x37e: {  	(v2sf) =	vpush v3, $0xE;
	v15 =	vmov s6;
	s28 =	sshra.s32 s21, $0x1F;
	s17 =	sshrl.u32 s21, $0x1F;
	v16 =	vsel vm0, s20, v16;
	s20 =	sld [smem:$0x727]  }
0x37f: {  	v15 =	vnsel vm3, $0x0, v15;
	v12 =	vmov s3;
	s21 =	sshra.s32 s31, $0x6;
	v13 =	vmov s4;
	s4 =	sshrl.u32 s26, $0x1F;
	s26 =	sld [smem:$0x720]  }
0x380: {  	s19 =	sshrl.u32 s24, $0x1F;
	s24 =	sshra.s32 s29, $0x1F;
	v15 =	vsel vm0, s8, v15;
	v12 =	vsel vm3, s13, v12;
	v14 =	vsel vm3, s2, v14;
	[smem:$0x72A] =	sst s21  }
0x381: {  	s29 =	sshra.s32 s14, $0x1F;
	s14 =	sshrl.u32 s14, $0x1F;
	v12 =	vsel vm9, s22, v12;
	v15 =	vsel vm1, s17, v15;
	s17 =	rddreg [dreg:$0x12];
	v13 =	vsel vm3, s12, v13  }
0x382: {  	s15 =	sshrl.u32 s25, $0x1F;
	v14 =	vsel vm9, s10, v14;
	s12 =	sshrl.u32 s30, $0x1F;
	v12 =	vsel vm0, s0, v12;
	v13 =	vsel vm9, s23, v13;
	s23 =	sld [smem:$0x721]  }
0x383: {  	s30 =	sshra.s32 s30, $0x6;
	v14 =	vsel vm0, s1, v14;
	v12 =	vsel vm10, s7, v12;
	s7 =	sshrl.u32 s31, $0x1F;
	s31 =	sld [smem:$0x724]  }
0x384: {  	(v2sf) =	vpush v3, $0xA;
	v14 =	vsel vm10, s29, v14;
	s29 =	sshrl.u32 s20, $0x1F;
	v18 =	vmov s12;
	s12 =	sld [smem:$0x72C];
	s3 =	sshra.s32 s26, $0x6  }
0x385: {  	s16 =	sshra.s32 s26, $0x1F;
	s10 =	sshrl.u32 s26, $0x1F;
	v12 =	vsel vm1, s5, v12;
	s5 =	sld [smem:$0x722]  }
0x386: {  	v17 =	vmov s19;
	v13 =	vsel vm0, s9, v13;
	s9 =	sshra.s32 s25, $0x6;
	s26 =	spop (v2sf);
	v23 =	vmov s7;
	s7 =	sld [smem:$0x72A]  }
0x387: {  	v17 =	vnsel vm3, $0x0, v17;
	v13 =	vsel vm10, s24, v13;
	s2 =	sshra.s32 s26, $0x1F;
	s13 =	spop (v2sf);
	s24 =	sshra.s32 s23, $0x6  }
0x388: {  	v17 =	vsel vm0, s14, v17;
	v13 =	vsel vm1, s3, v13;
	s25 =	sshra.s32 s23, $0x1F;
	s3 =	sshrl.u32 s23, $0x1F;
	s14 =	smulhi.u32 $0x6BCA1AF3, s13  }
0x389: {  	s21 =	sshra.s32 s13, $0x1F;
	[smem:$0x72D] =	sst s3;
	s3 =	smul.u32 $0x6BCA1AF3, s2  }
0x38a: {  	v22 =	vmov s15;
	s13 =	sld [smem:$0x728];
	s15 =	sshrl.u32 s12, $0x1F;
	s23 =	smul.u32 $0x6BCA1AF3, s21  }
0x38b: {  	v14 =	vsel vm1, s24, v14;
	s6 =	sshra.s32 s5, $0x6;
	s2 =	spop (v2sf);
	s21 =	sld [smem:$0x725]  }
0x38c: {  	(v2sf) =	vpush v4, $0xF;
	v12 =	vsel vm11, s28, v12;
	s24 =	sshra.s32 s31, $0x6;
	s0 =	sshra.s32 s5, $0x1F;
	v14 =	vsel vm11, s25, v14;
	s25 =	sld [smem:$0x723]  }
0x38d: {  	(v2sf) =	vpush v4, $0xB;
	v12 =	vsel vm2, s6, v12;
	s6 =	spop (v2sf);
	s18 =	sshra.s32 s2, $0x1F;
	[smem:$0x737] =	sst s23  }
0x38e: {  	v14 =	vsel vm2, s24, v14;
	v12 =	vsel vm12, s0, v12;
	s22 =	smul.u32 $0x6BCA1AF3, s18;
	s0 =	sshra.s32 s6, $0x1F;
	s24 =	sshrl.u32 s21, $0x1F  }
0x38f: {  	s23 =	sshra.s32 s21, $0x6;
	s21 =	smul.u32 $0x6BCA1AF3, s0;
	s0 =	rddreg [dreg:$0x15]  }
0x390: {  	v19 =	vmov s4;
	s4 =	sshrl.u32 s5, $0x1F;
	s8 =	spop (v2sf);
	[smem:$0x726] =	sst s22  }
0x391: {  	v20 =	vmov s30;
	v13 =	vsel vm11, s16, v13;
	s30 =	smulhi.u32 $0x6BCA1AF3, s6;
	s16 =	sshra.s32 s25, $0x6;
	s22 =	rddreg [dreg:$0x17]  }
0x392: {  	(v2sf) =	vpush v4, $0x6;
	s1 =	sshra.s32 s25, $0x1F;
	s25 =	sshrl.u32 s25, $0x1F;
	v30 =	vmov s23;
	s23 =	rddreg [dreg:$0x6]  }
0x393: {  	s28 =	spop (v2sf);
	s18 =	sshra.s32 s0, $0x6;
	[smem:$0x733] =	sst s25  }
0x394: {  	v13 =	vsel vm2, s16, v13;
	s16 =	sshra.s32 s31, $0x1F;
	s5 =	sshra.s32 s22, $0x1F;
	s25 =	sld [smem:$0x72B]  }
0x395: {  	v6 =	vcombine.low v7, v6;
	v13 =	vsel vm12, s1, v13;
	v14 =	vsel vm12, s16, v14;
	s1 =	sshra.s32 s22, $0x6;
	s16 =	sshra.s32 s8, $0x1F;
	s22 =	sld [smem:$0x729]  }
0x396: {  	v21 =	vmov s11;
	s11 =	sshra.s32 s13, $0x6;
	v12 =	vsel vm4, s1, v12;
	v13 =	vsel vm4, s18, v13;
	s18 =	smul.u32 $0x6BCA1AF3, s16;
	s16 =	rddreg [dreg:$0x13]  }
0x397: {  	v7 =	vcombine.low v11, v8;
	s1 =	sshra.s32 s16, $0x6;
	v12 =	vsel vm13, s5, v12;
	s5 =	sshrl.u32 s13, $0x1F;
	s13 =	sld [smem:$0x72D]  }
0x398: {  	v11 =	vperm.xlane v6, v0;
	(v2sf) =	vpush v2, $0xF;
	v14 =	vsel vm4, s1, v14;
	s1 =	sshra.s32 s20, $0x6;
	s20 =	smulhi.u32 $0x6BCA1AF3, s26;
	s26 =	sshrl.u32 s22, $0x1F  }
0x399: {  	v7 =	vperm.xlane v7, v0;
	v24 =	vsel vm1, s10, v16;
	(v2sf) =	vpush v2, $0xB;
	s10 =	sshra.s32 s22, $0x6;
	s22 =	smulhi.u32 $0x6BCA1AF3, s2;
	s2 =	sshra.s32 s0, $0x1F  }
0x39a: {  	v9 =	vperm.xlane v9, v1;
	v25 =	vmov s9;
	s6 =	smulhi.u32 $0x6BCA1AF3, s8;
	s0 =	sshra.s32 s12, $0x6;
	s12 =	sld [smem:$0x72E];
	v26 =	vsel vm13, s2, v13;
	v13 =	vld [tilespmem:s25+$0x800]  }
0x39b: {  	v16 =	vperm.xlane v10, v1;
	(v2sf) =	vpush v2, $0x6;
	s9 =	spop (v2sf);
	v10 =	vsel vm0, s5, v18;
	s5 =	sld [smem:$0x72F]  }
0x39c: {  	v9 =	vsel vm8, v9, v11;
	(v2sf) =	vpush v3, $0xF;
	v27 =	vmov s24;
	s24 =	spop (v2sf);
	[dreg:$0x1a] =	wrdreg s9;
	s2 =	sshra.s32 s9, $0x1F  }
0x39d: {  	(v2sf) =	vpush v3, $0xB;
	v31 =	vmov s1;
	v11 =	vsel vm0, s26, v19;
	s26 =	rddreg [dreg:$0x11];
	s1 =	smul.u32 $0x6BCA1AF3, s2;
	s2 =	sshra.s32 s24, $0x1F  }
0x39e: {  	v8 =	vmov s7;
	s7 =	sshra.s32 s16, $0x1F;
	v32 =	vld [tilespmem:s23+$0x800];
	[dreg:$0x1e] =	wrdreg s24;
	s9 =	smul.u32 $0x6BCA1AF3, s2  }
0x39f: {  	v7 =	vsel vm8, v16, v7;
	v6 =	vsel vm13, s7, v14;
	v33 =	vld [tilespmem:s17+$0x800];
	s7 =	sshrl.u32 s5, $0x1F;
	s2 =	sshra.s32 s5, $0x6;
	s5 =	sld [smem:$0x731];
	v18 =	vcvt.s32.f32 v13  }
0x3a0: {  	v7 =	vadd.s32 v9, v7;
	s8 =	smulhi.u32 $0x6BCA1AF3, s28;
	v34 =	vld [tilespmem:s26+$0x800];
	[smem:$0x73A] =	sst s2  }
0x3a1: {  	v9 =	vmul.u32 $0xFFFFFF68, v7;
	s19 =	sshra.s32 s28, $0x1F;
	(v2sf) =	vpush v3, $0x6;
	s28 =	spop (v2sf);
	v13 =	vsel vm0, s11, v20;
	s11 =	sld [smem:$0x730];
	[tilespmem:s25+$0xC00] =	vst v18  }
0x3a2: {  	[smem:$0x732] =	sst s28  }
0x3a3: {  	v5 =	vadd.s32 v5, v9;
	[tilespmem:s25+$0x0] =	vst v7  }
0x3a4: {  	v29 =	vsel vm1, s13, v17;
	v17 =	vsel vm2, s4, v15;
	v15 =	vsel vm0, s15, v22;
	s16 =	sshrl.u32 s12, $0x1F;
	s15 =	sshra.s32 s28, $0x1F;
	[tilespmem:s25+$0x400] =	vst v5  }
0x3a5: {  	s28 =	smul.u32 $0x6BCA1AF3, s15;
	s15 =	simm.s32 $0x0;
	v7 =	vcvt.s32.f32 v32;
	s25 =	sld [smem:$0x733]  }
0x3a6: {  	s13 =	sshra.s32 s12, $0x6;
	s2 =	sshra.s32 s11, $0x6;
	[dreg:$0xc] =	wrdreg s15  }
0x3a7: {  	s12 =	sshrl.u32 s31, $0x1F;
	s31 =	spop (v2sf);
	v14 =	vsel vm5, s2, v12;
	v12 =	vsel vm0, s16, v23;
	s16 =	sld [smem:$0x734];
	[tilespmem:s23+$0xC00] =	vst v7  }
0x3a8: {  	p0 =	por !p0, !p0;
	v28 =	vmov s29;
	s29 =	spop (v2sf);
	v5 =	vcvt.s32.f32 v33;
	[smem:$0x735] =	sst s31  }
0x3a9: {  	s19 =	smul.u32 $0x6BCA1AF3, s19;
	s24 =	smov.u32 s11;
	[smem:$0x736] =	sst s29  }
0x3aa: {  	s11 =	sshrl.u32 s5, $0x1F;
	s4 =	spop (v2sf);
	v23 =	vsel vm2, s12, v29;
	s12 =	sld [smem:$0x737];
	[tilespmem:s17+$0xC00] =	vst v5  }
0x3ab: {  	s5 =	sshra.s32 s5, $0x6;
	s2 =	spop (v2sf);
	[smem:$0x738] =	sst s4  }
0x3ac: {  	v16 =	vsel vm0, s10, v21;
	s10 =	spop (v2sf);
	s15 =	smov.u32 s17;
	v7 =	vcvt.s32.f32 v34;
	[smem:$0x739] =	sst s2  }
0x3ad: {  	v20 =	vsel vm0, s13, v8;
	s13 =	sshra.s32 s2, $0x1F;
	s23 =	sshra.s32 s29, $0x1F;
	[dreg:$0x1d] =	wrdreg s10  }
0x3ae: {  	s29 =	sshra.s32 s4, $0x1F;
	v19 =	vsel vm2, s25, v24;
	s25 =	smov.u32 s16;
	v24 =	vsel vm0, s11, v28;
	s11 =	sld [smem:$0x73A];
	[tilespmem:s26+$0xC00] =	vst v7  }
0x3af: {  	v18 =	vsel vm0, s0, v25;
	s0 =	sshra.s32 s16, $0x6;
	s16 =	sshra.s32 s31, $0x1F;
	s17 =	sld [smem:$0x73C]  }
0x3b0: {  	s31 =	sshra.s32 s10, $0x1F;
	v22 =	vsel vm5, s0, v26;
	s0 =	spop (v2sf);
	v26 =	vsel vm0, s7, v27;
	s7 =	smov.u32 s26  }
0x3b1: {  	s4 =	simm.s32 $0x0;
	[dreg:$0x19] =	wrdreg s0;
	s0 =	sshra.s32 s0, $0x1F  }
0x3b2: {  	v21 =	vsel vm0, s5, v31;
	v5 =	vimm.f32 $0.0e+00;
	v25 =	vsel vm0, s11, v30;
	[smem:$0x73B] =	sst s0;
	s26 =	smov.u32 s17;
	s10 =	sshra.s32 s17, $0x6  }
.LBB2_4:
0x3b3: {  	s2 =	simm.s32 $0x1;
	s11 =	sadd.s32 s3, s20  }
0x3b4: {  	s0 =	smul.u32 $0x6BCA1AF3, s16;
	v27 =	vsel vm5, s10, v6;
	s20 =	rddreg [dreg:$0x6];
	s10 =	smov.u32 s15  }
0x3b5: {  	s15 =	smov.u32 s7;
	s3 =	smul.u32 $0x6BCA1AF3, s29;
	[smem:$0x692] =	sst s10  }
0x3b6: {  	s4 =	sadd.s32 $0x80, s4;
	s7 =	smul.u32 $0x6BCA1AF3, s13;
	[smem:$0x693] =	sst s15  }
0x3b7: {  	s2 =	simm.s32 @!p0 $0x0;
	s5 =	smov.u32 s20;
	[dreg:$0xe] =	wrdreg s4  }
0x3b8: {  	s10 =	sadd.s32 s12, s14;
	s12 =	sld [smem:$0x726];
	s13 =	sadd.s32 s21, s30  }
0x3b9: {  	s15 =	sshrl.u32 s11, $0x1F;
	s8 =	sadd.s32 s19, s8;
	s19 =	rddreg [dreg:$0x1a]  }
0x3ba: {  	s11 =	sshra.s32 s11, $0x6;
	[smem:$0x691] =	sst s5;
	s16 =	sshll.u32 s2, $0x6  }
0x3bb: {  	s2 =	smul.u32 $0x6BCA1AF3, s23;
	s4 =	rddreg [dreg:$0xe];
	s5 =	sadd.s32 s18, s6  }
0x3bc: {  	s14 =	smulhi.u32 $0x6BCA1AF3, s19;
	s19 =	sshra.s32 s24, $0x1F;
	s4 =	sadd.s32 s16, s4  }
0x3bd: {  	v14 =	vsel vm14, s19, v14;
	s19 =	sshrl.u32 s13, $0x1F;
	s12 =	sadd.s32 s12, s22;
	s22 =	rddreg [dreg:$0x1e]  }
0x3be: {  	s17 =	sor.u32 $0x90, s4;
	s23 =	sor.u32 $0xB0, s4;
	v12 =	vsel vm1, s19, v12;
	s19 =	sld [smem:$0x736]  }
0x3bf: {  	s16 =	sor.u32 $0xA0, s4;
	v8 =	vld [tilespmem:s17+$0x0];
	s18 =	smov.u32 s17;
	s17 =	sld [smem:$0x73B]  }
0x3c0: {  	s21 =	sshrl.u32 s10, $0x1F;
	s20 =	sor.u32 $0x80, s4;
	v6 =	vld [tilespmem:s23+$0x0];
	[dreg:$0x11] =	wrdreg s16  }
0x3c1: {  	s10 =	sshra.s32 s10, $0x6;
	s4 =	smul.u32 $0x6BCA1AF3, s31;
	v28 =	vld [tilespmem:s20+$0x800];
	[dreg:$0x1f] =	wrdreg s23  }
0x3c2: {  	v10 =	vsel vm1, s15, v10;
	s13 =	sshra.s32 s13, $0x6;
	s15 =	smulhi.u32 $0x6BCA1AF3, s22;
	v30 =	vld [tilespmem:s16+$0x800];
	[dreg:$0x6] =	wrdreg s20  }
0x3c3: {  	v11 =	vsel vm1, s21, v11;
	s22 =	sshrl.u32 s12, $0x1F;
	v29 =	vld [tilespmem:s18+$0x800];
	s21 =	smov.u32 s18;
	s18 =	sld [smem:$0x732]  }
0x3c4: {  	v13 =	vsel vm1, s11, v13;
	v20 =	vsel vm1, s13, v20;
	s13 =	sshrl.u32 s8, $0x1F;
	v15 =	vsel vm1, s22, v15;
	s22 =	rddreg [dreg:$0x15];
	s11 =	smulhi.u32 $0x6BCA1AF3, s19  }
0x3c5: {  	s19 =	sshra.s32 s25, $0x1F;
	s6 =	smul.u32 $0x6BCA1AF3, s17;
	s17 =	rddreg [dreg:$0x17]  }
0x3c6: {  	s8 =	sshra.s32 s8, $0x6;
	v22 =	vsel vm14, s19, v22;
	s19 =	sld [smem:$0x739];
	s17 =	sshrl.u32 s17, $0x1F  }
0x3c7: {  	s14 =	sadd.s32 s1, s14;
	v17 =	vsel vm4, s17, v17;
	(v2sf) =	vpush v6, $0xF;
	s17 =	smulhi.u32 $0x6BCA1AF3, s18;
	s18 =	sld [smem:$0x735];
	v28 =	vcvt.s32.f32 v28  }
0x3c8: {  	v9 =	vld [tilespmem:s20+$0x0];
	s12 =	sshra.s32 s12, $0x6;
	v21 =	vsel vm1, s8, v21;
	[dreg:$0x12] =	wrdreg s21;
	s9 =	sadd.s32 s9, s15;
	v30 =	vcvt.s32.f32 v30;
	(v2sf) =	vpush v6, $0xB  }
0x3c9: {  	v31 =	vld [tilespmem:s23+$0x800];
	v18 =	vsel vm1, s12, v18;
	s12 =	smulhi.u32 $0x6BCA1AF3, s19;
	v29 =	vcvt.s32.f32 v29;
	(v2sf) =	vpush v6, $0x6;
	s8 =	sadd.s32 s28, s17;
	[tilespmem:s20+$0xC00] =	vst v28;
	s20 =	sshrl.u32 s24, $0x1F  }
0x3ca: {  	v16 =	vsel vm1, s10, v16;
	[tilespmem:s16+$0xC00] =	vst v30;
	s10 =	smulhi.u32 $0x6BCA1AF3, s18;
	s18 =	sshrl.u32 s22, $0x1F;
	(v2sf) =	vpush v6, $0xE;
	s22 =	sld [smem:$0x738]  }
0x3cb: {  	v7 =	vld [tilespmem:s16+$0x0];
	s16 =	sshrl.u32 s26, $0x1F;
	s17 =	sadd.s32 s7, s12;
	[tilespmem:s21+$0xC00] =	vst v29;
	s21 =	sshra.s32 s14, $0x6  }
0x3cc: {  	s12 =	sshrl.u32 s25, $0x1F;
	(v2sf) =	vpush v6, $0xA;
	v13 =	vsel vm2, s21, v13;
	s21 =	sshra.s32 s8, $0x1F;
	s15 =	sadd.s32 s0, s10  }
0x3cd: {  	v19 =	vsel vm4, s18, v19;
	(v2sf) =	vpush v6, $0xD;
	s10 =	rddreg [dreg:$0xa];
	s18 =	smulhi.u32 $0x6BCA1AF3, s22;
	s22 =	sshrl.u32 s5, $0x1F  }
0x3ce: {  	s5 =	sshra.s32 s5, $0x6;
	(v2sf) =	vpush v6, $0x9;
	s24 =	sshrl.u32 s15, $0x1F;
	v26 =	vsel vm1, s22, v26;
	s22 =	rddreg [dreg:$0x13]  }
0x3cf: {  	v61 =	vcvt.s32.f32 v31;
	v25 =	vsel vm1, s5, v25;
	s5 =	sshra.s32 s26, $0x1F;
	(v2sf) =	vpush v6, $0x5;
	s19 =	sshrl.u32 s22, $0x1F;
	s22 =	rddreg [dreg:$0x1d]  }
0x3d0: {  	v24 =	vsel vm1, s13, v24;
	s1 =	sadd.s32 s3, s18;
	s18 =	sshrl.u32 s14, $0x1F;
	s13 =	smulhi.u32 $0x6BCA1AF3, s22  }
0x3d1: {  	[tilespmem:s23+$0xC00] =	vst v61;
	v27 =	vsel vm14, s5, v27;
	(v2sf) =	vpush v6, $0xC;
	s5 =	sshra.s32 s9, $0x6;
	v23 =	vsel vm4, s19, v23;
	s19 =	rddreg [dreg:$0x19];
	s23 =	sshrl.u32 s1, $0x1F  }
0x3d2: {  	(v2sf) =	vpush v6, $0x8;
	s22 =	smulhi.u32 $0x6BCA1AF3, s19;
	s19 =	sshrl.u32 s9, $0x1F;
	s4 =	sadd.s32 s4, s13  }
0x3d3: {  	(v2sf) =	vpush v6, $0x4;
	v11 =	vsel vm2, s19, v11;
	s13 =	sshra.s32 s1, $0x6;
	s19 =	sshrl.u32 s8, $0x1F;
	s1 =	sshra.s32 s1, $0x1F  }
0x3d4: {  	(v2sf) =	vpush v6, $0x3;
	s0 =	sadd.s32 s6, s22;
	s22 =	sshra.s32 s8, $0x6;
	v22 =	vsel vm6, s13, v22;
	s8 =	rddreg [dreg:$0xc]  }
0x3d5: {  	s14 =	sshrl.u32 s17, $0x1F;
	s3 =	sshra.s32 s17, $0x6;
	(v2sf) =	vpush v6, $0x2;
	v22 =	vsel vm15, s1, v22;
	s1 =	sadd.s32 $0x4, s8  }
0x3d6: {  	s9 =	sshra.s32 s15, $0x6;
	(v2sf) =	vpush v6, $0x1;
	[dreg:$0xc] =	wrdreg s1;
	s6 =	spop (v2sf)  }
0x3d7: {  	v17 =	vsel vm5, s20, v17;
	v10 =	vsel vm2, s18, v10;
	s15 =	sshrl.u32 s4, $0x1F;
	(v2sf) =	vpush v6, $0x0;
	s18 =	smulhi.u32 $0x6BCA1AF3, s6;
	s25 =	spop (v2sf)  }
0x3d8: {  	v15 =	vsel vm2, s24, v15;
	v23 =	vsel vm5, s16, v23;
	s17 =	sshra.s32 s0, $0x6;
	(v2sf) =	vpush v6, $0x7;
	s20 =	smulhi.u32 $0x6BCA1AF3, s25;
	s16 =	spop (v2sf)  }
0x3d9: {  	v14 =	vsel vm6, s22, v14;
	v24 =	vsel vm2, s15, v24;
	s15 =	sshra.s32 s10, $0x6;
	(v2sf) =	vpush v9, $0x7;
	[smem:$0x694] =	sst s18;
	s18 =	spop (v2sf)  }
0x3da: {  	v27 =	vsel vm6, s17, v27;
	v14 =	vsel vm15, s21, v14;
	s17 =	rddreg [dreg:$0x8];
	s6 =	sshra.s32 s6, $0x1F;
	(v2sf) =	vpush v8, $0x7;
	s24 =	smulhi.u32 $0x6BCA1AF3, s18  }
0x3db: {  	s2 =	sadd.s32 s2, s11;
	v19 =	vsel vm5, s12, v19;
	v14 =	vsel vm7, s15, v14;
	s15 =	smul.u32 $0x6BCA1AF3, s6;
	(v2sf) =	vpush v7, $0x7;
	s12 =	spop (v2sf)  }
0x3dc: {  	s11 =	sshrl.u32 s2, $0x1F;
	(v2sf) =	vpush v9, $0x0;
	[smem:$0x697] =	sst s24;
	s24 =	spop (v2sf)  }
0x3dd: {  	v12 =	vsel vm2, s11, v12;
	s26 =	smulhi.u32 $0x6BCA1AF3, s12;
	(v2sf) =	vpush v8, $0x0;
	s11 =	spop (v2sf)  }
0x3de: {  	s2 =	sshra.s32 s2, $0x6;
	s22 =	smulhi.u32 $0x6BCA1AF3, s16;
	(v2sf) =	vpush v7, $0x0;
	s31 =	spop (v2sf)  }
0x3df: {  	v26 =	vsel vm2, s14, v26;
	s14 =	sshrl.u32 s10, $0x1F;
	v18 =	vsel vm2, s9, v18;
	[smem:$0x698] =	sst s26;
	(v2sf) =	vpush v9, $0x1;
	s9 =	smulhi.u32 $0x6BCA1AF3, s31  }
0x3e0: {  	v16 =	vsel vm2, s5, v16;
	s4 =	sshra.s32 s4, $0x6;
	s5 =	smulhi.u32 $0x6BCA1AF3, s24;
	s13 =	spop (v2sf)  }
0x3e1: {  	v20 =	vsel vm2, s2, v20;
	v21 =	vsel vm2, s4, v21;
	s4 =	sshrl.u32 s0, $0x1F;
	(v2sf) =	vpush v8, $0x1;
	[smem:$0x69A] =	sst s9;
	s9 =	spop (v2sf)  }
0x3e2: {  	v12 =	vcombine.low v12, v15;
	v25 =	vsel vm2, s3, v25;
	v13 =	vcombine.low v16, v13;
	s0 =	sshra.s32 s0, $0x1F;
	s26 =	rddreg [dreg:$0x7];
	s28 =	spop (v2sf)  }
0x3e3: {  	v17 =	vsel vm6, s19, v17;
	v10 =	vcombine.low v11, v10;
	s16 =	sshra.s32 s16, $0x1F;
	s7 =	smulhi.u32 $0x6BCA1AF3, s11;
	(v2sf) =	vpush v7, $0x1;
	s10 =	spop (v2sf)  }
0x3e4: {  	v23 =	vsel vm6, s4, v23;
	v11 =	vsel vm15, s0, v27;
	s4 =	sshra.s32 s26, $0x6;
	[smem:$0x696] =	sst s5;
	(v2sf) =	vpush v9, $0x2;
	s8 =	spop (v2sf)  }
0x3e5: {  	v15 =	vcombine.low v20, v18;
	s2 =	sshrl.u32 s26, $0x1F;
	v11 =	vsel vm7, s4, v11;
	s4 =	smul.u32 $0x6BCA1AF3, s16;
	(v2sf) =	vpush v8, $0x2;
	s5 =	spop (v2sf)  }
0x3e6: {  	v18 =	vcombine.low v21, v25;
	v21 =	vsel vm7, s2, v23;
	s2 =	sshra.s32 s18, $0x1F;
	[smem:$0x699] =	sst s7;
	(v2sf) =	vpush v7, $0x2;
	s3 =	spop (v2sf)  }
0x3e7: {  	v19 =	vsel vm6, s23, v19;
	v17 =	vsel vm7, s14, v17;
	s19 =	sshrl.u32 s17, $0x1F;
	s16 =	smul.u32 $0x6BCA1AF3, s2;
	(v2sf) =	vpush v9, $0x3;
	s14 =	spop (v2sf)  }
0x3e8: {  	v12 =	vperm.xlane v12, v0;
	v13 =	vperm.xlane v13, v0;
	s7 =	sshra.s32 s25, $0x1F;
	s2 =	sld [smem:$0x691];
	(v2sf) =	vpush v8, $0x3;
	s26 =	spop (v2sf)  }
0x3e9: {  	v16 =	vcombine.low v24, v26;
	v17 =	vperm.xlane v17, v1;
	s21 =	sshra.s32 s17, $0x6;
	s17 =	smul.u32 $0x6BCA1AF3, s7;
	(v2sf) =	vpush v7, $0x3;
	s25 =	spop (v2sf)  }
0x3ea: {  	p1 =	slt.u32 s1, $0x1C;
	v10 =	vperm.xlane v10, v0;
	v15 =	vperm.xlane v15, v0;
	[smem:$0x69D] =	sst s4;
	(v2sf) =	vpush v9, $0x4;
	s1 =	spop (v2sf)  }
0x3eb: {  	v14 =	vperm.xlane v14, v1;
	v19 =	vsel vm7, s19, v19;
	v20 =	vsel vm7, s21, v22;
	[smem:$0x69E] =	sst s1;
	s6 =	spop (v2sf)  }
0x3ec: {  	v10 =	vsel vm8, v17, v10;
	v16 =	vperm.xlane v16, v0;
	v19 =	vperm.xlane v19, v1;
	s0 =	sshra.s32 s24, $0x1F;
	[smem:$0x69F] =	sst s6;
	s18 =	spop (v2sf)  }
0x3ed: {  	v20 =	vperm.xlane v20, v1;
	v13 =	vsel vm8, v14, v13;
	v21 =	vperm.xlane v21, v1;
	s6 =	smul.u32 $0x6BCA1AF3, s0;
	s24 =	spop (v2sf)  }
0x3ee: {  	v14 =	vperm.xlane v18, v0;
	v12 =	vsel vm8, v19, v12;
	s12 =	sshra.s32 s12, $0x1F;
	v11 =	vperm.xlane v11, v1;
	s0 =	sld [smem:$0x692];
	s1 =	spop (v2sf)  }
0x3ef: {  	v10 =	vadd.s32 v10, v13;
	v13 =	vsel vm8, v20, v15;
	s7 =	smul.u32 $0x6BCA1AF3, s12;
	v15 =	vsel vm8, v21, v16;
	[smem:$0x6A0] =	sst s1  }
0x3f0: {  	v16 =	vmul.u32 $0xFFFFFF68, v10;
	v11 =	vsel vm8, v11, v14;
	[tilespmem:s2+$0x0] =	vst v10;
	v10 =	vadd.s32 v12, v13;
	s4 =	spop (v2sf);
	s1 =	sld [smem:$0x693]  }
0x3f1: {  	s12 =	sshra.s32 s31, $0x1F;
	s23 =	smulhi.u32 $0x6BCA1AF3, s28;
	v12 =	vmul.u32 $0xFFFFFF68, v10;
	[tilespmem:s0+$0x0] =	vst v10;
	v10 =	vadd.s32 v15, v11;
	[smem:$0x6A1] =	sst s4  }
0x3f2: {  	v11 =	vadd.s32 v4, v16;
	v13 =	vmul.u32 $0xFFFFFF68, v10;
	s4 =	smul.u32 $0x6BCA1AF3, s12;
	s12 =	spop (v2sf)  }
0x3f3: {  	s19 =	smulhi.u32 $0x6BCA1AF3, s14;
	[tilespmem:s2+$0x400] =	vst v11;
	s2 =	spop (v2sf)  }
0x3f4: {  	v4 =	vmovc v9;
	v9 =	vadd.s32 v2, v12;
	v2 =	vmov v8;
	[tilespmem:s1+$0x0] =	vst v10;
	[smem:$0x6A2] =	sst s2;
	v8 =	vadd.s32 v3, v13;
	s2 =	sshra.s32 s28, $0x1F;
	s28 =	spop (v2sf)  }
0x3f5: {  	[tilespmem:s1+$0x400] =	vst v8;
	s1 =	smul.u32 $0x6BCA1AF3, s2;
	s2 =	spop (v2sf)  }
0x3f6: {  	[smem:$0x6A3] =	sst s2;
	s2 =	spop (v2sf)  }
0x3f7: {  	[smem:$0x6A4] =	sst s2;
	s2 =	spop (v2sf)  }
0x3f8: {  	[smem:$0x6A5] =	sst s2;
	s2 =	spop (v2sf)  }
0x3f9: {  	[smem:$0x6A6] =	sst s2;
	s2 =	sshra.s32 s14, $0x1F;
	s14 =	spop (v2sf)  }
0x3fa: {  	[smem:$0x6AC] =	sst s14  }
0x3fb: {  	s14 =	sld [smem:$0x694];
	_ =	sdelay $0x1  }
0x3fc: {  	[smem:$0x695] =	sst s20  }
0x3fd: {  	s11 =	sshra.s32 s11, $0x1F;
	s15 =	sadd.s32 s15, s14;
	s14 =	sld [smem:$0x695]  }
0x3fe: {  	s11 =	smul.u32 $0x6BCA1AF3, s11  }
0x3ff: {  	s29 =	smulhi.u32 $0x6BCA1AF3, s13  }
0x400: {  	s13 =	sshra.s32 s13, $0x1F;
	s14 =	sadd.s32 s17, s14;
	s17 =	sld [smem:$0x696]  }
0x401: {  	s13 =	smul.u32 $0x6BCA1AF3, s13  }
0x402: {  	[smem:$0x69C] =	sst s22;
	s22 =	smulhi.u32 $0x6BCA1AF3, s9  }
0x403: {  	s9 =	sshra.s32 s9, $0x1F;
	[tilespmem:s0+$0x400] =	vst v9;
	s0 =	sadd.s32 s6, s17;
	s17 =	sld [smem:$0x697]  }
0x404: {  	s9 =	smul.u32 $0x6BCA1AF3, s9  }
0x405: {  	s20 =	smulhi.u32 $0x6BCA1AF3, s10;
	s10 =	sshra.s32 s10, $0x1F  }
0x406: {  	s30 =	smulhi.u32 $0x6BCA1AF3, s8;
	s16 =	sadd.s32 s16, s17;
	s17 =	sld [smem:$0x698]  }
0x407: {  	s10 =	smul.u32 $0x6BCA1AF3, s10  }
0x408: {  	s8 =	sshra.s32 s8, $0x1F;
	s21 =	smulhi.u32 $0x6BCA1AF3, s5;
	s5 =	sshra.s32 s5, $0x1F  }
0x409: {  	s8 =	smul.u32 $0x6BCA1AF3, s8;
	s6 =	sadd.s32 s7, s17;
	s17 =	sld [smem:$0x699]  }
0x40a: {  	s13 =	sadd.s32 s13, s29;
	s5 =	smul.u32 $0x6BCA1AF3, s5  }
0x40b: {  	s22 =	sadd.s32 s9, s22;
	[smem:$0x69B] =	sst s20;
	s2 =	smul.u32 $0x6BCA1AF3, s2  }
0x40c: {  	s20 =	smulhi.u32 $0x6BCA1AF3, s3;
	s29 =	sadd.s32 s11, s17;
	s17 =	sld [smem:$0x69A]  }
0x40d: {  	s3 =	sshra.s32 s3, $0x1F;
	s5 =	sadd.s32 s5, s21;
	s9 =	sadd.s32 s2, s19  }
0x40e: {  	s3 =	smul.u32 $0x6BCA1AF3, s3;
	s21 =	sshra.s32 s5, $0x6;
	s2 =	sshra.s32 s9, $0x1F  }
0x40f: {  	s7 =	sadd.s32 s8, s30;
	s30 =	sld [smem:$0x6A2];
	s11 =	sadd.s32 s4, s17  }
0x410: {  	s4 =	sadd.s32 s1, s23;
	s1 =	sadd.s32 s3, s20;
	s20 =	sshrl.u32 s13, $0x1F  }
0x411: {  	v3 =	vmov v7;
	(v2sf) =	vpush v2, $0x4;
	s3 =	sshrl.u32 s22, $0x1F;
	s17 =	sshra.s32 s13, $0x6;
	s13 =	sshra.s32 s29, $0x6  }
0x412: {  	(v2sf) =	vpush v3, $0x4;
	s23 =	sshra.s32 s1, $0x6;
	s19 =	sshra.s32 s1, $0x1F;
	s1 =	sshrl.u32 s1, $0x1F  }
0x413: {  	(v2sf) =	vpush v4, $0xC;
	v8 =	vmov s20;
	v9 =	vmov s3;
	s20 =	sshra.s32 s22, $0x6;
	s22 =	sshrl.u32 s0, $0x1F;
	s3 =	sshra.s32 s5, $0x1F  }
0x414: {  	(v2sf) =	vpush v4, $0x8;
	v7 =	vmov s2;
	v10 =	vmov s17;
	s0 =	sshra.s32 s0, $0x6;
	s17 =	sshra.s32 s7, $0x6;
	s5 =	sshrl.u32 s5, $0x1F  }
0x415: {  	v7 =	vsel vm3, s23, v7;
	s23 =	sshrl.u32 s29, $0x1F;
	v12 =	vmov s20;
	v8 =	vsel vm0, s22, v8;
	s20 =	sld [smem:$0x69B];
	s22 =	sshrl.u32 s6, $0x1F  }
0x416: {  	v11 =	vmov s1;
	v10 =	vsel vm0, s0, v10;
	s6 =	sshra.s32 s6, $0x6;
	s29 =	sld [smem:$0x6A3];
	v7 =	vsel vm9, s19, v7;
	s19 =	sshrl.u32 s16, $0x1F  }
0x417: {  	v9 =	vsel vm0, s23, v9;
	v12 =	vsel vm0, s13, v12;
	v11 =	vnsel vm3, $0x0, v11;
	s23 =	sshra.s32 s16, $0x6;
	s13 =	sshrl.u32 s15, $0x1F;
	s16 =	sshrl.u32 s14, $0x1F  }
0x418: {  	v7 =	vsel vm0, s21, v7;
	s21 =	sshra.s32 s7, $0x1F;
	v8 =	vsel vm1, s19, v8;
	v10 =	vsel vm1, s23, v10;
	s19 =	sshrl.u32 s7, $0x1F;
	s23 =	sshra.s32 s14, $0x6  }
0x419: {  	v11 =	vsel vm0, s5, v11;
	v12 =	vsel vm1, s6, v12;
	s5 =	sshra.s32 s11, $0x6;
	s6 =	sshrl.u32 s4, $0x1F;
	s8 =	sadd.s32 s10, s20  }
0x41a: {  	(v2sf) =	vpush v2, $0xC;
	v9 =	vsel vm1, s22, v9;
	s7 =	sld [smem:$0x69C];
	v7 =	vsel vm10, s3, v7;
	s20 =	sshra.s32 s15, $0x6;
	s3 =	sshra.s32 s8, $0x6  }
0x41b: {  	v8 =	vsel vm2, s13, v8;
	v11 =	vsel vm1, s19, v11;
	v7 =	vsel vm1, s17, v7;
	s10 =	sshra.s32 s8, $0x1F;
	s22 =	sshrl.u32 s8, $0x1F;
	s8 =	sld [smem:$0x69D]  }
0x41c: {  	v9 =	vsel vm2, s16, v9;
	s17 =	sshra.s32 s4, $0x6;
	v7 =	vsel vm11, s21, v7;
	s21 =	sshra.s32 s4, $0x1F;
	v11 =	vsel vm2, s22, v11;
	s4 =	sld [smem:$0x6A1]  }
0x41d: {  	s13 =	sshrl.u32 s11, $0x1F;
	v8 =	vcombine.low v9, v8;
	s22 =	sshra.s32 s26, $0x1F;
	v9 =	vsel vm4, s6, v11;
	s6 =	sld [smem:$0x69E]  }
0x41e: {  	v7 =	vsel vm2, s3, v7;
	s3 =	sadd.s32 s8, s7;
	s7 =	sshra.s32 s18, $0x1F;
	s18 =	smulhi.u32 $0x6BCA1AF3, s18  }
0x41f: {  	v7 =	vsel vm12, s10, v7;
	s10 =	sshra.s32 s11, $0x1F;
	s8 =	sshra.s32 s24, $0x1F;
	s24 =	smulhi.u32 $0x6BCA1AF3, s24  }
0x420: {  	s11 =	sshra.s32 s12, $0x1F;
	s12 =	smulhi.u32 $0x6BCA1AF3, s12;
	s14 =	sshra.s32 s3, $0x6  }
0x421: {  	v7 =	vsel vm4, s17, v7;
	s15 =	sshrl.u32 s3, $0x1F;
	s16 =	sshra.s32 s3, $0x1F;
	s3 =	smul.u32 $0x6BCA1AF3, s22  }
0x422: {  	s22 =	sld [smem:$0x6A0];
	v7 =	vsel vm13, s21, v7;
	s21 =	spop (v2sf)  }
0x423: {  	v12 =	vsel vm2, s23, v12;
	s23 =	sshra.s32 s25, $0x1F;
	s11 =	smul.u32 $0x6BCA1AF3, s11;
	[smem:$0x6AD] =	sst s21  }
0x424: {  	v7 =	vsel vm5, s5, v7;
	s31 =	spop (v2sf);
	s5 =	smul.u32 $0x6BCA1AF3, s23;
	s21 =	sshra.s32 s21, $0x1F  }
0x425: {  	v10 =	vsel vm2, s20, v10;
	s20 =	spop (v2sf);
	[smem:$0x6A9] =	sst s21  }
0x426: {  	v9 =	vsel vm5, s13, v9;
	s13 =	sshra.s32 s6, $0x1F;
	[smem:$0x6A7] =	sst s20;
	s2 =	spop (v2sf)  }
0x427: {  	s19 =	sshra.s32 s9, $0x6;
	s1 =	smul.u32 $0x6BCA1AF3, s13;
	v7 =	vsel vm14, s10, v7;
	[smem:$0x6A8] =	sst s2  }
0x428: {  	s10 =	sshra.s32 s22, $0x1F;
	s22 =	smulhi.u32 $0x6BCA1AF3, s22;
	v7 =	vsel vm6, s14, v7;
	s2 =	sld [smem:$0x69F]  }
0x429: {  	s17 =	sshrl.u32 s9, $0x1F;
	s20 =	rddreg [dreg:$0x1f];
	v7 =	vsel vm15, s16, v7;
	s16 =	smulhi.u32 $0x6BCA1AF3, s26  }
0x42a: {  	s23 =	sshra.s32 s30, $0x1F;
	s14 =	spop (v2sf);
	s26 =	smulhi.u32 $0x6BCA1AF3, s6  }
0x42b: {  	v10 =	vcombine.low v12, v10;
	v9 =	vsel vm6, s15, v9;
	v7 =	vsel vm7, s19, v7;
	s19 =	smulhi.u32 $0x6BCA1AF3, s25;
	s25 =	sadd.s32 s3, s16;
	s15 =	sshra.s32 s2, $0x1F  }
0x42c: {  	v8 =	vperm.xlane v8, v0;
	[dreg:$0xa] =	wrdreg s25;
	s3 =	sshra.s32 s25, $0x1F;
	s25 =	smulhi.u32 $0x6BCA1AF3, s2  }
0x42d: {  	v10 =	vperm.xlane v10, v0;
	v9 =	vsel vm7, s17, v9;
	(v2sf) =	vpush v2, $0x8;
	[smem:$0x6AA] =	sst s14;
	s0 =	sadd.s32 s1, s26;
	s17 =	smul.u32 $0x6BCA1AF3, s15  }
0x42e: {  	v9 =	vperm.xlane v9, v1;
	v7 =	vperm.xlane v7, v1;
	s26 =	sld [smem:$0x6A4];
	s15 =	sadd.s32 s5, s19;
	s5 =	smul.u32 $0x6BCA1AF3, s7  }
0x42f: {  	s13 =	sshra.s32 s28, $0x1F;
	[dreg:$0x7] =	wrdreg s0;
	s7 =	smul.u32 $0x6BCA1AF3, s8  }
0x430: {  	v8 =	vsel vm8, v9, v8;
	(v2sf) =	vpush v3, $0xC;
	s14 =	sshra.s32 s4, $0x1F;
	s2 =	sld [smem:$0x6A6];
	v7 =	vsel vm8, v7, v10;
	s19 =	smul.u32 $0x6BCA1AF3, s10  }
0x431: {  	v7 =	vadd.s32 v8, v7;
	[dreg:$0x8] =	wrdreg s15;
	s16 =	sshra.s32 s15, $0x1F;
	s6 =	sshra.s32 s26, $0x1F  }
0x432: {  	v8 =	vmul.u32 $0xFFFFFF68, v7;
	s8 =	sadd.s32 s17, s25;
	s25 =	sshra.s32 s31, $0x1F;
	s10 =	sadd.s32 s5, s18  }
0x433: {  	(v2sf) =	vpush v3, $0x8;
	s5 =	smul.u32 $0x6BCA1AF3, s14;
	s7 =	sadd.s32 s7, s24;
	s14 =	sadd.s32 s11, s12  }
0x434: {  	(v2sf) =	vpush v4, $0xD;
	[tilespmem:s20+$0x0] =	vst v7;
	v7 =	vmov s3;
	s11 =	smulhi.u32 $0x6BCA1AF3, s30;
	[smem:$0x6AB] =	sst s25;
	s3 =	sshra.s32 s8, $0x6;
	v6 =	vadd.s32 v6, v8  }
0x435: {  	(v2sf) =	vpush v4, $0x9;
	s21 =	sshra.s32 s7, $0x6;
	s25 =	smulhi.u32 $0x6BCA1AF3, s4;
	[tilespmem:s20+$0x400] =	vst v6;
	s20 =	sshra.s32 s0, $0x1F  }
0x436: {  	s4 =	smul.u32 $0x6BCA1AF3, s13;
	v7 =	vsel vm3, s3, v7;
	v6 =	vmov s16;
	s16 =	sld [smem:$0x6AC];
	v8 =	vmov s20;
	s20 =	sshra.s32 s8, $0x1F  }
0x437: {  	(v2sf) =	vpush v4, $0x5;
	s15 =	sld [smem:$0x6A5];
	s17 =	sshra.s32 s7, $0x1F;
	v7 =	vsel vm9, s20, v7;
	v8 =	vsel vm3, s21, v8;
	s20 =	smulhi.u32 $0x6BCA1AF3, s28  }
0x438: {  	s19 =	sadd.s32 s19, s22;
	[smem:$0x6B7] =	sst s14;
	v8 =	vsel vm9, s17, v8;
	s17 =	smul.u32 $0x6BCA1AF3, s23  }
0x439: {  	(v2sf) =	vpush v2, $0xD;
	s12 =	smulhi.u32 $0x6BCA1AF3, s26;
	[smem:$0x6B5] =	sst s19;
	s16 =	sshra.s32 s16, $0x1F  }
0x43a: {  	s11 =	sadd.s32 s17, s11;
	s17 =	sadd.s32 s4, s20;
	s4 =	smul.u32 $0x6BCA1AF3, s6  }
0x43b: {  	(v2sf) =	vpush v2, $0x9;
	s6 =	smul.u32 $0x6BCA1AF3, s16;
	[smem:$0x6C2] =	sst s17  }
0x43c: {  	s3 =	spop (v2sf);
	[smem:$0x6BF] =	sst s11  }
0x43d: {  	s18 =	sshra.s32 s10, $0x6;
	s23 =	sshra.s32 s19, $0x6;
	[smem:$0x6B4] =	sst s3  }
0x43e: {  	s19 =	sshra.s32 s19, $0x1F;
	v7 =	vsel vm0, s23, v7;
	s20 =	sshra.s32 s11, $0x6;
	[smem:$0x6B1] =	sst s6  }
0x43f: {  	(v2sf) =	vpush v2, $0x5;
	v6 =	vsel vm3, s18, v6;
	v7 =	vsel vm10, s19, v7;
	s18 =	spop (v2sf);
	s26 =	sadd.s32 s4, s12;
	s4 =	sld [smem:$0x6A8]  }
0x440: {  	s11 =	sshra.s32 s11, $0x1F;
	v7 =	vsel vm1, s20, v7;
	[smem:$0x6AE] =	sst s18  }
0x441: {  	(v2sf) =	vpush v3, $0xD;
	v7 =	vsel vm11, s11, v7;
	s11 =	sld [smem:$0x6A9]  }
0x442: {  	s21 =	spop (v2sf);
	[smem:$0x6D1] =	sst s26  }
0x443: {  	s0 =	sshra.s32 s2, $0x1F;
	(v2sf) =	vpush v3, $0x9;
	[smem:$0x6AF] =	sst s21;
	s22 =	spop (v2sf)  }
0x444: {  	s0 =	smul.u32 $0x6BCA1AF3, s0;
	(v2sf) =	vpush v3, $0x5;
	s21 =	sadd.s32 s5, s25;
	[smem:$0x6BD] =	sst s22  }
0x445: {  	s24 =	sshra.s32 s10, $0x1F;
	s18 =	spop (v2sf);
	[smem:$0x6B6] =	sst s21  }
0x446: {  	v6 =	vsel vm9, s24, v6;
	(v2sf) =	vpush v4, $0xE;
	[smem:$0x6BE] =	sst s18;
	s24 =	spop (v2sf)  }
0x447: {  	s19 =	smulhi.u32 $0x6BCA1AF3, s2;
	[smem:$0x6B0] =	sst s24  }
0x448: {  	s9 =	sshra.s32 s29, $0x1F;
	(v2sf) =	vpush v4, $0xA;
	s13 =	spop (v2sf);
	s24 =	smulhi.u32 $0x6BCA1AF3, s29  }
0x449: {  	s29 =	sadd.s32 s0, s19;
	s0 =	smul.u32 $0x6BCA1AF3, s11;
	[smem:$0x6C0] =	sst s13  }
0x44a: {  	s23 =	spop (v2sf);
	[smem:$0x6D9] =	sst s29  }
0x44b: {  	s9 =	smul.u32 $0x6BCA1AF3, s9;
	(v2sf) =	vpush v2, $0xE;
	s25 =	sshra.s32 s21, $0x6;
	[smem:$0x6C1] =	sst s23  }
0x44c: {  	s7 =	sshrl.u32 s7, $0x1F;
	v6 =	vsel vm0, s25, v6;
	s13 =	sshra.s32 s21, $0x1F;
	[smem:$0x6B2] =	sst s0  }
0x44d: {  	s1 =	sshra.s32 s15, $0x1F;
	s15 =	smulhi.u32 $0x6BCA1AF3, s15;
	(v2sf) =	vpush v2, $0xA;
	v6 =	vsel vm10, s13, v6;
	s13 =	sld [smem:$0x6AB]  }
0x44e: {  	v11 =	vmov s7;
	(v2sf) =	vpush v3, $0xE;
	s25 =	spop (v2sf);
	s7 =	sld [smem:$0x6C0]  }
0x44f: {  	s22 =	sshra.s32 s14, $0x6;
	s5 =	sadd.s32 s9, s24;
	[smem:$0x6C3] =	sst s25  }
0x450: {  	(v2sf) =	vpush v3, $0xA;
	s24 =	sshra.s32 s17, $0x6;
	s30 =	spop (v2sf);
	[smem:$0x6C6] =	sst s5  }
0x451: {  	s28 =	sshra.s32 s14, $0x1F;
	(v2sf) =	vpush v4, $0xF;
	v8 =	vsel vm0, s22, v8;
	s17 =	sshra.s32 s17, $0x1F;
	v6 =	vsel vm1, s24, v6;
	[smem:$0x6C4] =	sst s30  }
0x452: {  	v8 =	vsel vm10, s28, v8;
	s14 =	sshra.s32 s5, $0x6;
	s23 =	spop (v2sf);
	v6 =	vsel vm11, s17, v6;
	s17 =	sld [smem:$0x6AC]  }
0x453: {  	(v2sf) =	vpush v4, $0xB;
	s2 =	sshra.s32 s5, $0x1F;
	v8 =	vsel vm1, s14, v8;
	[smem:$0x6C5] =	sst s23;
	s21 =	spop (v2sf)  }
0x454: {  	(v2sf) =	vpush v4, $0x6;
	v8 =	vsel vm11, s2, v8;
	s2 =	sld [smem:$0x6A7];
	s0 =	smul.u32 $0x6BCA1AF3, s13  }
0x455: {  	(v2sf) =	vpush v2, $0xF;
	[smem:$0x6C7] =	sst s21;
	s22 =	spop (v2sf)  }
0x456: {  	s1 =	smul.u32 $0x6BCA1AF3, s1;
	(v2sf) =	vpush v2, $0xB;
	[smem:$0x6D0] =	sst s22  }
0x457: {  	(v2sf) =	vpush v2, $0x6;
	s25 =	spop (v2sf);
	[smem:$0x6B3] =	sst s0  }
0x458: {  	(v2sf) =	vpush v3, $0xF;
	s6 =	smulhi.u32 $0x6BCA1AF3, s17;
	s17 =	sshra.s32 s3, $0x1F;
	s3 =	sld [smem:$0x6AD]  }
0x459: {  	(v2sf) =	vpush v3, $0xB;
	s22 =	sadd.s32 s1, s15;
	[smem:$0x6D2] =	sst s25  }
0x45a: {  	s25 =	spop (v2sf);
	[smem:$0x6D5] =	sst s22  }
0x45b: {  	s1 =	sshra.s32 s2, $0x1F;
	[smem:$0x6D3] =	sst s25  }
0x45c: {  	s24 =	spop (v2sf);
	s1 =	smul.u32 $0x6BCA1AF3, s1  }
0x45d: {  	(v2sf) =	vpush v3, $0x6;
	[smem:$0x6D4] =	sst s24;
	s20 =	spop (v2sf)  }
0x45e: {  	[smem:$0x6D6] =	sst s20  }
0x45f: {  	s14 =	spop (v2sf);
	[smem:$0x6B8] =	sst s1  }
0x460: {  	[smem:$0x6D7] =	sst s14;
	s5 =	spop (v2sf)  }
0x461: {  	[dreg:$0x1a] =	wrdreg s5  }
0x462: {  	s9 =	spop (v2sf);
	s5 =	sld [smem:$0x6AA]  }
0x463: {  	[dreg:$0x1e] =	wrdreg s9;
	s12 =	spop (v2sf)  }
0x464: {  	[smem:$0x732] =	sst s12;
	s15 =	spop (v2sf)  }
0x465: {  	s12 =	sld [smem:$0x6AE];
	s19 =	spop (v2sf)  }
0x466: {  	[smem:$0x735] =	sst s15;
	s9 =	spop (v2sf)  }
0x467: {  	[smem:$0x736] =	sst s19;
	s11 =	spop (v2sf)  }
0x468: {  	[smem:$0x739] =	sst s11;
	s11 =	spop (v2sf)  }
0x469: {  	s28 =	sshra.s32 s4, $0x1F;
	[dreg:$0x1d] =	wrdreg s11;
	s11 =	sshrl.u32 s10, $0x1F  }
0x46a: {  	s19 =	smulhi.u32 $0x6BCA1AF3, s3;
	s3 =	sshrl.u32 s8, $0x1F;
	v10 =	vmov s11;
	s11 =	sld [smem:$0x6BD]  }
0x46b: {  	s15 =	smulhi.u32 $0x6BCA1AF3, s31;
	[smem:$0x738] =	sst s9;
	v9 =	vmov s3;
	s3 =	sshra.s32 s22, $0x6  }
0x46c: {  	s9 =	sld [smem:$0x6AF];
	s22 =	sshra.s32 s22, $0x1F;
	v6 =	vsel vm2, s3, v6;
	s31 =	spop (v2sf)  }
0x46d: {  	v6 =	vsel vm12, s22, v6;
	s22 =	sld [smem:$0x6D0];
	s10 =	sshra.s32 s11, $0x1F;
	s11 =	sshra.s32 s18, $0x1F  }
0x46e: {  	s18 =	smul.u32 $0x6BCA1AF3, s28;
	s28 =	sshra.s32 s7, $0x1F;
	s7 =	sld [smem:$0x6C1]  }
0x46f: {  	s8 =	sshra.s32 s26, $0x6;
	[dreg:$0x19] =	wrdreg s31  }
0x470: {  	v7 =	vsel vm2, s8, v7;
	s8 =	sshra.s32 s29, $0x6;
	s3 =	smov.u32 s29;
	[smem:$0x6B9] =	sst s18  }
0x471: {  	s10 =	smul.u32 $0x6BCA1AF3, s10;
	s29 =	sshra.s32 s7, $0x1F;
	s7 =	sld [smem:$0x6C3]  }
0x472: {  	s18 =	sld [smem:$0x6B0]  }
0x473: {  	s0 =	sshra.s32 s12, $0x1F;
	[smem:$0x6C8] =	sst s10  }
0x474: {  	s1 =	sshra.s32 s7, $0x1F;
	s7 =	sshra.s32 s30, $0x1F;
	s30 =	smul.u32 $0x6BCA1AF3, s0  }
0x475: {  	s16 =	sshra.s32 s5, $0x1F;
	s0 =	smulhi.u32 $0x6BCA1AF3, s5;
	s5 =	sld [smem:$0x6D2]  }
0x476: {  	[smem:$0x6BA] =	sst s1  }
0x477: {  	[smem:$0x6BB] =	sst s7;
	s1 =	sshra.s32 s23, $0x1F  }
0x478: {  	s7 =	sshra.s32 s26, $0x1F;
	s26 =	sshra.s32 s21, $0x1F;
	s21 =	sld [smem:$0x6B2]  }
0x479: {  	v8 =	vsel vm2, s8, v8;
	s8 =	sshra.s32 s18, $0x1F;
	[smem:$0x6BC] =	sst s1  }
0x47a: {  	s8 =	smul.u32 $0x6BCA1AF3, s8;
	s23 =	sshra.s32 s3, $0x1F;
	v7 =	vsel vm12, s7, v7;
	s7 =	sld [smem:$0x6B1]  }
0x47b: {  	s16 =	smul.u32 $0x6BCA1AF3, s16;
	v8 =	vsel vm12, s23, v8;
	s23 =	sld [smem:$0x6B3]  }
0x47c: {  	s3 =	smulhi.u32 $0x6BCA1AF3, s4;
	[smem:$0x6CA] =	sst s8  }
0x47d: {  	s1 =	sshra.s32 s5, $0x1F;
	s5 =	sadd.s32 s16, s0;
	s16 =	rddreg [dreg:$0x1e]  }
0x47e: {  	[smem:$0x6C9] =	sst s1;
	s4 =	sadd.s32 s7, s6;
	s6 =	sadd.s32 s21, s19  }
0x47f: {  	s19 =	sshra.s32 s22, $0x1F;
	s7 =	sadd.s32 s23, s15;
	s21 =	sld [smem:$0x6B4]  }
0x480: {  	s15 =	sshra.s32 s25, $0x1F;
	s22 =	sshra.s32 s24, $0x1F;
	s24 =	sld [smem:$0x6B5]  }
0x481: {  	[smem:$0x6CC] =	sst s15  }
0x482: {  	s23 =	sshra.s32 s20, $0x1F;
	[smem:$0x6CD] =	sst s22  }
0x483: {  	s13 =	sshra.s32 s9, $0x1F;
	[smem:$0x6CE] =	sst s23  }
0x484: {  	s23 =	smulhi.u32 $0x6BCA1AF3, s9;
	s9 =	sshra.s32 s14, $0x1F;
	s14 =	sld [smem:$0x6B6]  }
0x485: {  	s22 =	sld [smem:$0x6B7]  }
0x486: {  	[dreg:$0x17] =	wrdreg s4  }
0x487: {  	[dreg:$0x15] =	wrdreg s6  }
0x488: {  	s15 =	smulhi.u32 $0x6BCA1AF3, s12;
	[dreg:$0x13] =	wrdreg s7  }
0x489: {  	s12 =	sshra.s32 s4, $0x6;
	s10 =	sshra.s32 s7, $0x6;
	[smem:$0x6CF] =	sst s9  }
0x48a: {  	s9 =	smul.u32 $0x6BCA1AF3, s11;
	s11 =	sld [smem:$0x6B9];
	v8 =	vsel vm4, s10, v8;
	s10 =	sshra.s32 s16, $0x1F  }
0x48b: {  	v9 =	vnsel vm3, $0x0, v9;
	v7 =	vsel vm4, s12, v7;
	s12 =	smul.u32 $0x6BCA1AF3, s28;
	s25 =	sshrl.u32 s24, $0x1F;
	[smem:$0x6DA] =	sst s10  }
0x48c: {  	v9 =	vsel vm0, s25, v9;
	s25 =	sld [smem:$0x6B8]  }
0x48d: {  	s1 =	smulhi.u32 $0x6BCA1AF3, s21;
	[smem:$0x6CB] =	sst s12  }
0x48e: {  	s21 =	sshra.s32 s6, $0x6;
	s20 =	sshrl.u32 s14, $0x1F;
	s14 =	rddreg [dreg:$0x1a]  }
0x48f: {  	v6 =	vsel vm4, s21, v6;
	s21 =	sadd.s32 s30, s15;
	s15 =	sld [smem:$0x6BA]  }
0x490: {  	s17 =	smul.u32 $0x6BCA1AF3, s17;
	s24 =	sshrl.u32 s22, $0x1F;
	s22 =	sld [smem:$0x6BB]  }
0x491: {  	s12 =	sld [smem:$0x738]  }
0x492: {  	s8 =	sadd.s32 s17, s1;
	s17 =	sld [smem:$0x732]  }
0x493: {  	s13 =	smul.u32 $0x6BCA1AF3, s13;
	s3 =	sadd.s32 s11, s3;
	s11 =	sld [smem:$0x6BC]  }
0x494: {  	s2 =	smulhi.u32 $0x6BCA1AF3, s2;
	s0 =	sshra.s32 s14, $0x1F;
	s14 =	sld [smem:$0x6BD]  }
0x495: {  	v10 =	vnsel vm3, $0x0, v10;
	[smem:$0x6D8] =	sst s0;
	s0 =	sadd.s32 s13, s23  }
0x496: {  	v10 =	vsel vm0, s20, v10;
	s23 =	sld [smem:$0x735];
	s20 =	sadd.s32 s25, s2;
	s2 =	smul.u32 $0x6BCA1AF3, s29  }
0x497: {  	v11 =	vnsel vm3, $0x0, v11;
	s13 =	sld [smem:$0x739];
	s1 =	smul.u32 $0x6BCA1AF3, s15  }
0x498: {  	v11 =	vsel vm0, s24, v11;
	s24 =	smul.u32 $0x6BCA1AF3, s22;
	s25 =	sld [smem:$0x736]  }
0x499: {  	s29 =	sshra.s32 s12, $0x1F;
	s15 =	rddreg [dreg:$0x1d];
	s10 =	sshra.s32 s17, $0x1F  }
0x49a: {  	s17 =	smul.u32 $0x6BCA1AF3, s26;
	s22 =	sshra.s32 s15, $0x1F;
	s26 =	sshrl.u32 s20, $0x1F  }
0x49b: {  	s16 =	sshra.s32 s23, $0x1F;
	v12 =	vmov s26;
	s26 =	sld [smem:$0x6BF];
	s23 =	sshra.s32 s25, $0x1F  }
0x49c: {  	s25 =	sshra.s32 s31, $0x1F;
	s31 =	smov.u32 s22;
	s22 =	sld [smem:$0x6BE]  }
0x49d: {  	s20 =	sshra.s32 s20, $0x6;
	[smem:$0x6DB] =	sst s10;
	s10 =	smul.u32 $0x6BCA1AF3, s11  }
0x49e: {  	s11 =	smulhi.u32 $0x6BCA1AF3, s14;
	[smem:$0x73B] =	sst s25;
	s25 =	sshrl.u32 s3, $0x1F  }
0x49f: {  	s12 =	sshrl.u32 s26, $0x1F;
	s26 =	sld [smem:$0x6C0];
	s15 =	smulhi.u32 $0x6BCA1AF3, s22  }
0x4a0: {  	s14 =	sld [smem:$0x6C1];
	v13 =	vmov s25;
	s25 =	sshra.s32 s4, $0x1F;
	s22 =	smulhi.u32 $0x6BCA1AF3, s18  }
0x4a1: {  	v9 =	vsel vm1, s12, v9;
	v7 =	vsel vm13, s25, v7;
	s12 =	sshrl.u32 s5, $0x1F;
	s18 =	sshrl.u32 s8, $0x1F;
	s25 =	sld [smem:$0x6C2]  }
0x4a2: {  	v14 =	vmov s20;
	v18 =	vmov s12;
	s12 =	sshra.s32 s8, $0x6;
	s20 =	smulhi.u32 $0x6BCA1AF3, s26;
	s26 =	sld [smem:$0x6C3]  }
0x4a3: {  	v19 =	vmov s18;
	s18 =	sshra.s32 s6, $0x1F;
	s6 =	sshrl.u32 s21, $0x1F;
	v22 =	vmov s12;
	s12 =	sld [smem:$0x6C5]  }
0x4a4: {  	s3 =	sshra.s32 s3, $0x6;
	v24 =	vmov s6;
	s6 =	sld [smem:$0x6C7]  }
0x4a5: {  	v15 =	vmov s3;
	s21 =	sshra.s32 s21, $0x6;
	s3 =	sshrl.u32 s25, $0x1F;
	s25 =	sld [smem:$0x6C4]  }
0x4a6: {  	s7 =	sshra.s32 s7, $0x1F;
	v62 =	vmov s21;
	s21 =	sld [smem:$0x6CB]  }
0x4a7: {  	s14 =	smulhi.u32 $0x6BCA1AF3, s14;
	v23 =	vsel vm13, s18, v6;
	v6 =	vsel vm13, s7, v8;
	s7 =	sld [smem:$0x6CD]  }
0x4a8: {  	s8 =	smulhi.u32 $0x6BCA1AF3, s25;
	s25 =	sld [smem:$0x6C6]  }
0x4a9: {  	s18 =	sshrl.u32 s0, $0x1F;
	s9 =	sadd.s32 s9, s15;
	s15 =	rddreg [dreg:$0x12]  }
0x4aa: {  	s5 =	sshra.s32 s5, $0x6;
	v25 =	vmov s18;
	s18 =	sld [smem:$0x6C9];
	v20 =	vsel vm1, s3, v10;
	s3 =	smul.u32 $0x6BCA1AF3, s19  }
0x4ab: {  	s26 =	smulhi.u32 $0x6BCA1AF3, s26;
	s4 =	sshrl.u32 s25, $0x1F;
	s25 =	sld [smem:$0x6CC]  }
0x4ac: {  	v21 =	vmov s5;
	s5 =	smulhi.u32 $0x6BCA1AF3, s12;
	s12 =	sld [smem:$0x6C8]  }
0x4ad: {  	s0 =	sshra.s32 s0, $0x6;
	s19 =	sld [smem:$0x6CA];
	s28 =	smulhi.u32 $0x6BCA1AF3, s6  }
0x4ae: {  	v63 =	vmov s0;
	s0 =	sadd.s32 s21, s20;
	s20 =	sld [smem:$0x6CF];
	v27 =	vsel vm1, s4, v11;
	s4 =	smul.u32 $0x6BCA1AF3, s25  }
0x4af: {  	s6 =	sadd.s32 s12, s11;
	s11 =	sadd.s32 s1, s26;
	s26 =	sld [smem:$0x6D1]  }
0x4b0: {  	p0 =	por !p0, !p0;
	s2 =	sadd.s32 s2, s14;
	[smem:$0x726] =	sst s4  }
0x4b1: {  	s21 =	smul.u32 $0x6BCA1AF3, s7;
	s4 =	sadd.s32 s24, s8;
	s24 =	sld [smem:$0x6D0]  }
0x4b2: {  	s22 =	sadd.s32 s19, s22;
	s12 =	smul.u32 $0x6BCA1AF3, s18;
	s8 =	sld [smem:$0x6CE]  }
0x4b3: {  	s5 =	sadd.s32 s10, s5;
	s19 =	smul.u32 $0x6BCA1AF3, s20;
	s25 =	sshrl.u32 s9, $0x1F  }
0x4b4: {  	s20 =	smulhi.u32 $0x6BCA1AF3, s24;
	s24 =	sshra.s32 s9, $0x6;
	s9 =	sld [smem:$0x6D3]  }
0x4b5: {  	s18 =	smul.u32 $0x6BCA1AF3, s8;
	s8 =	sshrl.u32 s26, $0x1F;
	s26 =	sshrl.u32 s0, $0x1F  }
0x4b6: {  	s14 =	sshrl.u32 s6, $0x1F;
	v11 =	vsel vm0, s25, v13;
	s25 =	sshra.s32 s22, $0x6;
	v16 =	vsel vm0, s24, v15;
	v15 =	vsel vm0, s26, v18;
	s26 =	sld [smem:$0x6D5]  }
0x4b7: {  	s24 =	smov.u32 s22;
	s22 =	smulhi.u32 $0x6BCA1AF3, s9;
	s9 =	sld [smem:$0x6D6]  }
0x4b8: {  	s10 =	sadd.s32 s17, s28;
	s17 =	sshra.s32 s6, $0x6;
	v10 =	vsel vm0, s14, v12;
	s14 =	sld [smem:$0x6D2]  }
0x4b9: {  	v13 =	vsel vm0, s17, v14;
	s17 =	sshrl.u32 s2, $0x1F;
	v14 =	vsel vm5, s25, v7;
	s25 =	sld [smem:$0x6D4];
	s6 =	sshrl.u32 s26, $0x1F  }
0x4ba: {  	s13 =	sshra.s32 s13, $0x1F;
	v12 =	vsel vm0, s17, v19;
	v19 =	vsel vm2, s6, v20;
	s6 =	smulhi.u32 $0x6BCA1AF3, s9;
	s9 =	sld [smem:$0x6D8]  }
0x4bb: {  	s7 =	rddreg [dreg:$0x11];
	s14 =	smulhi.u32 $0x6BCA1AF3, s14;
	s26 =	sshrl.u32 s4, $0x1F  }
0x4bc: {  	s30 =	smulhi.u32 $0x6BCA1AF3, s25;
	v17 =	vsel vm2, s8, v9;
	s8 =	sshra.s32 s2, $0x6;
	v26 =	vsel vm0, s26, v24;
	s26 =	sld [smem:$0x6DA]  }
0x4bd: {  	s17 =	sshra.s32 s11, $0x6;
	v20 =	vsel vm0, s8, v22;
	s8 =	sld [smem:$0x6D7];
	s1 =	smul.u32 $0x6BCA1AF3, s9  }
.Ltmp1:
0x4be: {  	s25 =	smov.u32 s11;
	v22 =	vsel vm5, s17, v23;
	s17 =	sld [smem:$0x6D9];
	(pc) =	sbr.rel @p1 .LBB2_4-.Ltmp1, $4  }
0x4bf: {  	s11 =	sshrl.u32 s5, $0x1F;
	s9 =	smul.u32 $0x6BCA1AF3, s26;
	s26 =	sld [smem:$0x6DB]  }
0x4c0: {  	s0 =	sshra.s32 s0, $0x6;
	v24 =	vsel vm0, s11, v25;
	s11 =	sshra.s32 s4, $0x6;
	s4 =	rddreg [dreg:$0xe]  }
0x4c1: {  	v18 =	vsel vm0, s0, v21;
	s8 =	smulhi.u32 $0x6BCA1AF3, s8;
	s2 =	sshrl.u32 s17, $0x1F;
	s17 =	sshra.s32 s5, $0x6  }
0x4c2: {  	v25 =	vsel vm0, s11, v62;
	v23 =	vsel vm2, s2, v27;
	v21 =	vsel vm0, s17, v63;
	s28 =	smul.u32 $0x6BCA1AF3, s26;
	s26 =	smov.u32 s10;
	s10 =	sshra.s32 s10, $0x6  }
0x4c3: {  	s11 =	smul.u32 $0x6BCA1AF3, s13;
	s13 =	rddreg [dreg:$0x1a]  }
0x4c4: {  	s0 =	smul.u32 $0x6BCA1AF3, s16;
	s4 =	rddreg [dreg:$0x1e]  }
0x4c5: {  	s5 =	smul.u32 $0x6BCA1AF3, s23;
	s16 =	sld [smem:$0x732]  }
0x4c6: {  	s17 =	smov.u32 s12;
	s23 =	sadd.s32 s21, s30;
	s21 =	sld [smem:$0x736]  }
0x4c7: {  	s29 =	smul.u32 $0x6BCA1AF3, s29;
	s14 =	sadd.s32 s17, s14;
	s17 =	sld [smem:$0x735]  }
0x4c8: {  	s4 =	smulhi.u32 $0x6BCA1AF3, s4;
	[smem:$0x690] =	sst s0  }
0x4c9: {  	s0 =	smulhi.u32 $0x6BCA1AF3, s13;
	s13 =	sadd.s32 s3, s20;
	s20 =	sld [smem:$0x726]  }
0x4ca: {  	s6 =	sadd.s32 s18, s6;
	s8 =	sadd.s32 s19, s8;
	s12 =	smulhi.u32 $0x6BCA1AF3, s16  }
0x4cb: {  	s9 =	sadd.s32 s9, s4;
	s16 =	sld [smem:$0x739];
	s3 =	smulhi.u32 $0x6BCA1AF3, s17  }
0x4cc: {  	s18 =	sld [smem:$0x690];
	s2 =	sadd.s32 s20, s22;
	s20 =	smulhi.u32 $0x6BCA1AF3, s21  }
0x4cd: {  	s22 =	sld [smem:$0x738];
	s21 =	sadd.s32 s1, s0;
	s0 =	sadd.s32 s28, s12  }
0x4ce: {  	s28 =	sshrl.u32 s13, $0x1F;
	s13 =	sshra.s32 s13, $0x6;
	s17 =	smulhi.u32 $0x6BCA1AF3, s16  }
0x4cf: {  	s4 =	sadd.s32 s18, s3;
	v7 =	vsel vm1, s28, v10;
	s16 =	rddreg [dreg:$0x1d];
	s28 =	sshra.s32 s23, $0x6  }
0x4d0: {  	s3 =	sadd.s32 s5, s20;
	s5 =	smul.u32 $0x6BCA1AF3, s31;
	s20 =	sld [smem:$0x73B]  }
0x4d1: {  	s31 =	sshrl.u32 s2, $0x1F;
	s2 =	sshra.s32 s2, $0x6;
	v45 =	vsel vm1, s28, v20;
	s28 =	sshra.s32 s0, $0x6  }
0x4d2: {  	s30 =	smulhi.u32 $0x6BCA1AF3, s22;
	s18 =	sadd.s32 s11, s17;
	s22 =	rddreg [dreg:$0x17]  }
0x4d3: {  	v42 =	vsel vm1, s31, v15;
	v44 =	vsel vm1, s2, v18;
	s31 =	sshrl.u32 s8, $0x1F;
	s2 =	rddreg [dreg:$0x19];
	s8 =	sshra.s32 s8, $0x6  }
0x4d4: {  	s17 =	sshra.s32 s26, $0x1F;
	s11 =	sshrl.u32 s22, $0x1F;
	s22 =	sshrl.u32 s23, $0x1F  }
0x4d5: {  	v6 =	vsel vm5, s10, v6;
	v48 =	vsel vm1, s31, v24;
	s23 =	sshra.s32 s21, $0x6;
	s31 =	sshrl.u32 s3, $0x1F;
	s3 =	sshra.s32 s3, $0x6  }
0x4d6: {  	v6 =	vsel vm14, s17, v6;
	s17 =	sshra.s32 s0, $0x1F;
	s0 =	sshrl.u32 s0, $0x1F;
	s1 =	sadd.s32 s29, s30  }
0x4d7: {  	v39 =	vsel vm1, s13, v13;
	v21 =	vsel vm1, s8, v21;
	s19 =	smul.u32 $0x6BCA1AF3, s20;
	s29 =	sshrl.u32 s14, $0x1F;
	s14 =	sshra.s32 s14, $0x6;
	v9 =	vsel vm4, s11, v17  }
0x4d8: {  	s30 =	rddreg [dreg:$0x15];
	s11 =	smulhi.u32 $0x6BCA1AF3, s16;
	s20 =	sshra.s32 s24, $0x1F;
	v12 =	vsel vm1, s22, v12;
	v10 =	vsel vm2, s23, v39;
	v17 =	vsel vm2, s3, v45  }
0x4d9: {  	s16 =	rddreg [dreg:$0x13];
	s22 =	sshrl.u32 s24, $0x1F;
	s10 =	sshrl.u32 s30, $0x1F;
	v8 =	vsel vm1, s29, v11;
	v40 =	vsel vm1, s14, v16;
	v41 =	vsel vm14, s20, v14  }
0x4da: {  	s29 =	sshra.s32 s25, $0x1F;
	s30 =	sshrl.u32 s6, $0x1F;
	s12 =	sshrl.u32 s16, $0x1F;
	v9 =	vsel vm5, s22, v9;
	v12 =	vsel vm2, s31, v12;
	v43 =	vsel vm4, s10, v19  }
0x4db: {  	s24 =	sshra.s32 s9, $0x6;
	s6 =	sshra.s32 s6, $0x6;
	s20 =	sshrl.u32 s9, $0x1F;
	v46 =	vsel vm14, s29, v22;
	v47 =	vsel vm1, s30, v26;
	v49 =	vsel vm4, s12, v23  }
0x4dc: {  	s9 =	sshrl.u32 s26, $0x1F;
	s10 =	sadd.s32 s5, s11;
	v50 =	vsel vm1, s6, v25;
	v8 =	vsel vm2, s20, v8;
	s29 =	sshrl.u32 s25, $0x1F;
	v13 =	vsel vm6, s28, v41  }
0x4dd: {  	s11 =	smulhi.u32 $0x6BCA1AF3, s2;
	s30 =	sshrl.u32 s4, $0x1F;
	v11 =	vsel vm2, s24, v40;
	s2 =	sshra.s32 s1, $0x6;
	v9 =	vsel vm6, s0, v9;
	v15 =	vsel vm5, s29, v43  }
0x4de: {  	s14 =	sshra.s32 s18, $0x6;
	s4 =	sshra.s32 s4, $0x6;
	s12 =	sshrl.u32 s18, $0x1F;
	v14 =	vsel vm2, s30, v42;
	v18 =	vsel vm6, s2, v46;
	v22 =	vsel vm5, s9, v49  }
0x4df: {  	s18 =	sshrl.u32 s1, $0x1F;
	v16 =	vsel vm2, s4, v44;
	s13 =	sshrl.u32 s10, $0x1F;
	v19 =	vsel vm2, s12, v47;
	v23 =	vsel vm2, s14, v50  }
0x4e0: {  	s1 =	sshra.s32 s1, $0x1F;
	s20 =	rddreg [dreg:$0xa];
	s16 =	sshra.s32 s10, $0x6;
	v13 =	vsel vm15, s17, v13;
	v51 =	vcombine.low v11, v10;
	v20 =	vsel vm2, s13, v48  }
0x4e1: {  	s23 =	rddreg [dreg:$0x8];
	s22 =	sshra.s32 s20, $0x6;
	v21 =	vsel vm2, s16, v21;
	v18 =	vsel vm15, s1, v18;
	v15 =	vsel vm6, s18, v15  }
0x4e2: {  	s5 =	sadd.s32 s19, s11;
	s19 =	sshrl.u32 s21, $0x1F;
	s21 =	sshrl.u32 s20, $0x1F;
	v52 =	vcombine.low v12, v14;
	v53 =	vsel vm7, s22, v13;
	v55 =	vcombine.low v17, v16  }
0x4e3: {  	s24 =	sshrl.u32 s23, $0x1F;
	v7 =	vsel vm2, s19, v7;
	v9 =	vsel vm7, s21, v9;
	v56 =	vcombine.low v20, v19  }
0x4e4: {  	s25 =	sshra.s32 s23, $0x6;
	v54 =	vsel vm7, s24, v15;
	v57 =	vcombine.low v21, v23;
	v11 =	vperm.xlane v53, v1  }
0x4e5: {  	s11 =	sshra.s32 s5, $0x6;
	v58 =	vsel vm7, s25, v18;
	v7 =	vcombine.low v8, v7;
	v9 =	vperm.xlane v9, v1  }
0x4e6: {  	s26 =	rddreg [dreg:$0x7];
	s19 =	sshrl.u32 s5, $0x1F;
	v6 =	vsel vm6, s11, v6;
	v12 =	vperm.xlane v54, v1;
	v16 =	vperm.xlane v58, v1  }
0x4e7: {  	s28 =	sshrl.u32 s26, $0x1F;
	v22 =	vsel vm6, s19, v22;
	v8 =	vperm.xlane v51, v0;
	v10 =	vperm.xlane v52, v0  }
0x4e8: {  	s29 =	sshra.s32 s5, $0x1F;
	v60 =	vperm.xlane v55, v0;
	v59 =	vsel vm7, s28, v22;
	v7 =	vperm.xlane v7, v0  }
0x4e9: {  	v6 =	vsel vm15, s29, v6;
	v61 =	vperm.xlane v56, v0;
	v62 =	vperm.xlane v57, v0  }
0x4ea: {  	s30 =	sshra.s32 s26, $0x6;
	v17 =	vperm.xlane v59, v1;
	v8 =	vsel vm8, v11, v8;
	v7 =	vsel vm8, v9, v7  }
0x4eb: {  	v6 =	vsel vm7, s30, v6;
	v10 =	vsel vm8, v12, v10;
	v7 =	vadd.s32 v7, v8  }
0x4ec: {  	v6 =	vperm.xlane v6, v1;
	v9 =	vsel vm8, v16, v60;
	v63 =	vmul.u32 $0xFFFFFF68, v7  }
0x4ed: {  	s31 =	rddreg [dreg:$0x6];
	v11 =	vsel vm8, v17, v61;
	v9 =	vadd.s32 v10, v9  }
0x4ee: {  	v6 =	vsel vm8, v6, v62;
	[tilespmem:s31+$0x0] =	vst v7;
	v7 =	vmul.u32 $0xFFFFFF68, v9;
	v4 =	vadd.s32 v4, v63  }
0x4ef: {  	[tilespmem:s31+$0x400] =	vst v4;
	v4 =	vadd.s32 v11, v6  }
0x4f0: {  	[tilespmem:s15+$0x0] =	vst v9;
	v2 =	vadd.s32 v2, v7;
	v6 =	vmul.u32 $0xFFFFFF68, v4  }
0x4f1: {  	[tilespmem:s15+$0x400] =	vst v2  }
0x4f2: {  	s23 =	simm.s32 $0xE800;
	[tilespmem:s7+$0x0] =	vst v4;
	v2 =	vadd.s32 v3, v6  }
0x4f3: {  	s26 =	simm.s32 $0x0;
	s20 =	rddreg [dreg:$0x0];
	s22 =	simm.s32 $0x5000;
	[tilespmem:s7+$0x400] =	vst v2  }
0x4f4: {  	s24 =	simm.s32 $0x1;
	s25 =	simm.s32 $0x2;
	s21 =	sld [smem:$0x7FD]  }
.LBB2_6:
0x4f5: {  	s0 =	sshll.u32 s26, $0x1;
	p0 =	seq.s32 s26, $0xF  }
0x4f6: {  	s1 =	sadd.s32 @!p0 $0x2, s0  }
0x4f7: {  	s2 =	sshrl.u32 @!p0 s1, $0x4;
	s1 =	sand.u32 @!p0 $0xE, s1  }
0x4f8: {  	s2 =	sadd.s32 @!p0 s21, s2;
	s1 =	smul.u32 @!p0 $0x9800, s1  }
0x4f9: {  	_ =	swait.ge [sflag:s24], $0x9800;
	s15 =	sshrl.u32 s26, $0x3;
	s2 =	smul.u32 @!p0 $0x98000, s2  }
0x4fa: {  	s16 =	simm.s32 $0x0;
	s17 =	simm.s32 $0x0;
	[sflag:s24] =	ssyncset.done $0x0  }
0x4fb: {  	s3 =	simm.s32 @!p0 $0x5000;
	s9 =	sshll.u32 s15, $0x7;
	s1 =	sadd.s32 @!p0 s1, s2  }
0x4fc: {  	s5 =	sand.u32 $0x60, s16;
	s18 =	sand.u32 $0xFFFFFF00, s17;
	s1 =	sshrl.u32 @!p0 s1, $0x3  }
0x4fd: {  	[sflag:s24] =	ssyncadd.s32 $0xFFFF6800;
	s2 =	simm.s32 @!p0 $0x0;
	s1 =	sadd.s32 @!p0 s20, s1  }
0x4fe: {  	[tilespmem:s3], [sflag:$0x1] =	stream.linear.gather @!p0 [hbm4b:s1+s2], $0x9800, $0x38;
	[tilespmem:$0x18080] =	vst v63  }
0x4ff: {  	s4 =	sor.u32 $0x10, s5;
	s3 =	sadd.s32 s9, s18  }
0x500: {  	s1 =	sor.u32 s4, s3  }
0x501: {  	s3 =	sor.u32 s5, s3;
	v2 =	vld [tilespmem:s1+$0x0]  }
0x502: {  	v3 =	vld [tilespmem:s3+$0x400]  }
0x503: {  	v4 =	vld [tilespmem:s3+$0x0];
	_ =	sdelay $0x1  }
0x504: {  	s7 =	simm.s32 $0x40;
	s19 =	simm.s32 $0x20;
	s8 =	sshll.u32 s26, $0xA;
	v6 =	vld [tilespmem:s1+$0x400]  }
0x505: {  	s12 =	sshll.u32 s26, $0x8;
	s6 =	sshll.u32 s15, $0xD;
	s7 =	sand.u32 $0xFFFFFF00, s7  }
0x506: {  	s8 =	ssub.s32 s8, s6;
	s10 =	sadd.s32 s9, s7;
	s2 =	sand.u32 $0x60, s19;
	v7 =	vand.u32 $0x7F, v3;
	v8 =	vshll.u32 v2, $0x8  }
0x507: {  	s11 =	sand.u32 $0xFFFFF000, s8;
	s7 =	sor.u32 $0x10, s2;
	s13 =	sor.u32 s2, s10;
	v2 =	vshll.u32 v2, $0x7;
	v9 =	vshll.u32 v4, $0x8;
	v3 =	vshll.u32 v3, $0x3  }
0x508: {  	s12 =	sand.u32 $0x300, s12;
	s6 =	sadd.s32 s11, s6;
	s8 =	sor.u32 s7, s10;
	v12 =	vld [tilespmem:s13+$0x400];
	v4 =	vshll.u32 v4, $0x7;
	v9 =	vand.u32 $0xFFFFF800, v9;
	v3 =	vand.u32 $0xFFFFFC00, v3  }
0x509: {  	s28 =	simm.s32 $0x0;
	s6 =	sor.u32 s12, s6;
	v11 =	vld [tilespmem:s8+$0x0];
	v10 =	vshll.u32 v6, $0x3;
	v4 =	vand.u32 $0x380, v4;
	v3 =	vadd.s32 v9, v3  }
0x50a: {  	s6 =	sadd.s32 $0x1000, s6;
	s10 =	sand.u32 $0x3FFFFC00, s28;
	v9 =	vand.u32 $0xFFFFFC00, v10;
	v10 =	vld [tilespmem:s13+$0x0];
	v3 =	vor.u32 v4, v3;
	v4 =	vand.u32 $0xFFFFF800, v8  }
0x50b: {  	s29 =	simm.s32 $0x80;
	s11 =	simm.s32 $0x40;
	s10 =	sadd.s32 s10, s6;
	v2 =	vand.u32 $0x380, v2;
	v8 =	vld [tilespmem:s8+$0x400];
	v7 =	vor.u32 v7, v3;
	v3 =	vadd.s32 v4, v9  }
0x50c: {  	s12 =	sand.u32 $0xFFFFFF00, s29;
	s30 =	sadd.s32 s4, s10;
	s4 =	sand.u32 $0x60, s11;
	v4 =	vand.u32 $0x7F, v6;
	v2 =	vor.u32 v2, v3;
	v3 =	vld [tilespmem:s3+$0xC00]  }
0x50d: {  	s12 =	sadd.s32 s9, s12;
	s10 =	sadd.s32 s5, s10;
	s5 =	sor.u32 $0x10, s4;
	v13 =	vor.u32 v4, v2;
	v2 =	vld [tilespmem:s30+$0x0]  }
0x50e: {  	s3 =	sor.u32 s5, s12;
	v4 =	vld [tilespmem:s10+$0x0]  }
0x50f: {  	v14 =	vand.u32 $0x7F, v12;
	v15 =	vshll.u32 v11, $0x8;
	v9 =	vld [tilespmem:s3+$0x0]  }
0x510: {  	v16 =	vshll.u32 v11, $0x7;
	v11 =	vshll.u32 v12, $0x3;
	s10 =	sor.u32 s4, s12;
	v6 =	vld.idx.msk [tilespmem:v7+s22+$0x0], $0xffff;
	v7 =	vshll.u32 v10, $0x8  }
0x511: {  	v11 =	vand.u32 $0xFFFFFC00, v11;
	v17 =	vshll.u32 v10, $0x7;
	v10 =	vld [tilespmem:s10+$0x400];
	v12 =	vand.u32 $0xFFFFF800, v7  }
0x512: {  	v17 =	vand.u32 $0x380, v17;
	v7 =	vld.idx.msk [tilespmem:v13+s22+$0x0], $0xffff;
	v13 =	vshll.u32 v8, $0x3;
	v12 =	vadd.s32 v12, v11  }
0x513: {  	s31 =	simm.s32 $0x100;
	v15 =	vand.u32 $0xFFFFF800, v15;
	v11 =	vld [tilespmem:s3+$0x400];
	v17 =	vor.u32 v17, v12;
	v18 =	vand.u32 $0xFFFFFC00, v13  }
0x514: {  	s14 =	simm.s32 $0x4;
	s15 =	sand.u32 $0x3FFFFC00, s31;
	s12 =	simm.s32 $0x4;
	v12 =	vld [tilespmem:s10+$0x0];
	v13 =	vor.u32 v14, v17;
	v14 =	vadd.s32 v15, v18;
	v15 =	vand.u32 $0x380, v16  }
.LBB2_7:
0x515: {  	s14 =	sadd.s32 $0x2, s14  }
0x516: {  	s15 =	sadd.s32 s15, s6;
	v8 =	vand.u32 $0x7F, v8;
	v14 =	vor.u32 v15, v14;
	v4 =	vsub.f32 v6, v4;
	v15 =	vld [tilespmem:s1+$0xC00];
	s1 =	smov.u32 s8;
	s11 =	sadd.s32 $0x20, s11  }
0x517: {  	s8 =	sshll.u32 s14, $0x5;
	v16 =	vld [tilespmem:s13+$0xC00];
	v14 =	vor.u32 v8, v14;
	s7 =	sadd.s32 s7, s15;
	s13 =	sand.u32 $0x60, s11  }
0x518: {  	s2 =	sadd.s32 s2, s15;
	v7 =	vsub.f32 v7, v2;
	p1 =	slt.u32 s14, $0x1E;
	s8 =	sand.u32 $0xFFFFFF00, s8;
	v17 =	vand.u32 $0x7F, v10;
	v6 =	vand.u32 $0x7FFFFFFF, v4;
	v2 =	vld [tilespmem:s7+$0x0]  }
0x519: {  	v18 =	vshll.u32 v9, $0x8;
	v19 =	vshll.u32 v9, $0x7;
	s15 =	sor.u32 $0x10, s13;
	s8 =	sadd.s32 s9, s8;
	v4 =	vld [tilespmem:s2+$0x0];
	v21 =	vmul.f32 v6, v3;
	v8 =	vmovc v11;
	s2 =	smov.u32 s4  }
0x51a: {  	s7 =	smov.u32 s5;
	v7 =	vand.u32 $0x7FFFFFFF, v7;
	s4 =	smov.u32 s13;
	s16 =	sor.u32 s15, s8;
	v11 =	vshll.u32 v12, $0x8;
	v20 =	vshll.u32 v8, $0x3;
	v6 =	vld.idx.msk [tilespmem:v13+s22+$0x0], $0xffff  }
.Ltmp2:
0x51b: {  	v10 =	vshll.u32 v10, $0x3;
	s5 =	smov.u32 s15;
	v9 =	vld [tilespmem:s16+$0x0];
	v5 =	vadd.f32 v21, v5;
	v13 =	vmul.f32 v7, v15;
	(pc) =	sbr.rel @p1 .LBB2_7-.Ltmp2, $4  }
0x51c: {  	s15 =	sor.u32 s4, s8;
	v12 =	vshll.u32 v12, $0x7;
	s8 =	smov.u32 s3;
	v11 =	vand.u32 $0xFFFFF800, v11;
	v15 =	vand.u32 $0xFFFFFC00, v10;
	s3 =	smov.u32 s16;
	v7 =	vld.idx.msk [tilespmem:v14+s22+$0x0], $0xffff;
	v3 =	vmovc v16  }
0x51d: {  	s13 =	smov.u32 s10;
	v12 =	vand.u32 $0x380, v12;
	s10 =	smov.u32 s15;
	v14 =	vadd.s32 v11, v15;
	v10 =	vld [tilespmem:s15+$0x400];
	v5 =	vadd.f32 v13, v5  }
0x51e: {  	v15 =	vand.u32 $0xFFFFFC00, v20;
	v13 =	vor.u32 v12, v14;
	s15 =	sshll.u32 s12, $0x7;
	v14 =	vand.u32 $0xFFFFF800, v18;
	s12 =	smov.u32 s14;
	v11 =	vld [tilespmem:s3+$0x400]  }
0x51f: {  	v13 =	vor.u32 v17, v13;
	s15 =	sand.u32 $0x3FFFFC00, s15;
	v14 =	vadd.s32 v14, v15;
	v15 =	vand.u32 $0x380, v19;
	v12 =	vld [tilespmem:s10+$0x0]  }
0x520: {  	_ = 	snop  }
0x521: {  	v8 =	vand.u32 $0x7F, v8  }
0x522: {  	v14 =	vor.u32 v15, v14;
	v15 =	vld [tilespmem:s1+$0xC00];
	v16 =	vshll.u32 v9, $0x8;
	v9 =	vshll.u32 v9, $0x7  }
0x523: {  	v18 =	vld [tilespmem:s13+$0xC00];
	v8 =	vor.u32 v8, v14;
	v14 =	vand.u32 $0x7F, v10;
	v10 =	vshll.u32 v10, $0x3  }
0x524: {  	s11 =	sadd.s32 s15, s6;
	v13 =	vld.idx.msk [tilespmem:v13+s22+$0x0], $0xffff;
	v16 =	vand.u32 $0xFFFFF800, v16;
	v10 =	vand.u32 $0xFFFFFC00, v10;
	v17 =	vshll.u32 v12, $0x8  }
0x525: {  	s30 =	sshll.u32 s12, $0x7;
	v62 =	vld [tilespmem:s3+$0xC00];
	s29 =	sadd.s32 s7, s11;
	v20 =	vshll.u32 v11, $0x3;
	v12 =	vshll.u32 v12, $0x7;
	v17 =	vand.u32 $0xFFFFF800, v17  }
0x526: {  	s2 =	sadd.s32 s2, s11;
	s1 =	sand.u32 $0x3FFFFC00, s30;
	v19 =	vld [tilespmem:s29+$0x0];
	v20 =	vand.u32 $0xFFFFFC00, v20;
	v12 =	vand.u32 $0x380, v12;
	v10 =	vadd.s32 v17, v10  }
0x527: {  	v9 =	vand.u32 $0x380, v9;
	s1 =	sadd.s32 s1, s6;
	v17 =	vld [tilespmem:s2+$0x0];
	v10 =	vor.u32 v12, v10;
	v12 =	vadd.s32 v16, v20  }
0x528: {  	v11 =	vand.u32 $0x7F, v11;
	s31 =	sadd.s32 s5, s1;
	s1 =	sadd.s32 s4, s1;
	v8 =	vld.idx.msk [tilespmem:v8+s22+$0x0], $0xffff;
	v10 =	vor.u32 v14, v10;
	v9 =	vor.u32 v9, v12  }
0x529: {  	s0 =	sadd.s32 @!p0 $0x3, s0;
	v16 =	vld [tilespmem:s1+$0x0];
	v9 =	vor.u32 v11, v9  }
0x52a: {  	s1 =	sshrl.u32 @!p0 s0, $0x4;
	s0 =	sand.u32 @!p0 $0xF, s0;
	v12 =	vld [tilespmem:s8+$0xC00]  }
0x52b: {  	v14 =	vld [tilespmem:s31+$0x0];
	s1 =	sadd.s32 @!p0 s21, s1;
	s0 =	smul.u32 @!p0 $0x9800, s0  }
0x52c: {  	s3 =	simm.s32 $0x0;
	v11 =	vld [tilespmem:s10+$0xC00];
	s1 =	smul.u32 @!p0 $0x98000, s1  }
0x52d: {  	v4 =	vsub.f32 v6, v4;
	s4 =	simm.s32 $0x0;
	s5 =	sand.u32 $0x60, s3;
	v10 =	vld.idx.msk [tilespmem:v10+s22+$0x0], $0xffff  }
0x52e: {  	s2 =	simm.s32 @!p0 $0xE800;
	s0 =	sadd.s32 @!p0 s0, s1;
	v9 =	vld.idx.msk [tilespmem:v9+s22+$0x0], $0xffff;
	_ =	swait.ge [sflag:s25], $0x9800  }
0x52f: {  	v2 =	vsub.f32 v7, v2;
	v4 =	vand.u32 $0x7FFFFFFF, v4;
	s8 =	sand.u32 $0xFFFFFF00, s4;
	s0 =	sshrl.u32 @!p0 s0, $0x3;
	[sflag:s25] =	ssyncset.done $0x0  }
0x530: {  	v3 =	vmul.f32 v4, v3;
	s1 =	simm.s32 @!p0 $0x0;
	s0 =	sadd.s32 @!p0 s20, s0;
	[sflag:s25] =	ssyncadd.s32 $0xFFFF6800  }
0x531: {  	v2 =	vand.u32 $0x7FFFFFFF, v2;
	v4 =	vsub.f32 v13, v17;
	[tilespmem:s2], [sflag:$0x2] =	stream.linear.gather @!p0 [hbm4b:s0+s1], $0x9800, $0x38;
	[tilespmem:$0x18080] =	vst v63  }
0x532: {  	v3 =	vadd.f32 v3, v5;
	v2 =	vmul.f32 v2, v15;
	s10 =	sor.u32 $0x10, s5;
	s0 =	sadd.s32 s9, s8  }
0x533: {  	v5 =	vsub.f32 v8, v19;
	v4 =	vand.u32 $0x7FFFFFFF, v4;
	s15 =	sor.u32 s10, s0  }
0x534: {  	v2 =	vadd.f32 v2, v3;
	v3 =	vmul.f32 v4, v18;
	s28 =	sor.u32 s5, s0;
	v6 =	vld [tilespmem:s15+$0x0]  }
0x535: {  	v5 =	vand.u32 $0x7FFFFFFF, v5;
	v4 =	vld [tilespmem:s28+$0x400]  }
0x536: {  	v2 =	vadd.f32 v3, v2;
	v3 =	vmul.f32 v5, v12;
	v7 =	vld [tilespmem:s28+$0x0]  }
0x537: {  	s14 =	simm.s32 $0x0  }
0x538: {  	s14 =	sand.u32 $0x3FFFFC00, s14;
	v2 =	vadd.f32 v3, v2;
	v3 =	vsub.f32 v10, v16;
	v5 =	vld [tilespmem:s15+$0x400]  }
0x539: {  	s30 =	simm.s32 $0x20;
	s29 =	simm.s32 $0x40;
	s19 =	sadd.s32 s14, s6  }
0x53a: {  	s13 =	sand.u32 $0x60, s30;
	s11 =	sadd.s32 $0x80, s19;
	s0 =	sand.u32 $0xFFFFFF00, s29;
	v3 =	vand.u32 $0x7FFFFFFF, v3;
	v8 =	vand.u32 $0x7F, v4;
	v10 =	vshll.u32 v6, $0x8  }
0x53b: {  	s12 =	sor.u32 $0x10, s13;
	s7 =	sadd.s32 s5, s11;
	s0 =	sadd.s32 s9, s0;
	v6 =	vshll.u32 v6, $0x7;
	v12 =	vshll.u32 v7, $0x8;
	v4 =	vshll.u32 v4, $0x3  }
0x53c: {  	v16 =	vld [tilespmem:s7+$0x0];
	s3 =	sor.u32 s12, s0;
	v7 =	vshll.u32 v7, $0x7;
	v12 =	vand.u32 $0xFFFFF800, v12;
	v4 =	vand.u32 $0xFFFFFC00, v4  }
0x53d: {  	s31 =	sor.u32 s13, s0;
	v13 =	vld [tilespmem:s3+$0x0];
	v15 =	vshll.u32 v5, $0x3;
	v7 =	vand.u32 $0x380, v7;
	v4 =	vadd.s32 v12, v4  }
0x53e: {  	s16 =	simm.s32 $0x80;
	s17 =	simm.s32 $0x40;
	v12 =	vld [tilespmem:s31+$0x400];
	v4 =	vor.u32 v7, v4;
	v7 =	vand.u32 $0xFFFFF800, v10;
	v10 =	vand.u32 $0xFFFFFC00, v15  }
0x53f: {  	s1 =	sand.u32 $0xFFFFFF00, s16;
	s5 =	sadd.s32 s10, s11;
	s0 =	sand.u32 $0x60, s17;
	v6 =	vand.u32 $0x380, v6;
	v4 =	vor.u32 v8, v4;
	v7 =	vadd.s32 v7, v10;
	v8 =	vld [tilespmem:s31+$0x0]  }
0x540: {  	s18 =	sadd.s32 s9, s1;
	v18 =	vld [tilespmem:s5+$0x0];
	s1 =	sor.u32 $0x10, s0;
	v3 =	vmul.f32 v3, v11;
	v5 =	vand.u32 $0x7F, v5;
	v6 =	vor.u32 v6, v7  }
0x541: {  	s2 =	sor.u32 s1, s18;
	v15 =	vld [tilespmem:s3+$0x400];
	v7 =	vsub.f32 v9, v14;
	v5 =	vor.u32 v5, v6  }
0x542: {  	v11 =	vld [tilespmem:s2+$0x0];
	v2 =	vadd.f32 v3, v2;
	v14 =	vshll.u32 v13, $0x8  }
0x543: {  	v10 =	vld [tilespmem:s28+$0xC00];
	v13 =	vshll.u32 v13, $0x7;
	v6 =	vand.u32 $0x7FFFFFFF, v7;
	v9 =	vand.u32 $0x7F, v12  }
0x544: {  	s8 =	sor.u32 s0, s18;
	v12 =	vshll.u32 v12, $0x3;
	v6 =	vmul.f32 v6, v62;
	v4 =	vld.idx.msk [tilespmem:v4+s23+$0x0], $0xffff;
	v3 =	vshll.u32 v8, $0x8  }
0x545: {  	v7 =	vld [tilespmem:s8+$0x400];
	v12 =	vand.u32 $0xFFFFFC00, v12;
	v8 =	vshll.u32 v8, $0x7;
	v3 =	vand.u32 $0xFFFFF800, v3  }
0x546: {  	v17 =	vshll.u32 v15, $0x3;
	v8 =	vand.u32 $0x380, v8;
	v5 =	vld.idx.msk [tilespmem:v5+s23+$0x0], $0xffff;
	v12 =	vadd.s32 v3, v12  }
0x547: {  	s11 =	simm.s32 $0x60;
	s28 =	simm.s32 $0xC0;
	v3 =	vld [tilespmem:s2+$0x400];
	v8 =	vor.u32 v8, v12;
	v12 =	vand.u32 $0xFFFFF800, v14;
	v14 =	vand.u32 $0xFFFFFC00, v17  }
0x548: {  	s5 =	sand.u32 $0x60, s11;
	s7 =	sand.u32 $0xFFFFFF00, s28;
	v17 =	vld [tilespmem:s8+$0x0];
	v19 =	vor.u32 v9, v8;
	v8 =	vadd.s32 v12, v14;
	v9 =	vand.u32 $0x380, v13  }
0x549: {  	s30 =	simm.s32 $0x100;
	s29 =	sadd.s32 s9, s7;
	s7 =	sor.u32 $0x10, s5;
	v12 =	vand.u32 $0x7F, v15;
	v15 =	vld [tilespmem:s15+$0xC00];
	v8 =	vor.u32 v9, v8;
	v4 =	vsub.f32 v4, v16  }
0x54a: {  	s4 =	sor.u32 s7, s29;
	s15 =	sand.u32 $0x3FFFFC00, s30;
	v16 =	vadd.f32 v6, v2;
	v2 =	vld [tilespmem:s31+$0xC00];
	v63 =	vor.u32 v12, v8  }
0x54b: {  	s10 =	sor.u32 s5, s29;
	v13 =	vshll.u32 v11, $0x8;
	v6 =	vld [tilespmem:s4+$0x0];
	s31 =	sadd.s32 s15, s6;
	v4 =	vand.u32 $0x7FFFFFFF, v4;
	v5 =	vsub.f32 v5, v18  }
0x54c: {  	v9 =	vld [tilespmem:s10+$0x400];
	v8 =	vand.u32 $0x7F, v7;
	v12 =	vshll.u32 v11, $0x7;
	s15 =	sadd.s32 $0x80, s31;
	v10 =	vmul.f32 v4, v10  }
0x54d: {  	v14 =	vshll.u32 v3, $0x3;
	s14 =	sadd.s32 s13, s15;
	v18 =	vshll.u32 v17, $0x8;
	v4 =	vld.idx.msk [tilespmem:v19+s23+$0x0], $0xffff;
	v5 =	vand.u32 $0x7FFFFFFF, v5  }
0x54e: {  	s13 =	simm.s32 $0x4;
	v19 =	vshll.u32 v7, $0x3;
	v7 =	vld [tilespmem:s14+$0x0];
	v10 =	vadd.f32 v10, v16;
	v11 =	vmul.f32 v5, v15  }
0x54f: {  	s15 =	sadd.s32 s12, s15;
	s12 =	simm.s32 $0x6;
	v17 =	vshll.u32 v17, $0x7;
	s14 =	simm.s32 $0x6;
	v15 =	vand.u32 $0xFFFFF800, v18;
	v16 =	vand.u32 $0xFFFFFC00, v19;
	v5 =	vld.idx.msk [tilespmem:v63+s23+$0x0], $0xffff  }
.LBB2_9:
0x550: {  	s14 =	sadd.s32 $0x2, s14;
	v19 =	vadd.s32 v15, v16;
	v16 =	vand.u32 $0x380, v17;
	v17 =	vld [tilespmem:s15+$0x0];
	v10 =	vadd.f32 v11, v10;
	v11 =	vmovc v6;
	s15 =	smov.u32 s10  }
0x551: {  	s11 =	sadd.s32 $0x20, s11;
	v13 =	vand.u32 $0xFFFFF800, v13;
	v14 =	vand.u32 $0xFFFFFC00, v14;
	s10 =	sshll.u32 s14, $0x5;
	p0 =	slt.u32 s14, $0x1E;
	v18 =	vld [tilespmem:s4+$0x400];
	v6 =	vor.u32 v16, v19;
	v15 =	vmovc v9  }
0x552: {  	s16 =	sand.u32 $0x60, s11;
	s10 =	sand.u32 $0xFFFFFF00, s10;
	v19 =	vld [tilespmem:s15+$0x0];
	v16 =	vor.u32 v8, v6;
	v6 =	vadd.s32 v13, v14;
	v8 =	vand.u32 $0x380, v12  }
0x553: {  	s13 =	sshll.u32 s13, $0x7;
	v3 =	vand.u32 $0x7F, v3;
	s17 =	sor.u32 $0x10, s16;
	s10 =	sadd.s32 s9, s10;
	v6 =	vor.u32 v8, v6;
	v4 =	vsub.f32 v4, v7;
	v20 =	vld [tilespmem:s3+$0xC00]  }
0x554: {  	s3 =	sand.u32 $0x3FFFFC00, s13;
	s13 =	smov.u32 s12;
	s18 =	sor.u32 s17, s10;
	v21 =	vld [tilespmem:s8+$0xC00];
	v22 =	vor.u32 v3, v6  }
.Ltmp3:
0x555: {  	v8 =	vand.u32 $0x7F, v15;
	s10 =	sor.u32 s16, s10;
	s3 =	sadd.s32 s3, s6;
	v6 =	vld [tilespmem:s18+$0x0];
	v4 =	vand.u32 $0x7FFFFFFF, v4;
	v5 =	vsub.f32 v5, v17;
	(pc) =	sbr.rel @p0 .LBB2_9-.Ltmp3, $4  }
0x556: {  	v13 =	vshll.u32 v11, $0x8;
	v12 =	vshll.u32 v11, $0x7;
	s12 =	smov.u32 s14;
	s19 =	sadd.s32 $0x80, s3;
	s3 =	smov.u32 s2;
	v9 =	vld [tilespmem:s10+$0x400];
	v23 =	vmul.f32 v4, v2;
	v3 =	vmovc v18  }
0x557: {  	s2 =	sadd.s32 s0, s19;
	s0 =	smov.u32 s5;
	s5 =	smov.u32 s16;
	v17 =	vshll.u32 v19, $0x8;
	v14 =	vshll.u32 v3, $0x3;
	v4 =	vld.idx.msk [tilespmem:v16+s23+$0x0], $0xffff;
	v5 =	vand.u32 $0x7FFFFFFF, v5  }
0x558: {  	s8 =	smov.u32 s15;
	v16 =	vshll.u32 v15, $0x3;
	v7 =	vld [tilespmem:s2+$0x0];
	v10 =	vadd.f32 v23, v10;
	v11 =	vmul.f32 v5, v20;
	s2 =	smov.u32 s4;
	s4 =	smov.u32 s18  }
0x559: {  	s15 =	sadd.s32 s1, s19;
	s1 =	smov.u32 s7;
	s7 =	smov.u32 s17;
	v15 =	vand.u32 $0xFFFFF800, v17;
	v16 =	vand.u32 $0xFFFFFC00, v16;
	v17 =	vshll.u32 v19, $0x7;
	v5 =	vld.idx.msk [tilespmem:v22+s23+$0x0], $0xffff;
	v2 =	vmovc v21  }
0x55a: {  	v18 =	vld [tilespmem:s10+$0x0];
	v15 =	vadd.s32 v15, v16  }
0x55b: {  	v47 =	vand.u32 $0x380, v17;
	v13 =	vand.u32 $0xFFFFF800, v13;
	v14 =	vand.u32 $0xFFFFFC00, v14  }
0x55c: {  	v48 =	vld [tilespmem:s4+$0x400];
	v12 =	vand.u32 $0x380, v12;
	v3 =	vand.u32 $0x7F, v3;
	v56 =	vshll.u32 v6, $0x8  }
0x55d: {  	v6 =	vshll.u32 v6, $0x7;
	v15 =	vor.u32 v47, v15;
	v13 =	vadd.s32 v13, v14  }
0x55e: {  	s9 =	sshll.u32 s13, $0x7;
	v50 =	vshll.u32 v9, $0x3;
	v53 =	vand.u32 $0x7F, v9;
	v8 =	vor.u32 v8, v15  }
0x55f: {  	v52 =	vld [tilespmem:s15+$0x0];
	s9 =	sand.u32 $0x3FFFFC00, s9;
	v12 =	vor.u32 v12, v13;
	v13 =	vand.u32 $0xFFFFFC00, v50;
	v49 =	vshll.u32 v18, $0x8  }
0x560: {  	v55 =	vld [tilespmem:s3+$0xC00];
	s29 =	sadd.s32 s9, s6;
	v3 =	vor.u32 v3, v12;
	v51 =	vshll.u32 v18, $0x7;
	v12 =	vand.u32 $0xFFFFF800, v49  }
0x561: {  	v58 =	vld [tilespmem:s8+$0xC00];
	s3 =	sadd.s32 $0x80, s29;
	v57 =	vshll.u32 v48, $0x3;
	v54 =	vand.u32 $0x380, v51;
	v12 =	vadd.s32 v12, v13  }
0x562: {  	s30 =	sshll.u32 s12, $0x7;
	v61 =	vld [tilespmem:s2+$0xC00];
	v16 =	vand.u32 $0xFFFFF800, v56;
	s0 =	sadd.s32 s0, s3;
	v18 =	vand.u32 $0xFFFFFC00, v57;
	v12 =	vor.u32 v54, v12  }
0x563: {  	v6 =	vand.u32 $0x380, v6;
	v60 =	vld [tilespmem:s0+$0x0];
	s0 =	sand.u32 $0x3FFFFC00, s30;
	v59 =	vadd.s32 v16, v18;
	v9 =	vor.u32 v53, v12  }
0x564: {  	v4 =	vsub.f32 v4, v7;
	s1 =	sadd.s32 s1, s3;
	v17 =	vand.u32 $0x7F, v48;
	s0 =	sadd.s32 s0, s6;
	v8 =	vld.idx.msk [tilespmem:v8+s23+$0x0], $0xffff;
	v6 =	vor.u32 v6, v59  }
0x565: {  	v7 =	vld [tilespmem:s1+$0x0];
	s0 =	sadd.s32 $0x80, s0;
	v6 =	vor.u32 v17, v6  }
0x566: {  	v4 =	vand.u32 $0x7FFFFFFF, v4;
	v3 =	vld.idx.msk [tilespmem:v3+s23+$0x0], $0xffff;
	s31 =	sadd.s32 s5, s0  }
0x567: {  	v5 =	vsub.f32 v5, v52;
	v2 =	vmul.f32 v4, v2;
	v4 =	vld [tilespmem:s31+$0x0]  }
0x568: {  	v10 =	vadd.f32 v11, v10;
	s0 =	sadd.s32 s7, s0;
	v9 =	vld.idx.msk [tilespmem:v9+s23+$0x0], $0xffff  }
0x569: {  	v5 =	vand.u32 $0x7FFFFFFF, v5;
	v62 =	vld [tilespmem:s0+$0x0];
	v8 =	vsub.f32 v8, v60  }
0x56a: {  	v2 =	vadd.f32 v2, v10;
	v5 =	vmul.f32 v5, v55;
	v6 =	vld.idx.msk [tilespmem:v6+s23+$0x0], $0xffff  }
0x56b: {  	v63 =	vld [tilespmem:s10+$0xC00];
	v3 =	vsub.f32 v3, v7;
	v8 =	vand.u32 $0x7FFFFFFF, v8  }
0x56c: {  	v2 =	vadd.f32 v5, v2;
	v5 =	vmul.f32 v8, v58  }
0x56d: {  	v7 =	vld [tilespmem:s4+$0xC00];
	v3 =	vand.u32 $0x7FFFFFFF, v3;
	v4 =	vsub.f32 v9, v4  }
0x56e: {  	s26 =	sadd.s32 $0x1, s26;
	v3 =	vmul.f32 v3, v61;
	v2 =	vadd.f32 v5, v2  }
0x56f: {  	p0 =	sne.s32 s26, $0x10;
	v5 =	vsub.f32 v6, v62;
	v4 =	vand.u32 $0x7FFFFFFF, v4  }
.Ltmp4:
0x570: {  	v2 =	vadd.f32 v3, v2;
	v3 =	vmul.f32 v4, v63;
	(pc) =	sbr.rel @p0 .LBB2_6-.Ltmp4, $3  }
0x571: {  	v4 =	vand.u32 $0x7FFFFFFF, v5  }
0x572: {  	v2 =	vadd.f32 v3, v2;
	v3 =	vmul.f32 v4, v7;
	_ =	sdelay $0x1  }
0x573: {  	v5 =	vadd.f32 v3, v2  }
0x574: {  	s0 =	simm.s32 $0x0  }
0x575: {  	s0 =	sand.u32 $0xFFFFFC00, s0  }
0x576: {  	s1 =	simm.s32 $0x0;
	s0 =	ssub.s32 $0x0, s0  }
0x577: {  	s2 =	simm.s32 $0x0;
	s1 =	sand.u32 $0x3FFFFF80, s1;
	s0 =	sand.u32 $0xFFFFFF00, s0  }
0x578: {  	s2 =	sand.u32 $0x40, s2;
	s0 =	sadd.s32 s1, s0  }
0x579: {  	s1 =	sor.u32 s2, s0  }
0x57a: {  	v2 =	vld [tilespmem:s1+$0xC00];
	_ =	sdelay $0x1  }
0x57b: {  	v3 =	vld [tilespmem:s1+$0xC10]  }
0x57c: {  	s30 =	simm.s32 $0x80  }
0x57d: {  	v4 =	vimm.f32 $0.0e+00;
	s0 =	sand.u32 $0xFFFFFC00, s30  }
0x57e: {  	s31 =	simm.s32 $0x10;
	v6 =	vld [tilespmem:s1+$0xC20];
	s0 =	ssub.s32 $0x80, s0;
	v2 =	vadd.f32 v2, v4  }
0x57f: {  	s2 =	sand.u32 $0x3FFFFF80, s31;
	s3 =	sand.u32 $0xFFFFFF00, s0;
	s0 =	simm.s32 $0x40  }
0x580: {  	s4 =	sand.u32 $0x40, s0;
	s2 =	sadd.s32 s2, s3;
	v4 =	vadd.f32 v3, v2;
	v3 =	vld [tilespmem:s1+$0xC30]  }
0x581: {  	s1 =	sor.u32 s4, s2  }
0x582: {  	s11 =	simm.s32 $0x0;
	v2 =	vld [tilespmem:s1+$0xC00]  }
0x583: {  	s3 =	simm.s32 $0x80;
	s2 =	simm.s32 $0x4;
	s4 =	simm.s32 $0x8;
	v4 =	vadd.f32 v6, v4  }
.LBB2_12:
0x584: {  	s5 =	sshll.u32 s4, $0x5;
	v6 =	vld [tilespmem:s1+$0xC10];
	s2 =	sadd.s32 $0x4, s2  }
0x585: {  	s3 =	sadd.s32 $0x80, s3;
	s0 =	sadd.s32 $0x40, s0;
	s5 =	sand.u32 $0xFFFFFC00, s5;
	v3 =	vadd.f32 v3, v4  }
0x586: {  	s6 =	sshll.u32 s2, $0x2;
	p0 =	slt.u32 s2, $0x3C;
	s5 =	ssub.s32 s3, s5;
	v4 =	vld [tilespmem:s1+$0xC20]  }
.Ltmp5:
0x587: {  	s6 =	sand.u32 $0x3FFFFF80, s6;
	s5 =	sand.u32 $0xFFFFFF00, s5;
	v2 =	vadd.f32 v2, v3;
	(pc) =	sbr.rel @p0 .LBB2_12-.Ltmp5, $4  }
0x588: {  	s7 =	sand.u32 $0x40, s0;
	s5 =	sadd.s32 s6, s5;
	v3 =	vld [tilespmem:s1+$0xC30]  }
0x589: {  	s1 =	sor.u32 s7, s5;
	v6 =	vadd.f32 v6, v2  }
0x58a: {  	v2 =	vld [tilespmem:s1+$0xC00]  }
0x58b: {  	s4 =	sadd.s32 $0x4, s4;
	v4 =	vadd.f32 v4, v6  }
0x58c: {  	v6 =	vld [tilespmem:s1+$0xC10]  }
0x58d: {  	v3 =	vadd.f32 v3, v4  }
0x58e: {  	v63 =	vld [tilespmem:s1+$0xC20]  }
0x58f: {  	v2 =	vadd.f32 v2, v3  }
0x590: {  	s0 =	sld [smem:$0x7F6];
	v3 =	vld [tilespmem:s1+$0xC30]  }
0x591: {  	v2 =	vadd.f32 v6, v2  }
0x592: {  	s28 =	simm.s32 $0x18000;
	s2 =	simm.s32 $0x3;
	[tilespmem:$0x18000] =	vst v5  }
0x593: {  	[hbm4b:s0+s11] =	stream.linear.scatter [tilespmem:s28], [sflag:$0x3], $0x80, $0x38;
	v2 =	vadd.f32 v63, v2;
	[tilespmem:$0x18080] =	vst v63  }
0x594: {  	_ =	swait.ge [sflag:s2], $0x80  }
0x595: {  	[sflag:s2] =	ssyncset.done $0x0;
	s29 =	sld [smem:$0x7F7];
	v2 =	vadd.f32 v3, v2  }
0x596: {  	[sflag:s2] =	ssyncadd.s32 $0xFFFFFF80  }
0x597: {  	[tilespmem:$0x18000] =	vst v2  }
0x598: {  	[hbm4b:s29+s11] =	stream.linear.scatter [tilespmem:s28], [sflag:$0x3], $0x80, $0x38;
	[tilespmem:$0x18080] =	vst v63  }
0x599: {  	_ =	swait.ge [sflag:s2], $0x80  }
0x59a: {  	s30 =	sld [smem:$0x786]  }
0x59b: {  	s31 =	sld [smem:$0x7F8];
	_ =	sdelay $0x1  }
0x59c: {  	s1 =	sadd.s32 $0x1, s30  }
0x59d: {  	p0 =	sne.s32 s1, s31  }
.Ltmp6:
0x59e: {  	_ = 	snop;
	(pc) =	sbr.rel @p0 .LBB2_1-.Ltmp6, $3  }
0x59f: {  	_ =	sdelay $0x1  }
0x5a0: {  	[sflag:s2] =	ssyncset.done $0x0  }
0x5a1: {  	[sflag:s2] =	ssyncadd.s32 $0xFFFFFF80  }
0x5a2: {  	_ =	sfence.sel $0x180000  }
0x5a3: {  	[bflag:$0x0] =	sbarrier.arrive $0xFFFF  }
0x5a4: {  	_ =	strace $0x90000047  }
0x5a5: {  	s0 =	stileid.u32;
	[bflag:$0x2] =	sbarrier.arrive $0xFFFF  }
0x5a6: {  	p0 =	sne.s32 s0, $0x0;
	s0 =	rddreg [dreg:$0x5]  }
0x5a7: {  	s0 =	sadd.s32 @!p0 $0x100000, s0  }
0x5a8: {  	[sflag:s0] =	ssyncadd.tile.s32 @!p0 $0x1;
	_ =	shalt  }
.Lfunc_end2:
_tile_overlayer_lowered:
.L_overlay_start_2:
0x5a9: {  	(tag) =	ssettag $0x2  }
0x5aa: {  	s0 =	rddreg [dreg:$0x0];
	s2 =	stileid.u32  }
0x5ab: {  	s1 =	rddreg [dreg:$0x1];
	p0 =	sne.s32 s2, $0x0  }
0x5ac: {  	s3 =	rddreg [dreg:$0x2];
	[bflag:$0x3] =	sbarrier.arrive $0xFFFF;
	s2 =	simm.s32 @!p0 $0x1C03  }
0x5ad: {  	[timem:s3], [sflag:s2] =	dma.local @!p0 [hbm:s0], s1  }
0x5ae: {  	s0 =	simm.s32 @!p0 $0x3  }
0x5af: {  	_ =	swait.ge @!p0 [sflag:s0], s1  }
0x5b0: {  	s1 =	ssub.s32 @!p0 $0x0, s1;
	[sflag:s0] =	ssyncset.done @!p0 $0x0  }
0x5b1: {  	[sflag:s0] =	ssyncadd.s32 @!p0 s1  }
0x5b2: {  	[bflag:$0x3] =	sbarrier.arrive $0xFFFF  }
0x5b3: {  	_ =	shalt  }

</sc_bundles>
